<compile_context>
chip_gen: v7x
topology: tpu7x:2x2x1
jax: 0.10.2.dev20260603
libtpu: 0.0.44.dev20260713+nightly
codegen_flags: <defaults>
</compile_context>

<pallas_src>
import functools

import jax
import jax.numpy as jnp
from jax import lax
from jax.experimental import pallas as pl
from jax.experimental.pallas import tpu as pltpu
from jax.experimental.pallas import tpu_sc as plsc

_NC = 2
_NS = 16
_BN_EPS = 1e-5


def _sc_agg(h, src1d, dst1d):
    N, D = h.shape
    (Ep,) = src1d.shape
    CH = 128
    NW = _NC * _NS
    EPW = Ep // NW
    RPW = EPW // CH
    REM = EPW - RPW * CH
    Np = (N // 128 + 1) * 128
    rpt = Np // _NS
    ZR = 128
    mesh = plsc.VectorSubcoreMesh(core_axis_name="c", subcore_axis_name="s")

    @functools.partial(
        pl.kernel, mesh=mesh,
        out_type=jax.ShapeDtypeStruct((_NC * Np, D), jnp.float32),
        scratch_types=[
            pltpu.VMEM((CH,), jnp.int32),
            pltpu.VMEM((CH,), jnp.int32),
            pltpu.VMEM((CH,), jnp.int32),
            pltpu.VMEM((CH,), jnp.int32),
            pltpu.VMEM((CH, D), jnp.float32),
            pltpu.VMEM((CH, D), jnp.float32),
            pltpu.VMEM((16,), jnp.int32),
            pltpu.VMEM_SHARED((Np, D), jnp.float32),
            pltpu.SemaphoreType.DMA,
            pltpu.SemaphoreType.DMA,
            pltpu.SemaphoreType.DMA,
            pltpu.SemaphoreType.DMA,
        ],
    )
    def k(h_hbm, src_hbm, dst_hbm, out_hbm, sidx0, sidx1, didx0, didx1,
          rows0, rows1, didxr, acc, isem0, isem1, gsem0, gsem1):
        c = lax.axis_index("c")
        s = lax.axis_index("s")
        wid = s * _NC + c
        rows = (rows0, rows1)
        sidx = (sidx0, sidx1)
        didx = (didx0, didx1)
        isem = (isem0, isem1)
        gsem = (gsem0, gsem1)
        ebase = wid * EPW

        def start_ifetch(j, b):
            off = ebase + j * CH
            pltpu.async_copy(src_hbm.at[pl.ds(off, CH)], sidx[b], isem[b])
            pltpu.async_copy(dst_hbm.at[pl.ds(off, CH)], didx[b], isem[b])

        def wait_ifetch(j, b):
            off = ebase + j * CH
            pltpu.make_async_copy(src_hbm.at[pl.ds(off, CH)], sidx[b],
                                  isem[b]).wait()
            pltpu.make_async_copy(dst_hbm.at[pl.ds(off, CH)], didx[b],
                                  isem[b]).wait()

        def start_gather(j, b):
            pltpu.async_copy(h_hbm.at[sidx[b]], rows[b], gsem[b])

        def wait_gather(j, b):
            pltpu.make_async_copy(h_hbm.at[sidx[b]], rows[b], gsem[b]).wait()

        start_ifetch(0, 0)
        start_ifetch(1, 1)

        def zrow(i, carry):
            def zcol(j, carry2):
                rows0[i, pl.ds(j * 16, 16)] = jnp.zeros((16,), jnp.float32)
                return carry2
            return lax.fori_loop(0, D // 16, zcol, carry)
        lax.fori_loop(0, ZR, zrow, 0)
        r0 = s * rpt

        def zcopy(t, carry):
            pltpu.sync_copy(rows0, acc.at[pl.ds(r0 + t * ZR, ZR)])
            return carry
        lax.fori_loop(0, rpt // ZR, zcopy, 0)
        if rpt % ZR:
            pltpu.sync_copy(rows0.at[pl.ds(0, rpt % ZR)],
                            acc.at[pl.ds(r0 + (rpt // ZR) * ZR, rpt % ZR)])

        wait_ifetch(0, 0)
        start_gather(0, 0)
        plsc.subcore_barrier()

        def body(i, carry):
            for b in range(2):
                j = 2 * i + b

                @pl.when(j + 1 < RPW)
                def _():
                    wait_ifetch(j + 1, 1 - b)
                    start_gather(j + 1, 1 - b)
                wait_gather(j, b)
                pltpu.sync_copy(rows[b], acc.at[didx[b]], add=True)

                @pl.when(j + 2 < RPW)
                def _():
                    start_ifetch(j + 2, b)
            return carry
        lax.fori_loop(0, RPW // 2, body, 0)
        if RPW % 2:
            j = RPW - 1
            b = (RPW - 1) % 2
            wait_gather(j, b)
            pltpu.sync_copy(rows[b], acc.at[didx[b]], add=True)
        if REM:
            toff = ebase + RPW * CH
            pltpu.sync_copy(src_hbm.at[pl.ds(toff, REM)],
                            sidx0.at[pl.ds(0, REM)])
            pltpu.sync_copy(dst_hbm.at[pl.ds(toff, REM)], didxr)
            pltpu.async_copy(h_hbm.at[sidx0.at[pl.ds(0, REM)]],
                             rows0.at[pl.ds(0, REM)], gsem0).wait()
            pltpu.sync_copy(rows0.at[pl.ds(0, REM)], acc.at[didxr],
                            add=True)

        plsc.subcore_barrier()

        pltpu.sync_copy(acc.at[pl.ds(r0, rpt)],
                        out_hbm.at[pl.ds(c * Np + r0, rpt)])

    return k(h, src1d, dst1d).reshape(_NC, Np, D)


def _layer_call(h, agg2, w1f, b1f, w2, b2):
    N, D = h.shape
    bk = 2000
    nb = N // bk

    def kern(h_ref, a0_ref, a1_ref, w1_ref, b1_ref, w2_ref, b2_ref, o_ref):
        z = h_ref[...] + a0_ref[0] + a1_ref[0]
        t = jnp.dot(z, w1_ref[...], preferred_element_type=jnp.float32)
        t = jnp.maximum(t + b1_ref[...], 0.0)
        t = jnp.dot(t, w2_ref[...], preferred_element_type=jnp.float32)
        o_ref[...] = jnp.maximum(t + b2_ref[...], 0.0)

    return pl.pallas_call(
        kern,
        grid=(nb,),
        in_specs=[
            pl.BlockSpec((bk, D), lambda i: (i, 0)),
            pl.BlockSpec((1, bk, D), lambda i: (0, i, 0)),
            pl.BlockSpec((1, bk, D), lambda i: (1, i, 0)),
            pl.BlockSpec((D, D), lambda i: (0, 0)),
            pl.BlockSpec((1, D), lambda i: (0, 0)),
            pl.BlockSpec((D, D), lambda i: (0, 0)),
            pl.BlockSpec((1, D), lambda i: (0, 0)),
        ],
        out_specs=pl.BlockSpec((bk, D), lambda i: (i, 0)),
        out_shape=jax.ShapeDtypeStruct((N, D), jnp.float32),
    )(h, agg2, agg2, w1f, b1f, w2, b2)


def _final_call(h, agg2, w1f, b1f, w2, b2, batch3, G,
                mw1, mb1, mw2, mb2):
    N, D = h.shape
    D_OUT = mw2.shape[1]
    bk = 2000
    nb = N // bk

    def kern(h_ref, a0_ref, a1_ref, w1_ref, b1_ref, w2_ref, b2_ref, bt_ref,
             mw1_ref, mb1_ref, mw2_ref, mb2_ref, o_ref, pooled):
        i = pl.program_id(0)

        @pl.when(i == 0)
        def _():
            pooled[...] = jnp.zeros_like(pooled)

        z = h_ref[...] + a0_ref[0] + a1_ref[0]
        t = jnp.dot(z, w1_ref[...], preferred_element_type=jnp.float32)
        t = jnp.maximum(t + b1_ref[...], 0.0)
        t = jnp.dot(t, w2_ref[...], preferred_element_type=jnp.float32)
        h3 = jnp.maximum(t + b2_ref[...], 0.0)

        b = bt_ref[0, 0, :]
        onehot = (b[None, :] == lax.broadcasted_iota(jnp.int32, (G, bk), 0)
                  ).astype(jnp.float32)
        pooled[...] += jnp.dot(onehot, h3, preferred_element_type=jnp.float32)

        @pl.when(i == nb - 1)
        def _():
            y = jnp.dot(pooled[...], mw1_ref[...],
                        preferred_element_type=jnp.float32)
            y = jnp.maximum(y + mb1_ref[...], 0.0)
            o_ref[...] = jnp.dot(y, mw2_ref[...],
                                 preferred_element_type=jnp.float32) + mb2_ref[...]

    return pl.pallas_call(
        kern,
        grid=(nb,),
        in_specs=[
            pl.BlockSpec((bk, D), lambda i: (i, 0)),
            pl.BlockSpec((1, bk, D), lambda i: (0, i, 0)),
            pl.BlockSpec((1, bk, D), lambda i: (1, i, 0)),
            pl.BlockSpec((D, D), lambda i: (0, 0)),
            pl.BlockSpec((1, D), lambda i: (0, 0)),
            pl.BlockSpec((D, D), lambda i: (0, 0)),
            pl.BlockSpec((1, D), lambda i: (0, 0)),
            pl.BlockSpec((1, 1, bk), lambda i: (i, 0, 0)),
            pl.BlockSpec((D, D), lambda i: (0, 0)),
            pl.BlockSpec((1, D), lambda i: (0, 0)),
            pl.BlockSpec((D, D_OUT), lambda i: (0, 0)),
            pl.BlockSpec((1, D_OUT), lambda i: (0, 0)),
        ],
        out_specs=pl.BlockSpec((G, D_OUT), lambda i: (0, 0)),
        out_shape=jax.ShapeDtypeStruct((G, D_OUT), jnp.float32),
        scratch_shapes=[pltpu.VMEM((G, D), jnp.float32)],
    )(h, agg2, agg2, w1f, b1f, w2, b2, batch3,
      mw1, mb1, mw2, mb2)


def kernel(x, edge_index, batch,
           gin_w1_0, gin_b1_0, gin_g_0, gin_be_0, gin_w2_0, gin_b2_0,
           gin_w1_1, gin_b1_1, gin_g_1, gin_be_1, gin_w2_1, gin_b2_1,
           gin_w1_2, gin_b1_2, gin_g_2, gin_be_2, gin_w2_2, gin_b2_2,
           mlp_w1, mlp_b1, mlp_w2, mlp_b2):
    N, D = x.shape
    G = 64
    bk = 2000
    nb = N // bk
    src = edge_index[0]
    dst = edge_index[1]
    batch3 = batch.reshape(nb, 1, bk)

    params = []
    for (w1, b1, g, be, w2, b2) in (
        (gin_w1_0, gin_b1_0, gin_g_0, gin_be_0, gin_w2_0, gin_b2_0),
        (gin_w1_1, gin_b1_1, gin_g_1, gin_be_1, gin_w2_1, gin_b2_1),
        (gin_w1_2, gin_b1_2, gin_g_2, gin_be_2, gin_w2_2, gin_b2_2),
    ):
        scale = g / jnp.sqrt(1.0 + _BN_EPS)
        w1f = w1 * scale[None, :]
        b1f = (b1 * scale + be)[None, :]
        params.append((w1f, b1f, w2, b2[None, :]))

    h = x
    for i in range(2):
        agg2 = _sc_agg(h, src, dst)
        w1f, b1f, w2, b2 = params[i]
        h = _layer_call(h, agg2, w1f, b1f, w2, b2)

    agg2 = _sc_agg(h, src, dst)
    w1f, b1f, w2, b2 = params[2]
    return _final_call(h, agg2, w1f, b1f, w2, b2, batch3, G,
                       mlp_w1, mlp_b1[None, :], mlp_w2, mlp_b2[None, :])

# --- scband reference (transcript-rebuilt; emitter-appended) ---
"""Pipeline reference for scband-baseline-gin-64811056497271 (READ-ONLY COPY).

The authoritative reference and input builder live on the scoring server;
editing this copy changes nothing except your own understanding.
"""

import jax, jax.numpy as jnp
import numpy as np

N = 10000
E = 320000
D_IN = 128
H = 128
D_OUT = 128
G = 64
BN_EPS = 1e-5


def _mlp_block(x, w1, b1, g, be, w2, b2):
    # pyg MLP([in, h, h], dropout=0.5): Linear -> BatchNorm -> ReLU -> Dropout -> Linear (plain last)
    h = x @ w1 + b1
    # BatchNorm1d in eval mode with running_mean=0, running_var=1 (fresh init)
    h = (h / jnp.sqrt(1.0 + BN_EPS)) * g + be
    h = jax.nn.relu(h)
    # dropout: eval mode -> identity
    h = h @ w2 + b2
    return h


def setup_inputs(seed: int = 0) -> dict:
    key = jax.random.key(seed)
    keys = jax.random.split(key, 32)
    inp = {}
    inp["x"] = jax.random.normal(keys[0], (N, D_IN), dtype=jnp.float32)
    inp["edge_index"] = jax.random.randint(keys[1], (2, E), 0, N, dtype=jnp.int32)
    inp["batch"] = jnp.sort(jax.random.randint(keys[2], (N,), 0, G, dtype=jnp.int32))
    k = 3
    in_c = D_IN
    for i in range(3):
        s1 = 1.0 / np.sqrt(in_c)
        inp[f"gin_w1_{i}"] = jax.random.uniform(keys[k], (in_c, H), jnp.float32, -s1, s1); k += 1
        inp[f"gin_b1_{i}"] = jnp.zeros((H,), jnp.float32)
        inp[f"gin_g_{i}"] = jnp.ones((H,), jnp.float32)
        inp[f"gin_be_{i}"] = jnp.zeros((H,), jnp.float32)
        s2 = 1.0 / np.sqrt(H)
        inp[f"gin_w2_{i}"] = jax.random.uniform(keys[k], (H, H), jnp.float32, -s2, s2); k += 1
        inp[f"gin_b2_{i}"] = jnp.zeros((H,), jnp.float32)
        in_c = H
    s = 1.0 / np.sqrt(H)
    inp["mlp_w1"] = jax.random.uniform(keys[k], (H, H), jnp.float32, -s, s); k += 1
    inp["mlp_b1"] = jnp.zeros((H,), jnp.float32)
    inp["mlp_w2"] = jax.random.uniform(keys[k], (H, D_OUT), jnp.float32, -s, s); k += 1
    inp["mlp_b2"] = jnp.zeros((D_OUT,), jnp.float32)
    return inp


def reference(x, edge_index, batch,
              gin_w1_0, gin_b1_0, gin_g_0, gin_be_0, gin_w2_0, gin_b2_0,
              gin_w1_1, gin_b1_1, gin_g_1, gin_be_1, gin_w2_1, gin_b2_1,
              gin_w1_2, gin_b1_2, gin_g_2, gin_be_2, gin_w2_2, gin_b2_2,
              mlp_w1, mlp_b1, mlp_w2, mlp_b2):
    src = edge_index[0]
    dst = edge_index[1]
    params = [
        (gin_w1_0, gin_b1_0, gin_g_0, gin_be_0, gin_w2_0, gin_b2_0),
        (gin_w1_1, gin_b1_1, gin_g_1, gin_be_1, gin_w2_1, gin_b2_1),
        (gin_w1_2, gin_b1_2, gin_g_2, gin_be_2, gin_w2_2, gin_b2_2),
    ]
    h = x
    for (w1, b1, g, be, w2, b2) in params:
        # GINConv, train_eps=False -> eps = 0: nn((1+eps)*x + sum_{j in N(i)} x_j)
        agg = jnp.zeros_like(h).at[dst].add(h[src])
        z = h + agg
        z = _mlp_block(z, w1, b1, g, be, w2, b2)
        h = jax.nn.relu(z)  # outer ReLU in BaselineGIN.forward
    # global_add_pool
    pooled = jax.ops.segment_sum(h, batch, num_segments=G)
    # final pyg MLP([h, h, out], norm=None): Linear -> ReLU -> Dropout(eval) -> Linear
    y = jax.nn.relu(pooled @ mlp_w1 + mlp_b1)
    out = y @ mlp_w2 + mlp_b2
    return out

if __name__ == "__main__":
    import jax
    _d = setup_inputs()
    print(jax.jit(kernel)(*tuple(_d.values())))

</pallas_src>

<mosaic_0001>
#map = affine_map<(d0, d1) -> (0, 0)>
#map1 = affine_map<(d0, d1) -> (0)>
module attributes {stable_mosaic.version = 14 : i64} {
  func.func @k(%arg0: i32, %arg1: i32, %arg2: memref<10000x128xf32, #tpu.memory_space<hbm>>, %arg3: memref<320000xi32, #tpu.memory_space<hbm>>, %arg4: memref<320000xi32, #tpu.memory_space<hbm>>, %arg5: memref<20224x128xf32, #tpu.memory_space<hbm>>, %arg6: memref<128xi32, #tpu.memory_space<vmem>>, %arg7: memref<128xi32, #tpu.memory_space<vmem>>, %arg8: memref<128xi32, #tpu.memory_space<vmem>>, %arg9: memref<128xi32, #tpu.memory_space<vmem>>, %arg10: memref<128x128xf32, #tpu.memory_space<vmem>>, %arg11: memref<128x128xf32, #tpu.memory_space<vmem>>, %arg12: memref<16xi32, #tpu.memory_space<vmem>>, %arg13: memref<10112x128xf32, #tpu.memory_space<vmem_shared>>, %arg14: memref<!tpu.dma_semaphore, #tpu.memory_space<semaphore_mem>>, %arg15: memref<!tpu.dma_semaphore, #tpu.memory_space<semaphore_mem>>, %arg16: memref<!tpu.dma_semaphore, #tpu.memory_space<semaphore_mem>>, %arg17: memref<!tpu.dma_semaphore, #tpu.memory_space<semaphore_mem>>) attributes {dimension_semantics = [#tpu.dimension_semantics<core_parallel>, #tpu.dimension_semantics<subcore_parallel>], iteration_bounds = array<i64: 2, 16>, scalar_prefetch = 0 : i64, scratch_operands = 12 : i64, tpu.core_type = #tpu.core_type<sc_vector_subcore>, window_params = [{transform_indices = #map}, {transform_indices = #map1}, {transform_indices = #map1}, {transform_indices = #map}]} {
    %mul3A = arith.constant 2 : i32
    %mul3A_0 = arith.muli %arg1, %mul3A : i32
    %add3A = arith.addi %mul3A_0, %arg0 : i32
    %mul3A_1 = arith.constant 10000 : i32
    %mul3A_2 = arith.muli %add3A, %mul3A_1 : i32
    %add3A_3 = arith.constant 0 : i32
    %add3A_4 = arith.addi %mul3A_2, %add3A_3 : i32
    %dma_start3A = tpu.memref_slice %arg3[%add3A_4] : memref<320000xi32, #tpu.memory_space<hbm>> -> memref<128xi32, #tpu.memory_space<hbm>>
    %dma_start3A_5 = tpu.memref_slice %arg3[%add3A_4] : memref<320000xi32, #tpu.memory_space<hbm>> -> memref<128xi32, #tpu.memory_space<hbm>>
    tpu.enqueue_dma source(%dma_start3A_5 : memref<128xi32, #tpu.memory_space<hbm>>) target(%arg6 : memref<128xi32, #tpu.memory_space<vmem>>) target_semaphore(%arg14 : memref<!tpu.dma_semaphore, #tpu.memory_space<semaphore_mem>>)
    %dma_start3A_6 = tpu.memref_slice %arg4[%add3A_4] : memref<320000xi32, #tpu.memory_space<hbm>> -> memref<128xi32, #tpu.memory_space<hbm>>
    %dma_start3A_7 = tpu.memref_slice %arg4[%add3A_4] : memref<320000xi32, #tpu.memory_space<hbm>> -> memref<128xi32, #tpu.memory_space<hbm>>
    tpu.enqueue_dma source(%dma_start3A_7 : memref<128xi32, #tpu.memory_space<hbm>>) target(%arg8 : memref<128xi32, #tpu.memory_space<vmem>>) target_semaphore(%arg14 : memref<!tpu.dma_semaphore, #tpu.memory_space<semaphore_mem>>)
    %add3A_8 = arith.constant 128 : i32
    %add3A_9 = arith.addi %mul3A_2, %add3A_8 : i32
    %dma_start3A_10 = tpu.memref_slice %arg3[%add3A_9] : memref<320000xi32, #tpu.memory_space<hbm>> -> memref<128xi32, #tpu.memory_space<hbm>>
    %dma_start3A_11 = tpu.memref_slice %arg3[%add3A_9] : memref<320000xi32, #tpu.memory_space<hbm>> -> memref<128xi32, #tpu.memory_space<hbm>>
    tpu.enqueue_dma source(%dma_start3A_11 : memref<128xi32, #tpu.memory_space<hbm>>) target(%arg7 : memref<128xi32, #tpu.memory_space<vmem>>) target_semaphore(%arg15 : memref<!tpu.dma_semaphore, #tpu.memory_space<semaphore_mem>>)
    %dma_start3A_12 = tpu.memref_slice %arg4[%add3A_9] : memref<320000xi32, #tpu.memory_space<hbm>> -> memref<128xi32, #tpu.memory_space<hbm>>
    %dma_start3A_13 = tpu.memref_slice %arg4[%add3A_9] : memref<320000xi32, #tpu.memory_space<hbm>> -> memref<128xi32, #tpu.memory_space<hbm>>
    tpu.enqueue_dma source(%dma_start3A_13 : memref<128xi32, #tpu.memory_space<hbm>>) target(%arg9 : memref<128xi32, #tpu.memory_space<vmem>>) target_semaphore(%arg15 : memref<!tpu.dma_semaphore, #tpu.memory_space<semaphore_mem>>)
    %scan3A = arith.constant 0 : i32
    %scan3A_14 = arith.constant 0 : i32
    %scan3A_15 = arith.constant 128 : i32
    %scan3A_16 = arith.addi %scan3A_14, %scan3A_15 : i32
    %scan3A_17 = arith.constant 1 : i32
    scf.for %scan3A_65 = %scan3A_14 to %scan3A_16 step %scan3A_17  : i32 {
      %scan3A_66 = arith.constant 0 : i32
      %scan3A_67 = arith.constant 8 : i32
      %scan3A_68 = arith.addi %scan3A_66, %scan3A_67 : i32
      %scan3A_69 = arith.constant 1 : i32
      scf.for %scan3A_71 = %scan3A_66 to %scan3A_68 step %scan3A_69  : i32 {
        %broadcast_in_dim3A = arith.constant 0.000000e+00 : f32
        %broadcast_in_dim3A_72 = vector.broadcast %broadcast_in_dim3A : f32 to vector<16xf32>
        %mul3A_73 = arith.constant 16 : i32
        %mul3A_74 = arith.muli %scan3A_71, %mul3A_73 : i32
        %swap3A = arith.index_cast %scan3A_65 : i32 to index
        %swap3A_75 = arith.index_cast %mul3A_74 : i32 to index
        %swap3A_76 = tpu.vector_load %arg10[%swap3A, %swap3A_75] {strides = array<i32>} : memref<128x128xf32, #tpu.memory_space<vmem>>, vector<1x16xf32>,
        %swap3A_77 = vector.shape_cast %swap3A_76 : vector<1x16xf32> to vector<16xf32>
        %swap3A_78 = vector.shape_cast %broadcast_in_dim3A_72 : vector<16xf32> to vector<1x16xf32>
        tpu.vector_store %arg10[%swap3A, %swap3A_75], %swap3A_78 {strides = array<i32>} : memref<128x128xf32, #tpu.memory_space<vmem>>, vector<1x16xf32>,
      }
      %scan3A_70 = arith.constant 8 : i32
    }
    %scan3A_18 = arith.constant 128 : i32
    %mul3A_19 = arith.constant 632 : i32
    %mul3A_20 = arith.muli %arg1, %mul3A_19 : i32
    %scan3A_21 = arith.constant 0 : i32
    %scan3A_22 = arith.constant 0 : i32
    %scan3A_23 = arith.constant 4 : i32
    %scan3A_24 = arith.addi %scan3A_22, %scan3A_23 : i32
    %scan3A_25 = arith.constant 1 : i32
    scf.for %scan3A_65 = %scan3A_22 to %scan3A_24 step %scan3A_25  : i32 {
      %mul3A_66 = arith.constant 128 : i32
      %mul3A_67 = arith.muli %scan3A_65, %mul3A_66 : i32
      %add3A_68 = arith.addi %mul3A_20, %mul3A_67 : i32
      "tpu.region"() ({
        %run_scoped3A = tpu.sem_alloc : memref<!tpu.dma_semaphore, #tpu.memory_space<semaphore_mem>>
        %dma_start3A_69 = arith.constant 0 : i32
        %dma_start3A_70 = tpu.memref_slice %arg13[%add3A_68, %dma_start3A_69] : memref<10112x128xf32, #tpu.memory_space<vmem_shared>> -> memref<128x128xf32, #tpu.memory_space<vmem_shared>>
        %dma_start3A_71 = arith.constant 0 : i32
        %dma_start3A_72 = tpu.memref_slice %arg13[%add3A_68, %dma_start3A_71] : memref<10112x128xf32, #tpu.memory_space<vmem_shared>> -> memref<128x128xf32, #tpu.memory_space<vmem_shared>>
        tpu.enqueue_dma source(%arg10 : memref<128x128xf32, #tpu.memory_space<vmem>>) target(%dma_start3A_72 : memref<128x128xf32, #tpu.memory_space<vmem_shared>>) target_semaphore(%run_scoped3A : memref<!tpu.dma_semaphore, #tpu.memory_space<semaphore_mem>>)
        %dma_wait3A_73 = arith.constant 0 : i32
        %dma_wait3A_74 = tpu.memref_slice %arg13[%add3A_68, %dma_wait3A_73] : memref<10112x128xf32, #tpu.memory_space<vmem_shared>> -> memref<128x128xf32, #tpu.memory_space<vmem_shared>>
        %dma_wait3A_75 = arith.constant 0 : i32
        %dma_wait3A_76 = tpu.memref_slice %arg13[%add3A_68, %dma_wait3A_75] : memref<10112x128xf32, #tpu.memory_space<vmem_shared>> -> memref<128x128xf32, #tpu.memory_space<vmem_shared>>
        tpu.wait_dma2 semaphore(%run_scoped3A : memref<!tpu.dma_semaphore, #tpu.memory_space<semaphore_mem>>) src(%arg10 : memref<128x128xf32, #tpu.memory_space<vmem>>) dst(%dma_wait3A_76 : memref<128x128xf32, #tpu.memory_space<vmem_shared>>)
        tpu.yield
      }) : () -> ()
    }
    %scan3A_26 = arith.constant 4 : i32
    %add3A_27 = arith.constant 512 : i32
    %add3A_28 = arith.addi %mul3A_20, %add3A_27 : i32
    "tpu.region"() ({
      %run_scoped3A = tpu.sem_alloc : memref<!tpu.dma_semaphore, #tpu.memory_space<semaphore_mem>>
      %dma_start3A_65 = arith.constant 0 : i32
      %dma_start3A_66 = arith.constant 0 : i32
      %dma_start3A_67 = tpu.memref_slice %arg10[%dma_start3A_65, %dma_start3A_66] : memref<128x128xf32, #tpu.memory_space<vmem>> -> memref<120x128xf32, #tpu.memory_space<vmem>>
      %dma_start3A_68 = arith.constant 0 : i32
      %dma_start3A_69 = tpu.memref_slice %arg13[%add3A_28, %dma_start3A_68] : memref<10112x128xf32, #tpu.memory_space<vmem_shared>> -> memref<120x128xf32, #tpu.memory_space<vmem_shared>>
      %dma_start3A_70 = arith.constant 0 : i32
      %dma_start3A_71 = tpu.memref_slice %arg13[%add3A_28, %dma_start3A_70] : memref<10112x128xf32, #tpu.memory_space<vmem_shared>> -> memref<120x128xf32, #tpu.memory_space<vmem_shared>>
      %dma_start3A_72 = arith.constant 0 : i32
      %dma_start3A_73 = arith.constant 0 : i32
      %dma_start3A_74 = tpu.memref_slice %arg10[%dma_start3A_72, %dma_start3A_73] : memref<128x128xf32, #tpu.memory_space<vmem>> -> memref<120x128xf32, #tpu.memory_space<vmem>>
      tpu.enqueue_dma source(%dma_start3A_74 : memref<120x128xf32, #tpu.memory_space<vmem>>) target(%dma_start3A_71 : memref<120x128xf32, #tpu.memory_space<vmem_shared>>) target_semaphore(%run_scoped3A : memref<!tpu.dma_semaphore, #tpu.memory_space<semaphore_mem>>)
      %dma_wait3A_75 = arith.constant 0 : i32
      %dma_wait3A_76 = arith.constant 0 : i32
      %dma_wait3A_77 = tpu.memref_slice %arg10[%dma_wait3A_75, %dma_wait3A_76] : memref<128x128xf32, #tpu.memory_space<vmem>> -> memref<120x128xf32, #tpu.memory_space<vmem>>
      %dma_wait3A_78 = arith.constant 0 : i32
      %dma_wait3A_79 = tpu.memref_slice %arg13[%add3A_28, %dma_wait3A_78] : memref<10112x128xf32, #tpu.memory_space<vmem_shared>> -> memref<120x128xf32, #tpu.memory_space<vmem_shared>>
      %dma_wait3A_80 = arith.constant 0 : i32
      %dma_wait3A_81 = tpu.memref_slice %arg13[%add3A_28, %dma_wait3A_80] : memref<10112x128xf32, #tpu.memory_space<vmem_shared>> -> memref<120x128xf32, #tpu.memory_space<vmem_shared>>
      %dma_wait3A_82 = arith.constant 0 : i32
      %dma_wait3A_83 = arith.constant 0 : i32
      %dma_wait3A_84 = tpu.memref_slice %arg10[%dma_wait3A_82, %dma_wait3A_83] : memref<128x128xf32, #tpu.memory_space<vmem>> -> memref<120x128xf32, #tpu.memory_space<vmem>>
      tpu.wait_dma2 semaphore(%run_scoped3A : memref<!tpu.dma_semaphore, #tpu.memory_space<semaphore_mem>>) src(%dma_wait3A_84 : memref<120x128xf32, #tpu.memory_space<vmem>>) dst(%dma_wait3A_81 : memref<120x128xf32, #tpu.memory_space<vmem_shared>>)
      tpu.yield
    }) : () -> ()
    %add3A_29 = arith.constant 0 : i32
    %add3A_30 = arith.addi %mul3A_2, %add3A_29 : i32
    %dma_wait3A = tpu.memref_slice %arg3[%add3A_30] : memref<320000xi32, #tpu.memory_space<hbm>> -> memref<128xi32, #tpu.memory_space<hbm>>
    %dma_wait3A_31 = tpu.memref_slice %arg3[%add3A_30] : memref<320000xi32, #tpu.memory_space<hbm>> -> memref<128xi32, #tpu.memory_space<hbm>>
    tpu.wait_dma2 semaphore(%arg14 : memref<!tpu.dma_semaphore, #tpu.memory_space<semaphore_mem>>) src(%dma_wait3A_31 : memref<128xi32, #tpu.memory_space<hbm>>) dst(%arg6 : memref<128xi32, #tpu.memory_space<vmem>>)
    %dma_wait3A_32 = tpu.memref_slice %arg4[%add3A_30] : memref<320000xi32, #tpu.memory_space<hbm>> -> memref<128xi32, #tpu.memory_space<hbm>>
    %dma_wait3A_33 = tpu.memref_slice %arg4[%add3A_30] : memref<320000xi32, #tpu.memory_space<hbm>> -> memref<128xi32, #tpu.memory_space<hbm>>
    tpu.wait_dma2 semaphore(%arg14 : memref<!tpu.dma_semaphore, #tpu.memory_space<semaphore_mem>>) src(%dma_wait3A_33 : memref<128xi32, #tpu.memory_space<hbm>>) dst(%arg8 : memref<128xi32, #tpu.memory_space<vmem>>)
    %dma_start3A_34 = arith.constant 0 : i32
    %dma_start3A_35 = arith.constant 0 : i32
    %dma_start3A_36 = tpu.memref_slice %arg2[%dma_start3A_34, %dma_start3A_35] : memref<10000x128xf32, #tpu.memory_space<hbm>> -> memref<10000x128xf32, #tpu.memory_space<hbm>>
    tpu.enqueue_indirect_dma source(%dma_start3A_36 : memref<10000x128xf32, #tpu.memory_space<hbm>>) target(%arg10 : memref<128x128xf32, #tpu.memory_space<vmem>>) offsets(%arg6 : memref<128xi32, #tpu.memory_space<vmem>>) semaphore(%arg16 : memref<!tpu.dma_semaphore, #tpu.memory_space<semaphore_mem>>)
    %barrier3A = arith.constant 0 : index
    tpu.barrier barrier_id(%barrier3A)
    %scan3A_37 = arith.constant 0 : i32
    %scan3A_38 = arith.constant 0 : i32
    %scan3A_39 = arith.constant 39 : i32
    %scan3A_40 = arith.addi %scan3A_38, %scan3A_39 : i32
    %scan3A_41 = arith.constant 1 : i32
    scf.for %scan3A_65 = %scan3A_38 to %scan3A_40 step %scan3A_41  : i32 {
      %mul3A_66 = arith.constant 2 : i32
      %mul3A_67 = arith.muli %mul3A_66, %scan3A_65 : i32
      %add3A_68 = arith.constant 0 : i32
      %add3A_69 = arith.addi %mul3A_67, %add3A_68 : i32
      %add3A_70 = arith.constant 1 : i32
      %add3A_71 = arith.addi %add3A_69, %add3A_70 : i32
      %lt3A = arith.constant 78 : i32
      %lt3A_72 = arith.cmpi slt, %add3A_71, %lt3A : i32
      %convert_element_type3A = arith.extui %lt3A_72 : i1 to i32
      %cond3A = arith.constant 0 : i32
      %cond3A_73 = arith.cmpi ne, %convert_element_type3A, %cond3A : i32
      scf.if %cond3A_73 {
        %add3A_105 = arith.constant 1 : i32
        %add3A_106 = arith.addi %add3A_69, %add3A_105 : i32
        %mul3A_107 = arith.constant 128 : i32
        %mul3A_108 = arith.muli %add3A_106, %mul3A_107 : i32
        %add3A_109 = arith.addi %mul3A_2, %mul3A_108 : i32
        %dma_wait3A_110 = tpu.memref_slice %arg3[%add3A_109] : memref<320000xi32, #tpu.memory_space<hbm>> -> memref<128xi32, #tpu.memory_space<hbm>>
        %dma_wait3A_111 = tpu.memref_slice %arg3[%add3A_109] : memref<320000xi32, #tpu.memory_space<hbm>> -> memref<128xi32, #tpu.memory_space<hbm>>
        tpu.wait_dma2 semaphore(%arg15 : memref<!tpu.dma_semaphore, #tpu.memory_space<semaphore_mem>>) src(%dma_wait3A_111 : memref<128xi32, #tpu.memory_space<hbm>>) dst(%arg7 : memref<128xi32, #tpu.memory_space<vmem>>)
        %dma_wait3A_112 = tpu.memref_slice %arg4[%add3A_109] : memref<320000xi32, #tpu.memory_space<hbm>> -> memref<128xi32, #tpu.memory_space<hbm>>
        %dma_wait3A_113 = tpu.memref_slice %arg4[%add3A_109] : memref<320000xi32, #tpu.memory_space<hbm>> -> memref<128xi32, #tpu.memory_space<hbm>>
        tpu.wait_dma2 semaphore(%arg15 : memref<!tpu.dma_semaphore, #tpu.memory_space<semaphore_mem>>) src(%dma_wait3A_113 : memref<128xi32, #tpu.memory_space<hbm>>) dst(%arg9 : memref<128xi32, #tpu.memory_space<vmem>>)
        %add3A_114 = arith.constant 1 : i32
        %add3A_115 = arith.addi %add3A_69, %add3A_114 : i32
        %dma_start3A_116 = arith.constant 0 : i32
        %dma_start3A_117 = arith.constant 0 : i32
        %dma_start3A_118 = tpu.memref_slice %arg2[%dma_start3A_116, %dma_start3A_117] : memref<10000x128xf32, #tpu.memory_space<hbm>> -> memref<10000x128xf32, #tpu.memory_space<hbm>>
        tpu.enqueue_indirect_dma source(%dma_start3A_118 : memref<10000x128xf32, #tpu.memory_space<hbm>>) target(%arg11 : memref<128x128xf32, #tpu.memory_space<vmem>>) offsets(%arg7 : memref<128xi32, #tpu.memory_space<vmem>>) semaphore(%arg17 : memref<!tpu.dma_semaphore, #tpu.memory_space<semaphore_mem>>)
      } else {
      }
      %dma_wait3A_74 = arith.constant 0 : i32
      %dma_wait3A_75 = arith.constant 0 : i32
      %dma_wait3A_76 = tpu.memref_slice %arg2[%dma_wait3A_74, %dma_wait3A_75] : memref<10000x128xf32, #tpu.memory_space<hbm>> -> memref<10000x128xf32, #tpu.memory_space<hbm>>
      tpu.wait_indirect_dma semaphore(%arg16 : memref<!tpu.dma_semaphore, #tpu.memory_space<semaphore_mem>>) src(%dma_wait3A_76 : memref<10000x128xf32, #tpu.memory_space<hbm>>) dst(%arg10 : memref<128x128xf32, #tpu.memory_space<vmem>>)
      "tpu.region"() ({
        %run_scoped3A = tpu.sem_alloc : memref<!tpu.dma_semaphore, #tpu.memory_space<semaphore_mem>>
        %dma_start3A_105 = arith.constant 0 : i32
        %dma_start3A_106 = arith.constant 0 : i32
        %dma_start3A_107 = tpu.memref_slice %arg13[%dma_start3A_105, %dma_start3A_106] : memref<10112x128xf32, #tpu.memory_space<vmem_shared>> -> memref<10112x128xf32, #tpu.memory_space<vmem_shared>>
        tpu.enqueue_indirect_dma source(%arg10 : memref<128x128xf32, #tpu.memory_space<vmem>>) target(%dma_start3A_107 : memref<10112x128xf32, #tpu.memory_space<vmem_shared>>) offsets(%arg8 : memref<128xi32, #tpu.memory_space<vmem>>) semaphore(%run_scoped3A : memref<!tpu.dma_semaphore, #tpu.memory_space<semaphore_mem>>) {add = true}
        %dma_wait3A_108 = arith.constant 0 : i32
        %dma_wait3A_109 = arith.constant 0 : i32
        %dma_wait3A_110 = tpu.memref_slice %arg13[%dma_wait3A_108, %dma_wait3A_109] : memref<10112x128xf32, #tpu.memory_space<vmem_shared>> -> memref<10112x128xf32, #tpu.memory_space<vmem_shared>>
        tpu.wait_indirect_dma semaphore(%run_scoped3A : memref<!tpu.dma_semaphore, #tpu.memory_space<semaphore_mem>>) src(%arg10 : memref<128x128xf32, #tpu.memory_space<vmem>>) dst(%dma_wait3A_110 : memref<10112x128xf32, #tpu.memory_space<vmem_shared>>)
        tpu.yield
      }) : () -> ()
      %add3A_77 = arith.constant 2 : i32
      %add3A_78 = arith.addi %add3A_69, %add3A_77 : i32
      %lt3A_79 = arith.constant 78 : i32
      %lt3A_80 = arith.cmpi slt, %add3A_78, %lt3A_79 : i32
      %convert_element_type3A_81 = arith.extui %lt3A_80 : i1 to i32
      %cond3A_82 = arith.constant 0 : i32
      %cond3A_83 = arith.cmpi ne, %convert_element_type3A_81, %cond3A_82 : i32
      scf.if %cond3A_83 {
        %add3A_105 = arith.constant 2 : i32
        %add3A_106 = arith.addi %add3A_69, %add3A_105 : i32
        %mul3A_107 = arith.constant 128 : i32
        %mul3A_108 = arith.muli %add3A_106, %mul3A_107 : i32
        %add3A_109 = arith.addi %mul3A_2, %mul3A_108 : i32
        %dma_start3A_110 = tpu.memref_slice %arg3[%add3A_109] : memref<320000xi32, #tpu.memory_space<hbm>> -> memref<128xi32, #tpu.memory_space<hbm>>
        %dma_start3A_111 = tpu.memref_slice %arg3[%add3A_109] : memref<320000xi32, #tpu.memory_space<hbm>> -> memref<128xi32, #tpu.memory_space<hbm>>
        tpu.enqueue_dma source(%dma_start3A_111 : memref<128xi32, #tpu.memory_space<hbm>>) target(%arg6 : memref<128xi32, #tpu.memory_space<vmem>>) target_semaphore(%arg14 : memref<!tpu.dma_semaphore, #tpu.memory_space<semaphore_mem>>)
        %dma_start3A_112 = tpu.memref_slice %arg4[%add3A_109] : memref<320000xi32, #tpu.memory_space<hbm>> -> memref<128xi32, #tpu.memory_space<hbm>>
        %dma_start3A_113 = tpu.memref_slice %arg4[%add3A_109] : memref<320000xi32, #tpu.memory_space<hbm>> -> memref<128xi32, #tpu.memory_space<hbm>>
        tpu.enqueue_dma source(%dma_start3A_113 : memref<128xi32, #tpu.memory_space<hbm>>) target(%arg8 : memref<128xi32, #tpu.memory_space<vmem>>) target_semaphore(%arg14 : memref<!tpu.dma_semaphore, #tpu.memory_space<semaphore_mem>>)
      } else {
      }
      %mul3A_84 = arith.constant 2 : i32
      %mul3A_85 = arith.muli %mul3A_84, %scan3A_65 : i32
      %add3A_86 = arith.constant 1 : i32
      %add3A_87 = arith.addi %mul3A_85, %add3A_86 : i32
      %add3A_88 = arith.constant 1 : i32
      %add3A_89 = arith.addi %add3A_87, %add3A_88 : i32
      %lt3A_90 = arith.constant 78 : i32
      %lt3A_91 = arith.cmpi slt, %add3A_89, %lt3A_90 : i32
      %convert_element_type3A_92 = arith.extui %lt3A_91 : i1 to i32
      %cond3A_93 = arith.constant 0 : i32
      %cond3A_94 = arith.cmpi ne, %convert_element_type3A_92, %cond3A_93 : i32
      scf.if %cond3A_94 {
        %add3A_105 = arith.constant 1 : i32
        %add3A_106 = arith.addi %add3A_87, %add3A_105 : i32
        %mul3A_107 = arith.constant 128 : i32
        %mul3A_108 = arith.muli %add3A_106, %mul3A_107 : i32
        %add3A_109 = arith.addi %mul3A_2, %mul3A_108 : i32
        %dma_wait3A_110 = tpu.memref_slice %arg3[%add3A_109] : memref<320000xi32, #tpu.memory_space<hbm>> -> memref<128xi32, #tpu.memory_space<hbm>>
        %dma_wait3A_111 = tpu.memref_slice %arg3[%add3A_109] : memref<320000xi32, #tpu.memory_space<hbm>> -> memref<128xi32, #tpu.memory_space<hbm>>
        tpu.wait_dma2 semaphore(%arg14 : memref<!tpu.dma_semaphore, #tpu.memory_space<semaphore_mem>>) src(%dma_wait3A_111 : memref<128xi32, #tpu.memory_space<hbm>>) dst(%arg6 : memref<128xi32, #tpu.memory_space<vmem>>)
        %dma_wait3A_112 = tpu.memref_slice %arg4[%add3A_109] : memref<320000xi32, #tpu.memory_space<hbm>> -> memref<128xi32, #tpu.memory_space<hbm>>
        %dma_wait3A_113 = tpu.memref_slice %arg4[%add3A_109] : memref<320000xi32, #tpu.memory_space<hbm>> -> memref<128xi32, #tpu.memory_space<hbm>>
        tpu.wait_dma2 semaphore(%arg14 : memref<!tpu.dma_semaphore, #tpu.memory_space<semaphore_mem>>) src(%dma_wait3A_113 : memref<128xi32, #tpu.memory_space<hbm>>) dst(%arg8 : memref<128xi32, #tpu.memory_space<vmem>>)
        %add3A_114 = arith.constant 1 : i32
        %add3A_115 = arith.addi %add3A_87, %add3A_114 : i32
        %dma_start3A_116 = arith.constant 0 : i32
        %dma_start3A_117 = arith.constant 0 : i32
        %dma_start3A_118 = tpu.memref_slice %arg2[%dma_start3A_116, %dma_start3A_117] : memref<10000x128xf32, #tpu.memory_space<hbm>> -> memref<10000x128xf32, #tpu.memory_space<hbm>>
        tpu.enqueue_indirect_dma source(%dma_start3A_118 : memref<10000x128xf32, #tpu.memory_space<hbm>>) target(%arg10 : memref<128x128xf32, #tpu.memory_space<vmem>>) offsets(%arg6 : memref<128xi32, #tpu.memory_space<vmem>>) semaphore(%arg16 : memref<!tpu.dma_semaphore, #tpu.memory_space<semaphore_mem>>)
      } else {
      }
      %dma_wait3A_95 = arith.constant 0 : i32
      %dma_wait3A_96 = arith.constant 0 : i32
      %dma_wait3A_97 = tpu.memref_slice %arg2[%dma_wait3A_95, %dma_wait3A_96] : memref<10000x128xf32, #tpu.memory_space<hbm>> -> memref<10000x128xf32, #tpu.memory_space<hbm>>
      tpu.wait_indirect_dma semaphore(%arg17 : memref<!tpu.dma_semaphore, #tpu.memory_space<semaphore_mem>>) src(%dma_wait3A_97 : memref<10000x128xf32, #tpu.memory_space<hbm>>) dst(%arg11 : memref<128x128xf32, #tpu.memory_space<vmem>>)
      "tpu.region"() ({
        %run_scoped3A = tpu.sem_alloc : memref<!tpu.dma_semaphore, #tpu.memory_space<semaphore_mem>>
        %dma_start3A_105 = arith.constant 0 : i32
        %dma_start3A_106 = arith.constant 0 : i32
        %dma_start3A_107 = tpu.memref_slice %arg13[%dma_start3A_105, %dma_start3A_106] : memref<10112x128xf32, #tpu.memory_space<vmem_shared>> -> memref<10112x128xf32, #tpu.memory_space<vmem_shared>>
        tpu.enqueue_indirect_dma source(%arg11 : memref<128x128xf32, #tpu.memory_space<vmem>>) target(%dma_start3A_107 : memref<10112x128xf32, #tpu.memory_space<vmem_shared>>) offsets(%arg9 : memref<128xi32, #tpu.memory_space<vmem>>) semaphore(%run_scoped3A : memref<!tpu.dma_semaphore, #tpu.memory_space<semaphore_mem>>) {add = true}
        %dma_wait3A_108 = arith.constant 0 : i32
        %dma_wait3A_109 = arith.constant 0 : i32
        %dma_wait3A_110 = tpu.memref_slice %arg13[%dma_wait3A_108, %dma_wait3A_109] : memref<10112x128xf32, #tpu.memory_space<vmem_shared>> -> memref<10112x128xf32, #tpu.memory_space<vmem_shared>>
        tpu.wait_indirect_dma semaphore(%run_scoped3A : memref<!tpu.dma_semaphore, #tpu.memory_space<semaphore_mem>>) src(%arg11 : memref<128x128xf32, #tpu.memory_space<vmem>>) dst(%dma_wait3A_110 : memref<10112x128xf32, #tpu.memory_space<vmem_shared>>)
        tpu.yield
      }) : () -> ()
      %add3A_98 = arith.constant 2 : i32
      %add3A_99 = arith.addi %add3A_87, %add3A_98 : i32
      %lt3A_100 = arith.constant 78 : i32
      %lt3A_101 = arith.cmpi slt, %add3A_99, %lt3A_100 : i32
      %convert_element_type3A_102 = arith.extui %lt3A_101 : i1 to i32
      %cond3A_103 = arith.constant 0 : i32
      %cond3A_104 = arith.cmpi ne, %convert_element_type3A_102, %cond3A_103 : i32
      scf.if %cond3A_104 {
        %add3A_105 = arith.constant 2 : i32
        %add3A_106 = arith.addi %add3A_87, %add3A_105 : i32
        %mul3A_107 = arith.constant 128 : i32
        %mul3A_108 = arith.muli %add3A_106, %mul3A_107 : i32
        %add3A_109 = arith.addi %mul3A_2, %mul3A_108 : i32
        %dma_start3A_110 = tpu.memref_slice %arg3[%add3A_109] : memref<320000xi32, #tpu.memory_space<hbm>> -> memref<128xi32, #tpu.memory_space<hbm>>
        %dma_start3A_111 = tpu.memref_slice %arg3[%add3A_109] : memref<320000xi32, #tpu.memory_space<hbm>> -> memref<128xi32, #tpu.memory_space<hbm>>
        tpu.enqueue_dma source(%dma_start3A_111 : memref<128xi32, #tpu.memory_space<hbm>>) target(%arg7 : memref<128xi32, #tpu.memory_space<vmem>>) target_semaphore(%arg15 : memref<!tpu.dma_semaphore, #tpu.memory_space<semaphore_mem>>)
        %dma_start3A_112 = tpu.memref_slice %arg4[%add3A_109] : memref<320000xi32, #tpu.memory_space<hbm>> -> memref<128xi32, #tpu.memory_space<hbm>>
        %dma_start3A_113 = tpu.memref_slice %arg4[%add3A_109] : memref<320000xi32, #tpu.memory_space<hbm>> -> memref<128xi32, #tpu.memory_space<hbm>>
        tpu.enqueue_dma source(%dma_start3A_113 : memref<128xi32, #tpu.memory_space<hbm>>) target(%arg9 : memref<128xi32, #tpu.memory_space<vmem>>) target_semaphore(%arg15 : memref<!tpu.dma_semaphore, #tpu.memory_space<semaphore_mem>>)
      } else {
      }
    }
    %scan3A_42 = arith.constant 39 : i32
    %add3A_43 = arith.constant 9984 : i32
    %add3A_44 = arith.addi %mul3A_2, %add3A_43 : i32
    "tpu.region"() ({
      %run_scoped3A = tpu.sem_alloc : memref<!tpu.dma_semaphore, #tpu.memory_space<semaphore_mem>>
      %dma_start3A_65 = arith.constant 0 : i32
      %dma_start3A_66 = tpu.memref_slice %arg6[%dma_start3A_65] : memref<128xi32, #tpu.memory_space<vmem>> -> memref<16xi32, #tpu.memory_space<vmem>>
      %dma_start3A_67 = tpu.memref_slice %arg3[%add3A_44] : memref<320000xi32, #tpu.memory_space<hbm>> -> memref<16xi32, #tpu.memory_space<hbm>>
      %dma_start3A_68 = arith.constant 0 : i32
      %dma_start3A_69 = tpu.memref_slice %arg6[%dma_start3A_68] : memref<128xi32, #tpu.memory_space<vmem>> -> memref<16xi32, #tpu.memory_space<vmem>>
      %dma_start3A_70 = tpu.memref_slice %arg3[%add3A_44] : memref<320000xi32, #tpu.memory_space<hbm>> -> memref<16xi32, #tpu.memory_space<hbm>>
      tpu.enqueue_dma source(%dma_start3A_70 : memref<16xi32, #tpu.memory_space<hbm>>) target(%dma_start3A_69 : memref<16xi32, #tpu.memory_space<vmem>>) target_semaphore(%run_scoped3A : memref<!tpu.dma_semaphore, #tpu.memory_space<semaphore_mem>>)
      %dma_wait3A_71 = arith.constant 0 : i32
      %dma_wait3A_72 = tpu.memref_slice %arg6[%dma_wait3A_71] : memref<128xi32, #tpu.memory_space<vmem>> -> memref<16xi32, #tpu.memory_space<vmem>>
      %dma_wait3A_73 = tpu.memref_slice %arg3[%add3A_44] : memref<320000xi32, #tpu.memory_space<hbm>> -> memref<16xi32, #tpu.memory_space<hbm>>
      %dma_wait3A_74 = arith.constant 0 : i32
      %dma_wait3A_75 = tpu.memref_slice %arg6[%dma_wait3A_74] : memref<128xi32, #tpu.memory_space<vmem>> -> memref<16xi32, #tpu.memory_space<vmem>>
      %dma_wait3A_76 = tpu.memref_slice %arg3[%add3A_44] : memref<320000xi32, #tpu.memory_space<hbm>> -> memref<16xi32, #tpu.memory_space<hbm>>
      tpu.wait_dma2 semaphore(%run_scoped3A : memref<!tpu.dma_semaphore, #tpu.memory_space<semaphore_mem>>) src(%dma_wait3A_76 : memref<16xi32, #tpu.memory_space<hbm>>) dst(%dma_wait3A_75 : memref<16xi32, #tpu.memory_space<vmem>>)
      tpu.yield
    }) : () -> ()
    "tpu.region"() ({
      %run_scoped3A = tpu.sem_alloc : memref<!tpu.dma_semaphore, #tpu.memory_space<semaphore_mem>>
      %dma_start3A_65 = tpu.memref_slice %arg4[%add3A_44] : memref<320000xi32, #tpu.memory_space<hbm>> -> memref<16xi32, #tpu.memory_space<hbm>>
      %dma_start3A_66 = tpu.memref_slice %arg4[%add3A_44] : memref<320000xi32, #tpu.memory_space<hbm>> -> memref<16xi32, #tpu.memory_space<hbm>>
      tpu.enqueue_dma source(%dma_start3A_66 : memref<16xi32, #tpu.memory_space<hbm>>) target(%arg12 : memref<16xi32, #tpu.memory_space<vmem>>) target_semaphore(%run_scoped3A : memref<!tpu.dma_semaphore, #tpu.memory_space<semaphore_mem>>)
      %dma_wait3A_67 = tpu.memref_slice %arg4[%add3A_44] : memref<320000xi32, #tpu.memory_space<hbm>> -> memref<16xi32, #tpu.memory_space<hbm>>
      %dma_wait3A_68 = tpu.memref_slice %arg4[%add3A_44] : memref<320000xi32, #tpu.memory_space<hbm>> -> memref<16xi32, #tpu.memory_space<hbm>>
      tpu.wait_dma2 semaphore(%run_scoped3A : memref<!tpu.dma_semaphore, #tpu.memory_space<semaphore_mem>>) src(%dma_wait3A_68 : memref<16xi32, #tpu.memory_space<hbm>>) dst(%arg12 : memref<16xi32, #tpu.memory_space<vmem>>)
      tpu.yield
    }) : () -> ()
    %dma_start3A_45 = arith.constant 0 : i32
    %dma_start3A_46 = arith.constant 0 : i32
    %dma_start3A_47 = tpu.memref_slice %arg10[%dma_start3A_45, %dma_start3A_46] : memref<128x128xf32, #tpu.memory_space<vmem>> -> memref<16x128xf32, #tpu.memory_space<vmem>>
    %dma_start3A_48 = arith.constant 0 : i32
    %dma_start3A_49 = tpu.memref_slice %arg6[%dma_start3A_48] : memref<128xi32, #tpu.memory_space<vmem>> -> memref<16xi32, #tpu.memory_space<vmem>>
    %dma_start3A_50 = arith.constant 0 : i32
    %dma_start3A_51 = arith.constant 0 : i32
    %dma_start3A_52 = tpu.memref_slice %arg2[%dma_start3A_50, %dma_start3A_51] : memref<10000x128xf32, #tpu.memory_space<hbm>> -> memref<10000x128xf32, #tpu.memory_space<hbm>>
    tpu.enqueue_indirect_dma source(%dma_start3A_52 : memref<10000x128xf32, #tpu.memory_space<hbm>>) target(%dma_start3A_47 : memref<16x128xf32, #tpu.memory_space<vmem>>) offsets(%dma_start3A_49 : memref<16xi32, #tpu.memory_space<vmem>>) semaphore(%arg16 : memref<!tpu.dma_semaphore, #tpu.memory_space<semaphore_mem>>)
    %dma_wait3A_53 = arith.constant 0 : i32
    %dma_wait3A_54 = arith.constant 0 : i32
    %dma_wait3A_55 = tpu.memref_slice %arg10[%dma_wait3A_53, %dma_wait3A_54] : memref<128x128xf32, #tpu.memory_space<vmem>> -> memref<16x128xf32, #tpu.memory_space<vmem>>
    %dma_wait3A_56 = arith.constant 0 : i32
    %dma_wait3A_57 = tpu.memref_slice %arg6[%dma_wait3A_56] : memref<128xi32, #tpu.memory_space<vmem>> -> memref<16xi32, #tpu.memory_space<vmem>>
    %dma_wait3A_58 = arith.constant 0 : i32
    %dma_wait3A_59 = arith.constant 0 : i32
    %dma_wait3A_60 = tpu.memref_slice %arg2[%dma_wait3A_58, %dma_wait3A_59] : memref<10000x128xf32, #tpu.memory_space<hbm>> -> memref<10000x128xf32, #tpu.memory_space<hbm>>
    tpu.wait_indirect_dma semaphore(%arg16 : memref<!tpu.dma_semaphore, #tpu.memory_space<semaphore_mem>>) src(%dma_wait3A_60 : memref<10000x128xf32, #tpu.memory_space<hbm>>) dst(%dma_wait3A_55 : memref<16x128xf32, #tpu.memory_space<vmem>>)
    "tpu.region"() ({
      %run_scoped3A = tpu.sem_alloc : memref<!tpu.dma_semaphore, #tpu.memory_space<semaphore_mem>>
      %dma_start3A_65 = arith.constant 0 : i32
      %dma_start3A_66 = arith.constant 0 : i32
      %dma_start3A_67 = tpu.memref_slice %arg10[%dma_start3A_65, %dma_start3A_66] : memref<128x128xf32, #tpu.memory_space<vmem>> -> memref<16x128xf32, #tpu.memory_space<vmem>>
      %dma_start3A_68 = arith.constant 0 : i32
      %dma_start3A_69 = arith.constant 0 : i32
      %dma_start3A_70 = tpu.memref_slice %arg13[%dma_start3A_68, %dma_start3A_69] : memref<10112x128xf32, #tpu.memory_space<vmem_shared>> -> memref<10112x128xf32, #tpu.memory_space<vmem_shared>>
      tpu.enqueue_indirect_dma source(%dma_start3A_67 : memref<16x128xf32, #tpu.memory_space<vmem>>) target(%dma_start3A_70 : memref<10112x128xf32, #tpu.memory_space<vmem_shared>>) offsets(%arg12 : memref<16xi32, #tpu.memory_space<vmem>>) semaphore(%run_scoped3A : memref<!tpu.dma_semaphore, #tpu.memory_space<semaphore_mem>>) {add = true}
      %dma_wait3A_71 = arith.constant 0 : i32
      %dma_wait3A_72 = arith.constant 0 : i32
      %dma_wait3A_73 = tpu.memref_slice %arg10[%dma_wait3A_71, %dma_wait3A_72] : memref<128x128xf32, #tpu.memory_space<vmem>> -> memref<16x128xf32, #tpu.memory_space<vmem>>
      %dma_wait3A_74 = arith.constant 0 : i32
      %dma_wait3A_75 = arith.constant 0 : i32
      %dma_wait3A_76 = tpu.memref_slice %arg13[%dma_wait3A_74, %dma_wait3A_75] : memref<10112x128xf32, #tpu.memory_space<vmem_shared>> -> memref<10112x128xf32, #tpu.memory_space<vmem_shared>>
      tpu.wait_indirect_dma semaphore(%run_scoped3A : memref<!tpu.dma_semaphore, #tpu.memory_space<semaphore_mem>>) src(%dma_wait3A_73 : memref<16x128xf32, #tpu.memory_space<vmem>>) dst(%dma_wait3A_76 : memref<10112x128xf32, #tpu.memory_space<vmem_shared>>)
      tpu.yield
    }) : () -> ()
    %barrier3A_61 = arith.constant 0 : index
    tpu.barrier barrier_id(%barrier3A_61)
    %mul3A_62 = arith.constant 10112 : i32
    %mul3A_63 = arith.muli %arg0, %mul3A_62 : i32
    %add3A_64 = arith.addi %mul3A_63, %mul3A_20 : i32
    "tpu.region"() ({
      %run_scoped3A = tpu.sem_alloc : memref<!tpu.dma_semaphore, #tpu.memory_space<semaphore_mem>>
      %dma_start3A_65 = arith.constant 0 : i32
      %dma_start3A_66 = tpu.memref_slice %arg5[%add3A_64, %dma_start3A_65] : memref<20224x128xf32, #tpu.memory_space<hbm>> -> memref<632x128xf32, #tpu.memory_space<hbm>>
      %dma_start3A_67 = arith.constant 0 : i32
      %dma_start3A_68 = tpu.memref_slice %arg13[%mul3A_20, %dma_start3A_67] : memref<10112x128xf32, #tpu.memory_space<vmem_shared>> -> memref<632x128xf32, #tpu.memory_space<vmem_shared>>
      tpu.enqueue_dma source(%dma_start3A_68 : memref<632x128xf32, #tpu.memory_space<vmem_shared>>) target(%dma_start3A_66 : memref<632x128xf32, #tpu.memory_space<hbm>>) target_semaphore(%run_scoped3A : memref<!tpu.dma_semaphore, #tpu.memory_space<semaphore_mem>>)
      %dma_wait3A_69 = arith.constant 0 : i32
      %dma_wait3A_70 = tpu.memref_slice %arg5[%add3A_64, %dma_wait3A_69] : memref<20224x128xf32, #tpu.memory_space<hbm>> -> memref<632x128xf32, #tpu.memory_space<hbm>>
      %dma_wait3A_71 = arith.constant 0 : i32
      %dma_wait3A_72 = tpu.memref_slice %arg13[%mul3A_20, %dma_wait3A_71] : memref<10112x128xf32, #tpu.memory_space<vmem_shared>> -> memref<632x128xf32, #tpu.memory_space<vmem_shared>>
      tpu.wait_dma2 semaphore(%run_scoped3A : memref<!tpu.dma_semaphore, #tpu.memory_space<semaphore_mem>>) src(%dma_wait3A_72 : memref<632x128xf32, #tpu.memory_space<vmem_shared>>) dst(%dma_wait3A_70 : memref<632x128xf32, #tpu.memory_space<hbm>>)
      tpu.yield
    }) : () -> ()
    return
  }
}

#map = affine_map<(d0, d1) -> (0, 0)>
#map1 = affine_map<(d0, d1) -> (0)>
module attributes {stable_mosaic.version = 14 : i64} {
  func.func @k(%arg0: i32, %arg1: i32, %arg2: memref<10000x128xf32, #tpu.memory_space<hbm>>, %arg3: memref<320000xi32, #tpu.memory_space<hbm>>, %arg4: memref<320000xi32, #tpu.memory_space<hbm>>, %arg5: memref<20224x128xf32, #tpu.memory_space<hbm>>, %arg6: memref<128xi32, #tpu.memory_space<vmem>>, %arg7: memref<128xi32, #tpu.memory_space<vmem>>, %arg8: memref<128xi32, #tpu.memory_space<vmem>>, %arg9: memref<128xi32, #tpu.memory_space<vmem>>, %arg10: memref<128x128xf32, #tpu.memory_space<vmem>>, %arg11: memref<128x128xf32, #tpu.memory_space<vmem>>, %arg12: memref<16xi32, #tpu.memory_space<vmem>>, %arg13: memref<10112x128xf32, #tpu.memory_space<vmem_shared>>, %arg14: memref<!tpu.dma_semaphore, #tpu.memory_space<semaphore_mem>>, %arg15: memref<!tpu.dma_semaphore, #tpu.memory_space<semaphore_mem>>, %arg16: memref<!tpu.dma_semaphore, #tpu.memory_space<semaphore_mem>>, %arg17: memref<!tpu.dma_semaphore, #tpu.memory_space<semaphore_mem>>) attributes {dimension_semantics = [#tpu.dimension_semantics<core_parallel>, #tpu.dimension_semantics<subcore_parallel>], iteration_bounds = array<i64: 2, 16>, scalar_prefetch = 0 : i64, scratch_operands = 12 : i64, tpu.core_type = #tpu.core_type<sc_vector_subcore>, window_params = [{transform_indices = #map}, {transform_indices = #map1}, {transform_indices = #map1}, {transform_indices = #map}]} {
    %mul3A = arith.constant 2 : i32
    %mul3A_0 = arith.muli %arg1, %mul3A : i32
    %add3A = arith.addi %mul3A_0, %arg0 : i32
    %mul3A_1 = arith.constant 10000 : i32
    %mul3A_2 = arith.muli %add3A, %mul3A_1 : i32
    %add3A_3 = arith.constant 0 : i32
    %add3A_4 = arith.addi %mul3A_2, %add3A_3 : i32
    %dma_start3A = tpu.memref_slice %arg3[%add3A_4] : memref<320000xi32, #tpu.memory_space<hbm>> -> memref<128xi32, #tpu.memory_space<hbm>>
    %dma_start3A_5 = tpu.memref_slice %arg3[%add3A_4] : memref<320000xi32, #tpu.memory_space<hbm>> -> memref<128xi32, #tpu.memory_space<hbm>>
    tpu.enqueue_dma source(%dma_start3A_5 : memref<128xi32, #tpu.memory_space<hbm>>) target(%arg6 : memref<128xi32, #tpu.memory_space<vmem>>) target_semaphore(%arg14 : memref<!tpu.dma_semaphore, #tpu.memory_space<semaphore_mem>>)
    %dma_start3A_6 = tpu.memref_slice %arg4[%add3A_4] : memref<320000xi32, #tpu.memory_space<hbm>> -> memref<128xi32, #tpu.memory_space<hbm>>
    %dma_start3A_7 = tpu.memref_slice %arg4[%add3A_4] : memref<320000xi32, #tpu.memory_space<hbm>> -> memref<128xi32, #tpu.memory_space<hbm>>
    tpu.enqueue_dma source(%dma_start3A_7 : memref<128xi32, #tpu.memory_space<hbm>>) target(%arg8 : memref<128xi32, #tpu.memory_space<vmem>>) target_semaphore(%arg14 : memref<!tpu.dma_semaphore, #tpu.memory_space<semaphore_mem>>)
    %add3A_8 = arith.constant 128 : i32
    %add3A_9 = arith.addi %mul3A_2, %add3A_8 : i32
    %dma_start3A_10 = tpu.memref_slice %arg3[%add3A_9] : memref<320000xi32, #tpu.memory_space<hbm>> -> memref<128xi32, #tpu.memory_space<hbm>>
    %dma_start3A_11 = tpu.memref_slice %arg3[%add3A_9] : memref<320000xi32, #tpu.memory_space<hbm>> -> memref<128xi32, #tpu.memory_space<hbm>>
    tpu.enqueue_dma source(%dma_start3A_11 : memref<128xi32, #tpu.memory_space<hbm>>) target(%arg7 : memref<128xi32, #tpu.memory_space<vmem>>) target_semaphore(%arg15 : memref<!tpu.dma_semaphore, #tpu.memory_space<semaphore_mem>>)
    %dma_start3A_12 = tpu.memref_slice %arg4[%add3A_9] : memref<320000xi32, #tpu.memory_space<hbm>> -> memref<128xi32, #tpu.memory_space<hbm>>
    %dma_start3A_13 = tpu.memref_slice %arg4[%add3A_9] : memref<320000xi32, #tpu.memory_space<hbm>> -> memref<128xi32, #tpu.memory_space<hbm>>
    tpu.enqueue_dma source(%dma_start3A_13 : memref<128xi32, #tpu.memory_space<hbm>>) target(%arg9 : memref<128xi32, #tpu.memory_space<vmem>>) target_semaphore(%arg15 : memref<!tpu.dma_semaphore, #tpu.memory_space<semaphore_mem>>)
    %scan3A = arith.constant 0 : i32
    %scan3A_14 = arith.constant 0 : i32
    %scan3A_15 = arith.constant 128 : i32
    %scan3A_16 = arith.addi %scan3A_14, %scan3A_15 : i32
    %scan3A_17 = arith.constant 1 : i32
    scf.for %scan3A_65 = %scan3A_14 to %scan3A_16 step %scan3A_17  : i32 {
      %scan3A_66 = arith.constant 0 : i32
      %scan3A_67 = arith.constant 8 : i32
      %scan3A_68 = arith.addi %scan3A_66, %scan3A_67 : i32
      %scan3A_69 = arith.constant 1 : i32
      scf.for %scan3A_71 = %scan3A_66 to %scan3A_68 step %scan3A_69  : i32 {
        %broadcast_in_dim3A = arith.constant 0.000000e+00 : f32
        %broadcast_in_dim3A_72 = vector.broadcast %broadcast_in_dim3A : f32 to vector<16xf32>
        %mul3A_73 = arith.constant 16 : i32
        %mul3A_74 = arith.muli %scan3A_71, %mul3A_73 : i32
        %swap3A = arith.index_cast %scan3A_65 : i32 to index
        %swap3A_75 = arith.index_cast %mul3A_74 : i32 to index
        %swap3A_76 = tpu.vector_load %arg10[%swap3A, %swap3A_75] {strides = array<i32>} : memref<128x128xf32, #tpu.memory_space<vmem>>, vector<1x16xf32>,
        %swap3A_77 = vector.shape_cast %swap3A_76 : vector<1x16xf32> to vector<16xf32>
        %swap3A_78 = vector.shape_cast %broadcast_in_dim3A_72 : vector<16xf32> to vector<1x16xf32>
        tpu.vector_store %arg10[%swap3A, %swap3A_75], %swap3A_78 {strides = array<i32>} : memref<128x128xf32, #tpu.memory_space<vmem>>, vector<1x16xf32>,
      }
      %scan3A_70 = arith.constant 8 : i32
    }
    %scan3A_18 = arith.constant 128 : i32
    %mul3A_19 = arith.constant 632 : i32
    %mul3A_20 = arith.muli %arg1, %mul3A_19 : i32
    %scan3A_21 = arith.constant 0 : i32
    %scan3A_22 = arith.constant 0 : i32
    %scan3A_23 = arith.constant 4 : i32
    %scan3A_24 = arith.addi %scan3A_22, %scan3A_23 : i32
    %scan3A_25 = arith.constant 1 : i32
    scf.for %scan3A_65 = %scan3A_22 to %scan3A_24 step %scan3A_25  : i32 {
      %mul3A_66 = arith.constant 128 : i32
      %mul3A_67 = arith.muli %scan3A_65, %mul3A_66 : i32
      %add3A_68 = arith.addi %mul3A_20, %mul3A_67 : i32
      "tpu.region"() ({
        %run_scoped3A = tpu.sem_alloc : memref<!tpu.dma_semaphore, #tpu.memory_space<semaphore_mem>>
        %dma_start3A_69 = arith.constant 0 : i32
        %dma_start3A_70 = tpu.memref_slice %arg13[%add3A_68, %dma_start3A_69] : memref<10112x128xf32, #tpu.memory_space<vmem_shared>> -> memref<128x128xf32, #tpu.memory_space<vmem_shared>>
        %dma_start3A_71 = arith.constant 0 : i32
        %dma_start3A_72 = tpu.memref_slice %arg13[%add3A_68, %dma_start3A_71] : memref<10112x128xf32, #tpu.memory_space<vmem_shared>> -> memref<128x128xf32, #tpu.memory_space<vmem_shared>>
        tpu.enqueue_dma source(%arg10 : memref<128x128xf32, #tpu.memory_space<vmem>>) target(%dma_start3A_72 : memref<128x128xf32, #tpu.memory_space<vmem_shared>>) target_semaphore(%run_scoped3A : memref<!tpu.dma_semaphore, #tpu.memory_space<semaphore_mem>>)
        %dma_wait3A_73 = arith.constant 0 : i32
        %dma_wait3A_74 = tpu.memref_slice %arg13[%add3A_68, %dma_wait3A_73] : memref<10112x128xf32, #tpu.memory_space<vmem_shared>> -> memref<128x128xf32, #tpu.memory_space<vmem_shared>>
        %dma_wait3A_75 = arith.constant 0 : i32
        %dma_wait3A_76 = tpu.memref_slice %arg13[%add3A_68, %dma_wait3A_75] : memref<10112x128xf32, #tpu.memory_space<vmem_shared>> -> memref<128x128xf32, #tpu.memory_space<vmem_shared>>
        tpu.wait_dma2 semaphore(%run_scoped3A : memref<!tpu.dma_semaphore, #tpu.memory_space<semaphore_mem>>) src(%arg10 : memref<128x128xf32, #tpu.memory_space<vmem>>) dst(%dma_wait3A_76 : memref<128x128xf32, #tpu.memory_space<vmem_shared>>)
        tpu.yield
      }) : () -> ()
    }
    %scan3A_26 = arith.constant 4 : i32
    %add3A_27 = arith.constant 512 : i32
    %add3A_28 = arith.addi %mul3A_20, %add3A_27 : i32
    "tpu.region"() ({
      %run_scoped3A = tpu.sem_alloc : memref<!tpu.dma_semaphore, #tpu.memory_space<semaphore_mem>>
      %dma_start3A_65 = arith.constant 0 : i32
      %dma_start3A_66 = arith.constant 0 : i32
      %dma_start3A_67 = tpu.memref_slice %arg10[%dma_start3A_65, %dma_start3A_66] : memref<128x128xf32, #tpu.memory_space<vmem>> -> memref<120x128xf32, #tpu.memory_space<vmem>>
      %dma_start3A_68 = arith.constant 0 : i32
      %dma_start3A_69 = tpu.memref_slice %arg13[%add3A_28, %dma_start3A_68] : memref<10112x128xf32, #tpu.memory_space<vmem_shared>> -> memref<120x128xf32, #tpu.memory_space<vmem_shared>>
      %dma_start3A_70 = arith.constant 0 : i32
      %dma_start3A_71 = tpu.memref_slice %arg13[%add3A_28, %dma_start3A_70] : memref<10112x128xf32, #tpu.memory_space<vmem_shared>> -> memref<120x128xf32, #tpu.memory_space<vmem_shared>>
      %dma_start3A_72 = arith.constant 0 : i32
      %dma_start3A_73 = arith.constant 0 : i32
      %dma_start3A_74 = tpu.memref_slice %arg10[%dma_start3A_72, %dma_start3A_73] : memref<128x128xf32, #tpu.memory_space<vmem>> -> memref<120x128xf32, #tpu.memory_space<vmem>>
      tpu.enqueue_dma source(%dma_start3A_74 : memref<120x128xf32, #tpu.memory_space<vmem>>) target(%dma_start3A_71 : memref<120x128xf32, #tpu.memory_space<vmem_shared>>) target_semaphore(%run_scoped3A : memref<!tpu.dma_semaphore, #tpu.memory_space<semaphore_mem>>)
      %dma_wait3A_75 = arith.constant 0 : i32
      %dma_wait3A_76 = arith.constant 0 : i32
      %dma_wait3A_77 = tpu.memref_slice %arg10[%dma_wait3A_75, %dma_wait3A_76] : memref<128x128xf32, #tpu.memory_space<vmem>> -> memref<120x128xf32, #tpu.memory_space<vmem>>
      %dma_wait3A_78 = arith.constant 0 : i32
      %dma_wait3A_79 = tpu.memref_slice %arg13[%add3A_28, %dma_wait3A_78] : memref<10112x128xf32, #tpu.memory_space<vmem_shared>> -> memref<120x128xf32, #tpu.memory_space<vmem_shared>>
      %dma_wait3A_80 = arith.constant 0 : i32
      %dma_wait3A_81 = tpu.memref_slice %arg13[%add3A_28, %dma_wait3A_80] : memref<10112x128xf32, #tpu.memory_space<vmem_shared>> -> memref<120x128xf32, #tpu.memory_space<vmem_shared>>
      %dma_wait3A_82 = arith.constant 0 : i32
      %dma_wait3A_83 = arith.constant 0 : i32
      %dma_wait3A_84 = tpu.memref_slice %arg10[%dma_wait3A_82, %dma_wait3A_83] : memref<128x128xf32, #tpu.memory_space<vmem>> -> memref<120x128xf32, #tpu.memory_space<vmem>>
      tpu.wait_dma2 semaphore(%run_scoped3A : memref<!tpu.dma_semaphore, #tpu.memory_space<semaphore_mem>>) src(%dma_wait3A_84 : memref<120x128xf32, #tpu.memory_space<vmem>>) dst(%dma_wait3A_81 : memref<120x128xf32, #tpu.memory_space<vmem_shared>>)
      tpu.yield
    }) : () -> ()
    %add3A_29 = arith.constant 0 : i32
    %add3A_30 = arith.addi %mul3A_2, %add3A_29 : i32
    %dma_wait3A = tpu.memref_slice %arg3[%add3A_30] : memref<320000xi32, #tpu.memory_space<hbm>> -> memref<128xi32, #tpu.memory_space<hbm>>
    %dma_wait3A_31 = tpu.memref_slice %arg3[%add3A_30] : memref<320000xi32, #tpu.memory_space<hbm>> -> memref<128xi32, #tpu.memory_space<hbm>>
    tpu.wait_dma2 semaphore(%arg14 : memref<!tpu.dma_semaphore, #tpu.memory_space<semaphore_mem>>) src(%dma_wait3A_31 : memref<128xi32, #tpu.memory_space<hbm>>) dst(%arg6 : memref<128xi32, #tpu.memory_space<vmem>>)
    %dma_wait3A_32 = tpu.memref_slice %arg4[%add3A_30] : memref<320000xi32, #tpu.memory_space<hbm>> -> memref<128xi32, #tpu.memory_space<hbm>>
    %dma_wait3A_33 = tpu.memref_slice %arg4[%add3A_30] : memref<320000xi32, #tpu.memory_space<hbm>> -> memref<128xi32, #tpu.memory_space<hbm>>
    tpu.wait_dma2 semaphore(%arg14 : memref<!tpu.dma_semaphore, #tpu.memory_space<semaphore_mem>>) src(%dma_wait3A_33 : memref<128xi32, #tpu.memory_space<hbm>>) dst(%arg8 : memref<128xi32, #tpu.memory_space<vmem>>)
    %dma_start3A_34 = arith.constant 0 : i32
    %dma_start3A_35 = arith.constant 0 : i32
    %dma_start3A_36 = tpu.memref_slice %arg2[%dma_start3A_34, %dma_start3A_35] : memref<10000x128xf32, #tpu.memory_space<hbm>> -> memref<10000x128xf32, #tpu.memory_space<hbm>>
    tpu.enqueue_indirect_dma source(%dma_start3A_36 : memref<10000x128xf32, #tpu.memory_space<hbm>>) target(%arg10 : memref<128x128xf32, #tpu.memory_space<vmem>>) offsets(%arg6 : memref<128xi32, #tpu.memory_space<vmem>>) semaphore(%arg16 : memref<!tpu.dma_semaphore, #tpu.memory_space<semaphore_mem>>)
    %barrier3A = arith.constant 0 : index
    tpu.barrier barrier_id(%barrier3A)
    %scan3A_37 = arith.constant 0 : i32
    %scan3A_38 = arith.constant 0 : i32
    %scan3A_39 = arith.constant 39 : i32
    %scan3A_40 = arith.addi %scan3A_38, %scan3A_39 : i32
    %scan3A_41 = arith.constant 1 : i32
    scf.for %scan3A_65 = %scan3A_38 to %scan3A_40 step %scan3A_41  : i32 {
      %mul3A_66 = arith.constant 2 : i32
      %mul3A_67 = arith.muli %mul3A_66, %scan3A_65 : i32
      %add3A_68 = arith.constant 0 : i32
      %add3A_69 = arith.addi %mul3A_67, %add3A_68 : i32
      %add3A_70 = arith.constant 1 : i32
      %add3A_71 = arith.addi %add3A_69, %add3A_70 : i32
      %lt3A = arith.constant 78 : i32
      %lt3A_72 = arith.cmpi slt, %add3A_71, %lt3A : i32
      %convert_element_type3A = arith.extui %lt3A_72 : i1 to i32
      %cond3A = arith.constant 0 : i32
      %cond3A_73 = arith.cmpi ne, %convert_element_type3A, %cond3A : i32
      scf.if %cond3A_73 {
        %add3A_105 = arith.constant 1 : i32
        %add3A_106 = arith.addi %add3A_69, %add3A_105 : i32
        %mul3A_107 = arith.constant 128 : i32
        %mul3A_108 = arith.muli %add3A_106, %mul3A_107 : i32
        %add3A_109 = arith.addi %mul3A_2, %mul3A_108 : i32
        %dma_wait3A_110 = tpu.memref_slice %arg3[%add3A_109] : memref<320000xi32, #tpu.memory_space<hbm>> -> memref<128xi32, #tpu.memory_space<hbm>>
        %dma_wait3A_111 = tpu.memref_slice %arg3[%add3A_109] : memref<320000xi32, #tpu.memory_space<hbm>> -> memref<128xi32, #tpu.memory_space<hbm>>
        tpu.wait_dma2 semaphore(%arg15 : memref<!tpu.dma_semaphore, #tpu.memory_space<semaphore_mem>>) src(%dma_wait3A_111 : memref<128xi32, #tpu.memory_space<hbm>>) dst(%arg7 : memref<128xi32, #tpu.memory_space<vmem>>)
        %dma_wait3A_112 = tpu.memref_slice %arg4[%add3A_109] : memref<320000xi32, #tpu.memory_space<hbm>> -> memref<128xi32, #tpu.memory_space<hbm>>
        %dma_wait3A_113 = tpu.memref_slice %arg4[%add3A_109] : memref<320000xi32, #tpu.memory_space<hbm>> -> memref<128xi32, #tpu.memory_space<hbm>>
        tpu.wait_dma2 semaphore(%arg15 : memref<!tpu.dma_semaphore, #tpu.memory_space<semaphore_mem>>) src(%dma_wait3A_113 : memref<128xi32, #tpu.memory_space<hbm>>) dst(%arg9 : memref<128xi32, #tpu.memory_space<vmem>>)
        %add3A_114 = arith.constant 1 : i32
        %add3A_115 = arith.addi %add3A_69, %add3A_114 : i32
        %dma_start3A_116 = arith.constant 0 : i32
        %dma_start3A_117 = arith.constant 0 : i32
        %dma_start3A_118 = tpu.memref_slice %arg2[%dma_start3A_116, %dma_start3A_117] : memref<10000x128xf32, #tpu.memory_space<hbm>> -> memref<10000x128xf32, #tpu.memory_space<hbm>>
        tpu.enqueue_indirect_dma source(%dma_start3A_118 : memref<10000x128xf32, #tpu.memory_space<hbm>>) target(%arg11 : memref<128x128xf32, #tpu.memory_space<vmem>>) offsets(%arg7 : memref<128xi32, #tpu.memory_space<vmem>>) semaphore(%arg17 : memref<!tpu.dma_semaphore, #tpu.memory_space<semaphore_mem>>)
      } else {
      }
      %dma_wait3A_74 = arith.constant 0 : i32
      %dma_wait3A_75 = arith.constant 0 : i32
      %dma_wait3A_76 = tpu.memref_slice %arg2[%dma_wait3A_74, %dma_wait3A_75] : memref<10000x128xf32, #tpu.memory_space<hbm>> -> memref<10000x128xf32, #tpu.memory_space<hbm>>
      tpu.wait_indirect_dma semaphore(%arg16 : memref<!tpu.dma_semaphore, #tpu.memory_space<semaphore_mem>>) src(%dma_wait3A_76 : memref<10000x128xf32, #tpu.memory_space<hbm>>) dst(%arg10 : memref<128x128xf32, #tpu.memory_space<vmem>>)
      "tpu.region"() ({
        %run_scoped3A = tpu.sem_alloc : memref<!tpu.dma_semaphore, #tpu.memory_space<semaphore_mem>>
        %dma_start3A_105 = arith.constant 0 : i32
        %dma_start3A_106 = arith.constant 0 : i32
        %dma_start3A_107 = tpu.memref_slice %arg13[%dma_start3A_105, %dma_start3A_106] : memref<10112x128xf32, #tpu.memory_space<vmem_shared>> -> memref<10112x128xf32, #tpu.memory_space<vmem_shared>>
        tpu.enqueue_indirect_dma source(%arg10 : memref<128x128xf32, #tpu.memory_space<vmem>>) target(%dma_start3A_107 : memref<10112x128xf32, #tpu.memory_space<vmem_shared>>) offsets(%arg8 : memref<128xi32, #tpu.memory_space<vmem>>) semaphore(%run_scoped3A : memref<!tpu.dma_semaphore, #tpu.memory_space<semaphore_mem>>) {add = true}
        %dma_wait3A_108 = arith.constant 0 : i32
        %dma_wait3A_109 = arith.constant 0 : i32
        %dma_wait3A_110 = tpu.memref_slice %arg13[%dma_wait3A_108, %dma_wait3A_109] : memref<10112x128xf32, #tpu.memory_space<vmem_shared>> -> memref<10112x128xf32, #tpu.memory_space<vmem_shared>>
        tpu.wait_indirect_dma semaphore(%run_scoped3A : memref<!tpu.dma_semaphore, #tpu.memory_space<semaphore_mem>>) src(%arg10 : memref<128x128xf32, #tpu.memory_space<vmem>>) dst(%dma_wait3A_110 : memref<10112x128xf32, #tpu.memory_space<vmem_shared>>)
        tpu.yield
      }) : () -> ()
      %add3A_77 = arith.constant 2 : i32
      %add3A_78 = arith.addi %add3A_69, %add3A_77 : i32
      %lt3A_79 = arith.constant 78 : i32
      %lt3A_80 = arith.cmpi slt, %add3A_78, %lt3A_79 : i32
      %convert_element_type3A_81 = arith.extui %lt3A_80 : i1 to i32
      %cond3A_82 = arith.constant 0 : i32
      %cond3A_83 = arith.cmpi ne, %convert_element_type3A_81, %cond3A_82 : i32
      scf.if %cond3A_83 {
        %add3A_105 = arith.constant 2 : i32
        %add3A_106 = arith.addi %add3A_69, %add3A_105 : i32
        %mul3A_107 = arith.constant 128 : i32
        %mul3A_108 = arith.muli %add3A_106, %mul3A_107 : i32
        %add3A_109 = arith.addi %mul3A_2, %mul3A_108 : i32
        %dma_start3A_110 = tpu.memref_slice %arg3[%add3A_109] : memref<320000xi32, #tpu.memory_space<hbm>> -> memref<128xi32, #tpu.memory_space<hbm>>
        %dma_start3A_111 = tpu.memref_slice %arg3[%add3A_109] : memref<320000xi32, #tpu.memory_space<hbm>> -> memref<128xi32, #tpu.memory_space<hbm>>
        tpu.enqueue_dma source(%dma_start3A_111 : memref<128xi32, #tpu.memory_space<hbm>>) target(%arg6 : memref<128xi32, #tpu.memory_space<vmem>>) target_semaphore(%arg14 : memref<!tpu.dma_semaphore, #tpu.memory_space<semaphore_mem>>)
        %dma_start3A_112 = tpu.memref_slice %arg4[%add3A_109] : memref<320000xi32, #tpu.memory_space<hbm>> -> memref<128xi32, #tpu.memory_space<hbm>>
        %dma_start3A_113 = tpu.memref_slice %arg4[%add3A_109] : memref<320000xi32, #tpu.memory_space<hbm>> -> memref<128xi32, #tpu.memory_space<hbm>>
        tpu.enqueue_dma source(%dma_start3A_113 : memref<128xi32, #tpu.memory_space<hbm>>) target(%arg8 : memref<128xi32, #tpu.memory_space<vmem>>) target_semaphore(%arg14 : memref<!tpu.dma_semaphore, #tpu.memory_space<semaphore_mem>>)
      } else {
      }
      %mul3A_84 = arith.constant 2 : i32
      %mul3A_85 = arith.muli %mul3A_84, %scan3A_65 : i32
      %add3A_86 = arith.constant 1 : i32
      %add3A_87 = arith.addi %mul3A_85, %add3A_86 : i32
      %add3A_88 = arith.constant 1 : i32
      %add3A_89 = arith.addi %add3A_87, %add3A_88 : i32
      %lt3A_90 = arith.constant 78 : i32
      %lt3A_91 = arith.cmpi slt, %add3A_89, %lt3A_90 : i32
      %convert_element_type3A_92 = arith.extui %lt3A_91 : i1 to i32
      %cond3A_93 = arith.constant 0 : i32
      %cond3A_94 = arith.cmpi ne, %convert_element_type3A_92, %cond3A_93 : i32
      scf.if %cond3A_94 {
        %add3A_105 = arith.constant 1 : i32
        %add3A_106 = arith.addi %add3A_87, %add3A_105 : i32
        %mul3A_107 = arith.constant 128 : i32
        %mul3A_108 = arith.muli %add3A_106, %mul3A_107 : i32
        %add3A_109 = arith.addi %mul3A_2, %mul3A_108 : i32
        %dma_wait3A_110 = tpu.memref_slice %arg3[%add3A_109] : memref<320000xi32, #tpu.memory_space<hbm>> -> memref<128xi32, #tpu.memory_space<hbm>>
        %dma_wait3A_111 = tpu.memref_slice %arg3[%add3A_109] : memref<320000xi32, #tpu.memory_space<hbm>> -> memref<128xi32, #tpu.memory_space<hbm>>
        tpu.wait_dma2 semaphore(%arg14 : memref<!tpu.dma_semaphore, #tpu.memory_space<semaphore_mem>>) src(%dma_wait3A_111 : memref<128xi32, #tpu.memory_space<hbm>>) dst(%arg6 : memref<128xi32, #tpu.memory_space<vmem>>)
        %dma_wait3A_112 = tpu.memref_slice %arg4[%add3A_109] : memref<320000xi32, #tpu.memory_space<hbm>> -> memref<128xi32, #tpu.memory_space<hbm>>
        %dma_wait3A_113 = tpu.memref_slice %arg4[%add3A_109] : memref<320000xi32, #tpu.memory_space<hbm>> -> memref<128xi32, #tpu.memory_space<hbm>>
        tpu.wait_dma2 semaphore(%arg14 : memref<!tpu.dma_semaphore, #tpu.memory_space<semaphore_mem>>) src(%dma_wait3A_113 : memref<128xi32, #tpu.memory_space<hbm>>) dst(%arg8 : memref<128xi32, #tpu.memory_space<vmem>>)
        %add3A_114 = arith.constant 1 : i32
        %add3A_115 = arith.addi %add3A_87, %add3A_114 : i32
        %dma_start3A_116 = arith.constant 0 : i32
        %dma_start3A_117 = arith.constant 0 : i32
        %dma_start3A_118 = tpu.memref_slice %arg2[%dma_start3A_116, %dma_start3A_117] : memref<10000x128xf32, #tpu.memory_space<hbm>> -> memref<10000x128xf32, #tpu.memory_space<hbm>>
        tpu.enqueue_indirect_dma source(%dma_start3A_118 : memref<10000x128xf32, #tpu.memory_space<hbm>>) target(%arg10 : memref<128x128xf32, #tpu.memory_space<vmem>>) offsets(%arg6 : memref<128xi32, #tpu.memory_space<vmem>>) semaphore(%arg16 : memref<!tpu.dma_semaphore, #tpu.memory_space<semaphore_mem>>)
      } else {
      }
      %dma_wait3A_95 = arith.constant 0 : i32
      %dma_wait3A_96 = arith.constant 0 : i32
      %dma_wait3A_97 = tpu.memref_slice %arg2[%dma_wait3A_95, %dma_wait3A_96] : memref<10000x128xf32, #tpu.memory_space<hbm>> -> memref<10000x128xf32, #tpu.memory_space<hbm>>
      tpu.wait_indirect_dma semaphore(%arg17 : memref<!tpu.dma_semaphore, #tpu.memory_space<semaphore_mem>>) src(%dma_wait3A_97 : memref<10000x128xf32, #tpu.memory_space<hbm>>) dst(%arg11 : memref<128x128xf32, #tpu.memory_space<vmem>>)
      "tpu.region"() ({
        %run_scoped3A = tpu.sem_alloc : memref<!tpu.dma_semaphore, #tpu.memory_space<semaphore_mem>>
        %dma_start3A_105 = arith.constant 0 : i32
        %dma_start3A_106 = arith.constant 0 : i32
        %dma_start3A_107 = tpu.memref_slice %arg13[%dma_start3A_105, %dma_start3A_106] : memref<10112x128xf32, #tpu.memory_space<vmem_shared>> -> memref<10112x128xf32, #tpu.memory_space<vmem_shared>>
        tpu.enqueue_indirect_dma source(%arg11 : memref<128x128xf32, #tpu.memory_space<vmem>>) target(%dma_start3A_107 : memref<10112x128xf32, #tpu.memory_space<vmem_shared>>) offsets(%arg9 : memref<128xi32, #tpu.memory_space<vmem>>) semaphore(%run_scoped3A : memref<!tpu.dma_semaphore, #tpu.memory_space<semaphore_mem>>) {add = true}
        %dma_wait3A_108 = arith.constant 0 : i32
        %dma_wait3A_109 = arith.constant 0 : i32
        %dma_wait3A_110 = tpu.memref_slice %arg13[%dma_wait3A_108, %dma_wait3A_109] : memref<10112x128xf32, #tpu.memory_space<vmem_shared>> -> memref<10112x128xf32, #tpu.memory_space<vmem_shared>>
        tpu.wait_indirect_dma semaphore(%run_scoped3A : memref<!tpu.dma_semaphore, #tpu.memory_space<semaphore_mem>>) src(%arg11 : memref<128x128xf32, #tpu.memory_space<vmem>>) dst(%dma_wait3A_110 : memref<10112x128xf32, #tpu.memory_space<vmem_shared>>)
        tpu.yield
      }) : () -> ()
      %add3A_98 = arith.constant 2 : i32
      %add3A_99 = arith.addi %add3A_87, %add3A_98 : i32
      %lt3A_100 = arith.constant 78 : i32
      %lt3A_101 = arith.cmpi slt, %add3A_99, %lt3A_100 : i32
      %convert_element_type3A_102 = arith.extui %lt3A_101 : i1 to i32
      %cond3A_103 = arith.constant 0 : i32
      %cond3A_104 = arith.cmpi ne, %convert_element_type3A_102, %cond3A_103 : i32
      scf.if %cond3A_104 {
        %add3A_105 = arith.constant 2 : i32
        %add3A_106 = arith.addi %add3A_87, %add3A_105 : i32
        %mul3A_107 = arith.constant 128 : i32
        %mul3A_108 = arith.muli %add3A_106, %mul3A_107 : i32
        %add3A_109 = arith.addi %mul3A_2, %mul3A_108 : i32
        %dma_start3A_110 = tpu.memref_slice %arg3[%add3A_109] : memref<320000xi32, #tpu.memory_space<hbm>> -> memref<128xi32, #tpu.memory_space<hbm>>
        %dma_start3A_111 = tpu.memref_slice %arg3[%add3A_109] : memref<320000xi32, #tpu.memory_space<hbm>> -> memref<128xi32, #tpu.memory_space<hbm>>
        tpu.enqueue_dma source(%dma_start3A_111 : memref<128xi32, #tpu.memory_space<hbm>>) target(%arg7 : memref<128xi32, #tpu.memory_space<vmem>>) target_semaphore(%arg15 : memref<!tpu.dma_semaphore, #tpu.memory_space<semaphore_mem>>)
        %dma_start3A_112 = tpu.memref_slice %arg4[%add3A_109] : memref<320000xi32, #tpu.memory_space<hbm>> -> memref<128xi32, #tpu.memory_space<hbm>>
        %dma_start3A_113 = tpu.memref_slice %arg4[%add3A_109] : memref<320000xi32, #tpu.memory_space<hbm>> -> memref<128xi32, #tpu.memory_space<hbm>>
        tpu.enqueue_dma source(%dma_start3A_113 : memref<128xi32, #tpu.memory_space<hbm>>) target(%arg9 : memref<128xi32, #tpu.memory_space<vmem>>) target_semaphore(%arg15 : memref<!tpu.dma_semaphore, #tpu.memory_space<semaphore_mem>>)
      } else {
      }
    }
    %scan3A_42 = arith.constant 39 : i32
    %add3A_43 = arith.constant 9984 : i32
    %add3A_44 = arith.addi %mul3A_2, %add3A_43 : i32
    "tpu.region"() ({
      %run_scoped3A = tpu.sem_alloc : memref<!tpu.dma_semaphore, #tpu.memory_space<semaphore_mem>>
      %dma_start3A_65 = arith.constant 0 : i32
      %dma_start3A_66 = tpu.memref_slice %arg6[%dma_start3A_65] : memref<128xi32, #tpu.memory_space<vmem>> -> memref<16xi32, #tpu.memory_space<vmem>>
      %dma_start3A_67 = tpu.memref_slice %arg3[%add3A_44] : memref<320000xi32, #tpu.memory_space<hbm>> -> memref<16xi32, #tpu.memory_space<hbm>>
      %dma_start3A_68 = arith.constant 0 : i32
      %dma_start3A_69 = tpu.memref_slice %arg6[%dma_start3A_68] : memref<128xi32, #tpu.memory_space<vmem>> -> memref<16xi32, #tpu.memory_space<vmem>>
      %dma_start3A_70 = tpu.memref_slice %arg3[%add3A_44] : memref<320000xi32, #tpu.memory_space<hbm>> -> memref<16xi32, #tpu.memory_space<hbm>>
      tpu.enqueue_dma source(%dma_start3A_70 : memref<16xi32, #tpu.memory_space<hbm>>) target(%dma_start3A_69 : memref<16xi32, #tpu.memory_space<vmem>>) target_semaphore(%run_scoped3A : memref<!tpu.dma_semaphore, #tpu.memory_space<semaphore_mem>>)
      %dma_wait3A_71 = arith.constant 0 : i32
      %dma_wait3A_72 = tpu.memref_slice %arg6[%dma_wait3A_71] : memref<128xi32, #tpu.memory_space<vmem>> -> memref<16xi32, #tpu.memory_space<vmem>>
      %dma_wait3A_73 = tpu.memref_slice %arg3[%add3A_44] : memref<320000xi32, #tpu.memory_space<hbm>> -> memref<16xi32, #tpu.memory_space<hbm>>
      %dma_wait3A_74 = arith.constant 0 : i32
      %dma_wait3A_75 = tpu.memref_slice %arg6[%dma_wait3A_74] : memref<128xi32, #tpu.memory_space<vmem>> -> memref<16xi32, #tpu.memory_space<vmem>>
      %dma_wait3A_76 = tpu.memref_slice %arg3[%add3A_44] : memref<320000xi32, #tpu.memory_space<hbm>> -> memref<16xi32, #tpu.memory_space<hbm>>
      tpu.wait_dma2 semaphore(%run_scoped3A : memref<!tpu.dma_semaphore, #tpu.memory_space<semaphore_mem>>) src(%dma_wait3A_76 : memref<16xi32, #tpu.memory_space<hbm>>) dst(%dma_wait3A_75 : memref<16xi32, #tpu.memory_space<vmem>>)
      tpu.yield
    }) : () -> ()
    "tpu.region"() ({
      %run_scoped3A = tpu.sem_alloc : memref<!tpu.dma_semaphore, #tpu.memory_space<semaphore_mem>>
      %dma_start3A_65 = tpu.memref_slice %arg4[%add3A_44] : memref<320000xi32, #tpu.memory_space<hbm>> -> memref<16xi32, #tpu.memory_space<hbm>>
      %dma_start3A_66 = tpu.memref_slice %arg4[%add3A_44] : memref<320000xi32, #tpu.memory_space<hbm>> -> memref<16xi32, #tpu.memory_space<hbm>>
      tpu.enqueue_dma source(%dma_start3A_66 : memref<16xi32, #tpu.memory_space<hbm>>) target(%arg12 : memref<16xi32, #tpu.memory_space<vmem>>) target_semaphore(%run_scoped3A : memref<!tpu.dma_semaphore, #tpu.memory_space<semaphore_mem>>)
      %dma_wait3A_67 = tpu.memref_slice %arg4[%add3A_44] : memref<320000xi32, #tpu.memory_space<hbm>> -> memref<16xi32, #tpu.memory_space<hbm>>
      %dma_wait3A_68 = tpu.memref_slice %arg4[%add3A_44] : memref<320000xi32, #tpu.memory_space<hbm>> -> memref<16xi32, #tpu.memory_space<hbm>>
      tpu.wait_dma2 semaphore(%run_scoped3A : memref<!tpu.dma_semaphore, #tpu.memory_space<semaphore_mem>>) src(%dma_wait3A_68 : memref<16xi32, #tpu.memory_space<hbm>>) dst(%arg12 : memref<16xi32, #tpu.memory_space<vmem>>)
      tpu.yield
    }) : () -> ()
    %dma_start3A_45 = arith.constant 0 : i32
    %dma_start3A_46 = arith.constant 0 : i32
    %dma_start3A_47 = tpu.memref_slice %arg10[%dma_start3A_45, %dma_start3A_46] : memref<128x128xf32, #tpu.memory_space<vmem>> -> memref<16x128xf32, #tpu.memory_space<vmem>>
    %dma_start3A_48 = arith.constant 0 : i32
    %dma_start3A_49 = tpu.memref_slice %arg6[%dma_start3A_48] : memref<128xi32, #tpu.memory_space<vmem>> -> memref<16xi32, #tpu.memory_space<vmem>>
    %dma_start3A_50 = arith.constant 0 : i32
    %dma_start3A_51 = arith.constant 0 : i32
    %dma_start3A_52 = tpu.memref_slice %arg2[%dma_start3A_50, %dma_start3A_51] : memref<10000x128xf32, #tpu.memory_space<hbm>> -> memref<10000x128xf32, #tpu.memory_space<hbm>>
    tpu.enqueue_indirect_dma source(%dma_start3A_52 : memref<10000x128xf32, #tpu.memory_space<hbm>>) target(%dma_start3A_47 : memref<16x128xf32, #tpu.memory_space<vmem>>) offsets(%dma_start3A_49 : memref<16xi32, #tpu.memory_space<vmem>>) semaphore(%arg16 : memref<!tpu.dma_semaphore, #tpu.memory_space<semaphore_mem>>)
    %dma_wait3A_53 = arith.constant 0 : i32
    %dma_wait3A_54 = arith.constant 0 : i32
    %dma_wait3A_55 = tpu.memref_slice %arg10[%dma_wait3A_53, %dma_wait3A_54] : memref<128x128xf32, #tpu.memory_space<vmem>> -> memref<16x128xf32, #tpu.memory_space<vmem>>
    %dma_wait3A_56 = arith.constant 0 : i32
    %dma_wait3A_57 = tpu.memref_slice %arg6[%dma_wait3A_56] : memref<128xi32, #tpu.memory_space<vmem>> -> memref<16xi32, #tpu.memory_space<vmem>>
    %dma_wait3A_58 = arith.constant 0 : i32
    %dma_wait3A_59 = arith.constant 0 : i32
    %dma_wait3A_60 = tpu.memref_slice %arg2[%dma_wait3A_58, %dma_wait3A_59] : memref<10000x128xf32, #tpu.memory_space<hbm>> -> memref<10000x128xf32, #tpu.memory_space<hbm>>
    tpu.wait_indirect_dma semaphore(%arg16 : memref<!tpu.dma_semaphore, #tpu.memory_space<semaphore_mem>>) src(%dma_wait3A_60 : memref<10000x128xf32, #tpu.memory_space<hbm>>) dst(%dma_wait3A_55 : memref<16x128xf32, #tpu.memory_space<vmem>>)
    "tpu.region"() ({
      %run_scoped3A = tpu.sem_alloc : memref<!tpu.dma_semaphore, #tpu.memory_space<semaphore_mem>>
      %dma_start3A_65 = arith.constant 0 : i32
      %dma_start3A_66 = arith.constant 0 : i32
      %dma_start3A_67 = tpu.memref_slice %arg10[%dma_start3A_65, %dma_start3A_66] : memref<128x128xf32, #tpu.memory_space<vmem>> -> memref<16x128xf32, #tpu.memory_space<vmem>>
      %dma_start3A_68 = arith.constant 0 : i32
      %dma_start3A_69 = arith.constant 0 : i32
      %dma_start3A_70 = tpu.memref_slice %arg13[%dma_start3A_68, %dma_start3A_69] : memref<10112x128xf32, #tpu.memory_space<vmem_shared>> -> memref<10112x128xf32, #tpu.memory_space<vmem_shared>>
      tpu.enqueue_indirect_dma source(%dma_start3A_67 : memref<16x128xf32, #tpu.memory_space<vmem>>) target(%dma_start3A_70 : memref<10112x128xf32, #tpu.memory_space<vmem_shared>>) offsets(%arg12 : memref<16xi32, #tpu.memory_space<vmem>>) semaphore(%run_scoped3A : memref<!tpu.dma_semaphore, #tpu.memory_space<semaphore_mem>>) {add = true}
      %dma_wait3A_71 = arith.constant 0 : i32
      %dma_wait3A_72 = arith.constant 0 : i32
      %dma_wait3A_73 = tpu.memref_slice %arg10[%dma_wait3A_71, %dma_wait3A_72] : memref<128x128xf32, #tpu.memory_space<vmem>> -> memref<16x128xf32, #tpu.memory_space<vmem>>
      %dma_wait3A_74 = arith.constant 0 : i32
      %dma_wait3A_75 = arith.constant 0 : i32
      %dma_wait3A_76 = tpu.memref_slice %arg13[%dma_wait3A_74, %dma_wait3A_75] : memref<10112x128xf32, #tpu.memory_space<vmem_shared>> -> memref<10112x128xf32, #tpu.memory_space<vmem_shared>>
      tpu.wait_indirect_dma semaphore(%run_scoped3A : memref<!tpu.dma_semaphore, #tpu.memory_space<semaphore_mem>>) src(%dma_wait3A_73 : memref<16x128xf32, #tpu.memory_space<vmem>>) dst(%dma_wait3A_76 : memref<10112x128xf32, #tpu.memory_space<vmem_shared>>)
      tpu.yield
    }) : () -> ()
    %barrier3A_61 = arith.constant 0 : index
    tpu.barrier barrier_id(%barrier3A_61)
    %mul3A_62 = arith.constant 10112 : i32
    %mul3A_63 = arith.muli %arg0, %mul3A_62 : i32
    %add3A_64 = arith.addi %mul3A_63, %mul3A_20 : i32
    "tpu.region"() ({
      %run_scoped3A = tpu.sem_alloc : memref<!tpu.dma_semaphore, #tpu.memory_space<semaphore_mem>>
      %dma_start3A_65 = arith.constant 0 : i32
      %dma_start3A_66 = tpu.memref_slice %arg5[%add3A_64, %dma_start3A_65] : memref<20224x128xf32, #tpu.memory_space<hbm>> -> memref<632x128xf32, #tpu.memory_space<hbm>>
      %dma_start3A_67 = arith.constant 0 : i32
      %dma_start3A_68 = tpu.memref_slice %arg13[%mul3A_20, %dma_start3A_67] : memref<10112x128xf32, #tpu.memory_space<vmem_shared>> -> memref<632x128xf32, #tpu.memory_space<vmem_shared>>
      tpu.enqueue_dma source(%dma_start3A_68 : memref<632x128xf32, #tpu.memory_space<vmem_shared>>) target(%dma_start3A_66 : memref<632x128xf32, #tpu.memory_space<hbm>>) target_semaphore(%run_scoped3A : memref<!tpu.dma_semaphore, #tpu.memory_space<semaphore_mem>>)
      %dma_wait3A_69 = arith.constant 0 : i32
      %dma_wait3A_70 = tpu.memref_slice %arg5[%add3A_64, %dma_wait3A_69] : memref<20224x128xf32, #tpu.memory_space<hbm>> -> memref<632x128xf32, #tpu.memory_space<hbm>>
      %dma_wait3A_71 = arith.constant 0 : i32
      %dma_wait3A_72 = tpu.memref_slice %arg13[%mul3A_20, %dma_wait3A_71] : memref<10112x128xf32, #tpu.memory_space<vmem_shared>> -> memref<632x128xf32, #tpu.memory_space<vmem_shared>>
      tpu.wait_dma2 semaphore(%run_scoped3A : memref<!tpu.dma_semaphore, #tpu.memory_space<semaphore_mem>>) src(%dma_wait3A_72 : memref<632x128xf32, #tpu.memory_space<vmem_shared>>) dst(%dma_wait3A_70 : memref<632x128xf32, #tpu.memory_space<hbm>>)
      tpu.yield
    }) : () -> ()
    return
  }
}

#map = affine_map<(d0, d1) -> (0, 0)>
#map1 = affine_map<(d0, d1) -> (0)>
module attributes {stable_mosaic.version = 14 : i64} {
  func.func @k(%arg0: i32, %arg1: i32, %arg2: memref<10000x128xf32, #tpu.memory_space<hbm>>, %arg3: memref<320000xi32, #tpu.memory_space<hbm>>, %arg4: memref<320000xi32, #tpu.memory_space<hbm>>, %arg5: memref<20224x128xf32, #tpu.memory_space<hbm>>, %arg6: memref<128xi32, #tpu.memory_space<vmem>>, %arg7: memref<128xi32, #tpu.memory_space<vmem>>, %arg8: memref<128xi32, #tpu.memory_space<vmem>>, %arg9: memref<128xi32, #tpu.memory_space<vmem>>, %arg10: memref<128x128xf32, #tpu.memory_space<vmem>>, %arg11: memref<128x128xf32, #tpu.memory_space<vmem>>, %arg12: memref<16xi32, #tpu.memory_space<vmem>>, %arg13: memref<10112x128xf32, #tpu.memory_space<vmem_shared>>, %arg14: memref<!tpu.dma_semaphore, #tpu.memory_space<semaphore_mem>>, %arg15: memref<!tpu.dma_semaphore, #tpu.memory_space<semaphore_mem>>, %arg16: memref<!tpu.dma_semaphore, #tpu.memory_space<semaphore_mem>>, %arg17: memref<!tpu.dma_semaphore, #tpu.memory_space<semaphore_mem>>) attributes {dimension_semantics = [#tpu.dimension_semantics<core_parallel>, #tpu.dimension_semantics<subcore_parallel>], iteration_bounds = array<i64: 2, 16>, scalar_prefetch = 0 : i64, scratch_operands = 12 : i64, tpu.core_type = #tpu.core_type<sc_vector_subcore>, window_params = [{transform_indices = #map}, {transform_indices = #map1}, {transform_indices = #map1}, {transform_indices = #map}]} {
    %mul3A = arith.constant 2 : i32
    %mul3A_0 = arith.muli %arg1, %mul3A : i32
    %add3A = arith.addi %mul3A_0, %arg0 : i32
    %mul3A_1 = arith.constant 10000 : i32
    %mul3A_2 = arith.muli %add3A, %mul3A_1 : i32
    %add3A_3 = arith.constant 0 : i32
    %add3A_4 = arith.addi %mul3A_2, %add3A_3 : i32
    %dma_start3A = tpu.memref_slice %arg3[%add3A_4] : memref<320000xi32, #tpu.memory_space<hbm>> -> memref<128xi32, #tpu.memory_space<hbm>>
    %dma_start3A_5 = tpu.memref_slice %arg3[%add3A_4] : memref<320000xi32, #tpu.memory_space<hbm>> -> memref<128xi32, #tpu.memory_space<hbm>>
    tpu.enqueue_dma source(%dma_start3A_5 : memref<128xi32, #tpu.memory_space<hbm>>) target(%arg6 : memref<128xi32, #tpu.memory_space<vmem>>) target_semaphore(%arg14 : memref<!tpu.dma_semaphore, #tpu.memory_space<semaphore_mem>>)
    %dma_start3A_6 = tpu.memref_slice %arg4[%add3A_4] : memref<320000xi32, #tpu.memory_space<hbm>> -> memref<128xi32, #tpu.memory_space<hbm>>
    %dma_start3A_7 = tpu.memref_slice %arg4[%add3A_4] : memref<320000xi32, #tpu.memory_space<hbm>> -> memref<128xi32, #tpu.memory_space<hbm>>
    tpu.enqueue_dma source(%dma_start3A_7 : memref<128xi32, #tpu.memory_space<hbm>>) target(%arg8 : memref<128xi32, #tpu.memory_space<vmem>>) target_semaphore(%arg14 : memref<!tpu.dma_semaphore, #tpu.memory_space<semaphore_mem>>)
    %add3A_8 = arith.constant 128 : i32
    %add3A_9 = arith.addi %mul3A_2, %add3A_8 : i32
    %dma_start3A_10 = tpu.memref_slice %arg3[%add3A_9] : memref<320000xi32, #tpu.memory_space<hbm>> -> memref<128xi32, #tpu.memory_space<hbm>>
    %dma_start3A_11 = tpu.memref_slice %arg3[%add3A_9] : memref<320000xi32, #tpu.memory_space<hbm>> -> memref<128xi32, #tpu.memory_space<hbm>>
    tpu.enqueue_dma source(%dma_start3A_11 : memref<128xi32, #tpu.memory_space<hbm>>) target(%arg7 : memref<128xi32, #tpu.memory_space<vmem>>) target_semaphore(%arg15 : memref<!tpu.dma_semaphore, #tpu.memory_space<semaphore_mem>>)
    %dma_start3A_12 = tpu.memref_slice %arg4[%add3A_9] : memref<320000xi32, #tpu.memory_space<hbm>> -> memref<128xi32, #tpu.memory_space<hbm>>
    %dma_start3A_13 = tpu.memref_slice %arg4[%add3A_9] : memref<320000xi32, #tpu.memory_space<hbm>> -> memref<128xi32, #tpu.memory_space<hbm>>
    tpu.enqueue_dma source(%dma_start3A_13 : memref<128xi32, #tpu.memory_space<hbm>>) target(%arg9 : memref<128xi32, #tpu.memory_space<vmem>>) target_semaphore(%arg15 : memref<!tpu.dma_semaphore, #tpu.memory_space<semaphore_mem>>)
    %scan3A = arith.constant 0 : i32
    %scan3A_14 = arith.constant 0 : i32
    %scan3A_15 = arith.constant 128 : i32
    %scan3A_16 = arith.addi %scan3A_14, %scan3A_15 : i32
    %scan3A_17 = arith.constant 1 : i32
    scf.for %scan3A_65 = %scan3A_14 to %scan3A_16 step %scan3A_17  : i32 {
      %scan3A_66 = arith.constant 0 : i32
      %scan3A_67 = arith.constant 8 : i32
      %scan3A_68 = arith.addi %scan3A_66, %scan3A_67 : i32
      %scan3A_69 = arith.constant 1 : i32
      scf.for %scan3A_71 = %scan3A_66 to %scan3A_68 step %scan3A_69  : i32 {
        %broadcast_in_dim3A = arith.constant 0.000000e+00 : f32
        %broadcast_in_dim3A_72 = vector.broadcast %broadcast_in_dim3A : f32 to vector<16xf32>
        %mul3A_73 = arith.constant 16 : i32
        %mul3A_74 = arith.muli %scan3A_71, %mul3A_73 : i32
        %swap3A = arith.index_cast %scan3A_65 : i32 to index
        %swap3A_75 = arith.index_cast %mul3A_74 : i32 to index
        %swap3A_76 = tpu.vector_load %arg10[%swap3A, %swap3A_75] {strides = array<i32>} : memref<128x128xf32, #tpu.memory_space<vmem>>, vector<1x16xf32>,
        %swap3A_77 = vector.shape_cast %swap3A_76 : vector<1x16xf32> to vector<16xf32>
        %swap3A_78 = vector.shape_cast %broadcast_in_dim3A_72 : vector<16xf32> to vector<1x16xf32>
        tpu.vector_store %arg10[%swap3A, %swap3A_75], %swap3A_78 {strides = array<i32>} : memref<128x128xf32, #tpu.memory_space<vmem>>, vector<1x16xf32>,
      }
      %scan3A_70 = arith.constant 8 : i32
    }
    %scan3A_18 = arith.constant 128 : i32
    %mul3A_19 = arith.constant 632 : i32
    %mul3A_20 = arith.muli %arg1, %mul3A_19 : i32
    %scan3A_21 = arith.constant 0 : i32
    %scan3A_22 = arith.constant 0 : i32
    %scan3A_23 = arith.constant 4 : i32
    %scan3A_24 = arith.addi %scan3A_22, %scan3A_23 : i32
    %scan3A_25 = arith.constant 1 : i32
    scf.for %scan3A_65 = %scan3A_22 to %scan3A_24 step %scan3A_25  : i32 {
      %mul3A_66 = arith.constant 128 : i32
      %mul3A_67 = arith.muli %scan3A_65, %mul3A_66 : i32
      %add3A_68 = arith.addi %mul3A_20, %mul3A_67 : i32
      "tpu.region"() ({
        %run_scoped3A = tpu.sem_alloc : memref<!tpu.dma_semaphore, #tpu.memory_space<semaphore_mem>>
        %dma_start3A_69 = arith.constant 0 : i32
        %dma_start3A_70 = tpu.memref_slice %arg13[%add3A_68, %dma_start3A_69] : memref<10112x128xf32, #tpu.memory_space<vmem_shared>> -> memref<128x128xf32, #tpu.memory_space<vmem_shared>>
        %dma_start3A_71 = arith.constant 0 : i32
        %dma_start3A_72 = tpu.memref_slice %arg13[%add3A_68, %dma_start3A_71] : memref<10112x128xf32, #tpu.memory_space<vmem_shared>> -> memref<128x128xf32, #tpu.memory_space<vmem_shared>>
        tpu.enqueue_dma source(%arg10 : memref<128x128xf32, #tpu.memory_space<vmem>>) target(%dma_start3A_72 : memref<128x128xf32, #tpu.memory_space<vmem_shared>>) target_semaphore(%run_scoped3A : memref<!tpu.dma_semaphore, #tpu.memory_space<semaphore_mem>>)
        %dma_wait3A_73 = arith.constant 0 : i32
        %dma_wait3A_74 = tpu.memref_slice %arg13[%add3A_68, %dma_wait3A_73] : memref<10112x128xf32, #tpu.memory_space<vmem_shared>> -> memref<128x128xf32, #tpu.memory_space<vmem_shared>>
        %dma_wait3A_75 = arith.constant 0 : i32
        %dma_wait3A_76 = tpu.memref_slice %arg13[%add3A_68, %dma_wait3A_75] : memref<10112x128xf32, #tpu.memory_space<vmem_shared>> -> memref<128x128xf32, #tpu.memory_space<vmem_shared>>
        tpu.wait_dma2 semaphore(%run_scoped3A : memref<!tpu.dma_semaphore, #tpu.memory_space<semaphore_mem>>) src(%arg10 : memref<128x128xf32, #tpu.memory_space<vmem>>) dst(%dma_wait3A_76 : memref<128x128xf32, #tpu.memory_space<vmem_shared>>)
        tpu.yield
      }) : () -> ()
    }
    %scan3A_26 = arith.constant 4 : i32
    %add3A_27 = arith.constant 512 : i32
    %add3A_28 = arith.addi %mul3A_20, %add3A_27 : i32
    "tpu.region"() ({
      %run_scoped3A = tpu.sem_alloc : memref<!tpu.dma_semaphore, #tpu.memory_space<semaphore_mem>>
      %dma_start3A_65 = arith.constant 0 : i32
      %dma_start3A_66 = arith.constant 0 : i32
      %dma_start3A_67 = tpu.memref_slice %arg10[%dma_start3A_65, %dma_start3A_66] : memref<128x128xf32, #tpu.memory_space<vmem>> -> memref<120x128xf32, #tpu.memory_space<vmem>>
      %dma_start3A_68 = arith.constant 0 : i32
      %dma_start3A_69 = tpu.memref_slice %arg13[%add3A_28, %dma_start3A_68] : memref<10112x128xf32, #tpu.memory_space<vmem_shared>> -> memref<120x128xf32, #tpu.memory_space<vmem_shared>>
      %dma_start3A_70 = arith.constant 0 : i32
      %dma_start3A_71 = tpu.memref_slice %arg13[%add3A_28, %dma_start3A_70] : memref<10112x128xf32, #tpu.memory_space<vmem_shared>> -> memref<120x128xf32, #tpu.memory_space<vmem_shared>>
      %dma_start3A_72 = arith.constant 0 : i32
      %dma_start3A_73 = arith.constant 0 : i32
      %dma_start3A_74 = tpu.memref_slice %arg10[%dma_start3A_72, %dma_start3A_73] : memref<128x128xf32, #tpu.memory_space<vmem>> -> memref<120x128xf32, #tpu.memory_space<vmem>>
      tpu.enqueue_dma source(%dma_start3A_74 : memref<120x128xf32, #tpu.memory_space<vmem>>) target(%dma_start3A_71 : memref<120x128xf32, #tpu.memory_space<vmem_shared>>) target_semaphore(%run_scoped3A : memref<!tpu.dma_semaphore, #tpu.memory_space<semaphore_mem>>)
      %dma_wait3A_75 = arith.constant 0 : i32
      %dma_wait3A_76 = arith.constant 0 : i32
      %dma_wait3A_77 = tpu.memref_slice %arg10[%dma_wait3A_75, %dma_wait3A_76] : memref<128x128xf32, #tpu.memory_space<vmem>> -> memref<120x128xf32, #tpu.memory_space<vmem>>
      %dma_wait3A_78 = arith.constant 0 : i32
      %dma_wait3A_79 = tpu.memref_slice %arg13[%add3A_28, %dma_wait3A_78] : memref<10112x128xf32, #tpu.memory_space<vmem_shared>> -> memref<120x128xf32, #tpu.memory_space<vmem_shared>>
      %dma_wait3A_80 = arith.constant 0 : i32
      %dma_wait3A_81 = tpu.memref_slice %arg13[%add3A_28, %dma_wait3A_80] : memref<10112x128xf32, #tpu.memory_space<vmem_shared>> -> memref<120x128xf32, #tpu.memory_space<vmem_shared>>
      %dma_wait3A_82 = arith.constant 0 : i32
      %dma_wait3A_83 = arith.constant 0 : i32
      %dma_wait3A_84 = tpu.memref_slice %arg10[%dma_wait3A_82, %dma_wait3A_83] : memref<128x128xf32, #tpu.memory_space<vmem>> -> memref<120x128xf32, #tpu.memory_space<vmem>>
      tpu.wait_dma2 semaphore(%run_scoped3A : memref<!tpu.dma_semaphore, #tpu.memory_space<semaphore_mem>>) src(%dma_wait3A_84 : memref<120x128xf32, #tpu.memory_space<vmem>>) dst(%dma_wait3A_81 : memref<120x128xf32, #tpu.memory_space<vmem_shared>>)
      tpu.yield
    }) : () -> ()
    %add3A_29 = arith.constant 0 : i32
    %add3A_30 = arith.addi %mul3A_2, %add3A_29 : i32
    %dma_wait3A = tpu.memref_slice %arg3[%add3A_30] : memref<320000xi32, #tpu.memory_space<hbm>> -> memref<128xi32, #tpu.memory_space<hbm>>
    %dma_wait3A_31 = tpu.memref_slice %arg3[%add3A_30] : memref<320000xi32, #tpu.memory_space<hbm>> -> memref<128xi32, #tpu.memory_space<hbm>>
    tpu.wait_dma2 semaphore(%arg14 : memref<!tpu.dma_semaphore, #tpu.memory_space<semaphore_mem>>) src(%dma_wait3A_31 : memref<128xi32, #tpu.memory_space<hbm>>) dst(%arg6 : memref<128xi32, #tpu.memory_space<vmem>>)
    %dma_wait3A_32 = tpu.memref_slice %arg4[%add3A_30] : memref<320000xi32, #tpu.memory_space<hbm>> -> memref<128xi32, #tpu.memory_space<hbm>>
    %dma_wait3A_33 = tpu.memref_slice %arg4[%add3A_30] : memref<320000xi32, #tpu.memory_space<hbm>> -> memref<128xi32, #tpu.memory_space<hbm>>
    tpu.wait_dma2 semaphore(%arg14 : memref<!tpu.dma_semaphore, #tpu.memory_space<semaphore_mem>>) src(%dma_wait3A_33 : memref<128xi32, #tpu.memory_space<hbm>>) dst(%arg8 : memref<128xi32, #tpu.memory_space<vmem>>)
    %dma_start3A_34 = arith.constant 0 : i32
    %dma_start3A_35 = arith.constant 0 : i32
    %dma_start3A_36 = tpu.memref_slice %arg2[%dma_start3A_34, %dma_start3A_35] : memref<10000x128xf32, #tpu.memory_space<hbm>> -> memref<10000x128xf32, #tpu.memory_space<hbm>>
    tpu.enqueue_indirect_dma source(%dma_start3A_36 : memref<10000x128xf32, #tpu.memory_space<hbm>>) target(%arg10 : memref<128x128xf32, #tpu.memory_space<vmem>>) offsets(%arg6 : memref<128xi32, #tpu.memory_space<vmem>>) semaphore(%arg16 : memref<!tpu.dma_semaphore, #tpu.memory_space<semaphore_mem>>)
    %barrier3A = arith.constant 0 : index
    tpu.barrier barrier_id(%barrier3A)
    %scan3A_37 = arith.constant 0 : i32
    %scan3A_38 = arith.constant 0 : i32
    %scan3A_39 = arith.constant 39 : i32
    %scan3A_40 = arith.addi %scan3A_38, %scan3A_39 : i32
    %scan3A_41 = arith.constant 1 : i32
    scf.for %scan3A_65 = %scan3A_38 to %scan3A_40 step %scan3A_41  : i32 {
      %mul3A_66 = arith.constant 2 : i32
      %mul3A_67 = arith.muli %mul3A_66, %scan3A_65 : i32
      %add3A_68 = arith.constant 0 : i32
      %add3A_69 = arith.addi %mul3A_67, %add3A_68 : i32
      %add3A_70 = arith.constant 1 : i32
      %add3A_71 = arith.addi %add3A_69, %add3A_70 : i32
      %lt3A = arith.constant 78 : i32
      %lt3A_72 = arith.cmpi slt, %add3A_71, %lt3A : i32
      %convert_element_type3A = arith.extui %lt3A_72 : i1 to i32
      %cond3A = arith.constant 0 : i32
      %cond3A_73 = arith.cmpi ne, %convert_element_type3A, %cond3A : i32
      scf.if %cond3A_73 {
        %add3A_105 = arith.constant 1 : i32
        %add3A_106 = arith.addi %add3A_69, %add3A_105 : i32
        %mul3A_107 = arith.constant 128 : i32
        %mul3A_108 = arith.muli %add3A_106, %mul3A_107 : i32
        %add3A_109 = arith.addi %mul3A_2, %mul3A_108 : i32
        %dma_wait3A_110 = tpu.memref_slice %arg3[%add3A_109] : memref<320000xi32, #tpu.memory_space<hbm>> -> memref<128xi32, #tpu.memory_space<hbm>>
        %dma_wait3A_111 = tpu.memref_slice %arg3[%add3A_109] : memref<320000xi32, #tpu.memory_space<hbm>> -> memref<128xi32, #tpu.memory_space<hbm>>
        tpu.wait_dma2 semaphore(%arg15 : memref<!tpu.dma_semaphore, #tpu.memory_space<semaphore_mem>>) src(%dma_wait3A_111 : memref<128xi32, #tpu.memory_space<hbm>>) dst(%arg7 : memref<128xi32, #tpu.memory_space<vmem>>)
        %dma_wait3A_112 = tpu.memref_slice %arg4[%add3A_109] : memref<320000xi32, #tpu.memory_space<hbm>> -> memref<128xi32, #tpu.memory_space<hbm>>
        %dma_wait3A_113 = tpu.memref_slice %arg4[%add3A_109] : memref<320000xi32, #tpu.memory_space<hbm>> -> memref<128xi32, #tpu.memory_space<hbm>>
        tpu.wait_dma2 semaphore(%arg15 : memref<!tpu.dma_semaphore, #tpu.memory_space<semaphore_mem>>) src(%dma_wait3A_113 : memref<128xi32, #tpu.memory_space<hbm>>) dst(%arg9 : memref<128xi32, #tpu.memory_space<vmem>>)
        %add3A_114 = arith.constant 1 : i32
        %add3A_115 = arith.addi %add3A_69, %add3A_114 : i32
        %dma_start3A_116 = arith.constant 0 : i32
        %dma_start3A_117 = arith.constant 0 : i32
        %dma_start3A_118 = tpu.memref_slice %arg2[%dma_start3A_116, %dma_start3A_117] : memref<10000x128xf32, #tpu.memory_space<hbm>> -> memref<10000x128xf32, #tpu.memory_space<hbm>>
        tpu.enqueue_indirect_dma source(%dma_start3A_118 : memref<10000x128xf32, #tpu.memory_space<hbm>>) target(%arg11 : memref<128x128xf32, #tpu.memory_space<vmem>>) offsets(%arg7 : memref<128xi32, #tpu.memory_space<vmem>>) semaphore(%arg17 : memref<!tpu.dma_semaphore, #tpu.memory_space<semaphore_mem>>)
      } else {
      }
      %dma_wait3A_74 = arith.constant 0 : i32
      %dma_wait3A_75 = arith.constant 0 : i32
      %dma_wait3A_76 = tpu.memref_slice %arg2[%dma_wait3A_74, %dma_wait3A_75] : memref<10000x128xf32, #tpu.memory_space<hbm>> -> memref<10000x128xf32, #tpu.memory_space<hbm>>
      tpu.wait_indirect_dma semaphore(%arg16 : memref<!tpu.dma_semaphore, #tpu.memory_space<semaphore_mem>>) src(%dma_wait3A_76 : memref<10000x128xf32, #tpu.memory_space<hbm>>) dst(%arg10 : memref<128x128xf32, #tpu.memory_space<vmem>>)
      "tpu.region"() ({
        %run_scoped3A = tpu.sem_alloc : memref<!tpu.dma_semaphore, #tpu.memory_space<semaphore_mem>>
        %dma_start3A_105 = arith.constant 0 : i32
        %dma_start3A_106 = arith.constant 0 : i32
        %dma_start3A_107 = tpu.memref_slice %arg13[%dma_start3A_105, %dma_start3A_106] : memref<10112x128xf32, #tpu.memory_space<vmem_shared>> -> memref<10112x128xf32, #tpu.memory_space<vmem_shared>>
        tpu.enqueue_indirect_dma source(%arg10 : memref<128x128xf32, #tpu.memory_space<vmem>>) target(%dma_start3A_107 : memref<10112x128xf32, #tpu.memory_space<vmem_shared>>) offsets(%arg8 : memref<128xi32, #tpu.memory_space<vmem>>) semaphore(%run_scoped3A : memref<!tpu.dma_semaphore, #tpu.memory_space<semaphore_mem>>) {add = true}
        %dma_wait3A_108 = arith.constant 0 : i32
        %dma_wait3A_109 = arith.constant 0 : i32
        %dma_wait3A_110 = tpu.memref_slice %arg13[%dma_wait3A_108, %dma_wait3A_109] : memref<10112x128xf32, #tpu.memory_space<vmem_shared>> -> memref<10112x128xf32, #tpu.memory_space<vmem_shared>>
        tpu.wait_indirect_dma semaphore(%run_scoped3A : memref<!tpu.dma_semaphore, #tpu.memory_space<semaphore_mem>>) src(%arg10 : memref<128x128xf32, #tpu.memory_space<vmem>>) dst(%dma_wait3A_110 : memref<10112x128xf32, #tpu.memory_space<vmem_shared>>)
        tpu.yield
      }) : () -> ()
      %add3A_77 = arith.constant 2 : i32
      %add3A_78 = arith.addi %add3A_69, %add3A_77 : i32
      %lt3A_79 = arith.constant 78 : i32
      %lt3A_80 = arith.cmpi slt, %add3A_78, %lt3A_79 : i32
      %convert_element_type3A_81 = arith.extui %lt3A_80 : i1 to i32
      %cond3A_82 = arith.constant 0 : i32
      %cond3A_83 = arith.cmpi ne, %convert_element_type3A_81, %cond3A_82 : i32
      scf.if %cond3A_83 {
        %add3A_105 = arith.constant 2 : i32
        %add3A_106 = arith.addi %add3A_69, %add3A_105 : i32
        %mul3A_107 = arith.constant 128 : i32
        %mul3A_108 = arith.muli %add3A_106, %mul3A_107 : i32
        %add3A_109 = arith.addi %mul3A_2, %mul3A_108 : i32
        %dma_start3A_110 = tpu.memref_slice %arg3[%add3A_109] : memref<320000xi32, #tpu.memory_space<hbm>> -> memref<128xi32, #tpu.memory_space<hbm>>
        %dma_start3A_111 = tpu.memref_slice %arg3[%add3A_109] : memref<320000xi32, #tpu.memory_space<hbm>> -> memref<128xi32, #tpu.memory_space<hbm>>
        tpu.enqueue_dma source(%dma_start3A_111 : memref<128xi32, #tpu.memory_space<hbm>>) target(%arg6 : memref<128xi32, #tpu.memory_space<vmem>>) target_semaphore(%arg14 : memref<!tpu.dma_semaphore, #tpu.memory_space<semaphore_mem>>)
        %dma_start3A_112 = tpu.memref_slice %arg4[%add3A_109] : memref<320000xi32, #tpu.memory_space<hbm>> -> memref<128xi32, #tpu.memory_space<hbm>>
        %dma_start3A_113 = tpu.memref_slice %arg4[%add3A_109] : memref<320000xi32, #tpu.memory_space<hbm>> -> memref<128xi32, #tpu.memory_space<hbm>>
        tpu.enqueue_dma source(%dma_start3A_113 : memref<128xi32, #tpu.memory_space<hbm>>) target(%arg8 : memref<128xi32, #tpu.memory_space<vmem>>) target_semaphore(%arg14 : memref<!tpu.dma_semaphore, #tpu.memory_space<semaphore_mem>>)
      } else {
      }
      %mul3A_84 = arith.constant 2 : i32
      %mul3A_85 = arith.muli %mul3A_84, %scan3A_65 : i32
      %add3A_86 = arith.constant 1 : i32
      %add3A_87 = arith.addi %mul3A_85, %add3A_86 : i32
      %add3A_88 = arith.constant 1 : i32
      %add3A_89 = arith.addi %add3A_87, %add3A_88 : i32
      %lt3A_90 = arith.constant 78 : i32
      %lt3A_91 = arith.cmpi slt, %add3A_89, %lt3A_90 : i32
      %convert_element_type3A_92 = arith.extui %lt3A_91 : i1 to i32
      %cond3A_93 = arith.constant 0 : i32
      %cond3A_94 = arith.cmpi ne, %convert_element_type3A_92, %cond3A_93 : i32
      scf.if %cond3A_94 {
        %add3A_105 = arith.constant 1 : i32
        %add3A_106 = arith.addi %add3A_87, %add3A_105 : i32
        %mul3A_107 = arith.constant 128 : i32
        %mul3A_108 = arith.muli %add3A_106, %mul3A_107 : i32
        %add3A_109 = arith.addi %mul3A_2, %mul3A_108 : i32
        %dma_wait3A_110 = tpu.memref_slice %arg3[%add3A_109] : memref<320000xi32, #tpu.memory_space<hbm>> -> memref<128xi32, #tpu.memory_space<hbm>>
        %dma_wait3A_111 = tpu.memref_slice %arg3[%add3A_109] : memref<320000xi32, #tpu.memory_space<hbm>> -> memref<128xi32, #tpu.memory_space<hbm>>
        tpu.wait_dma2 semaphore(%arg14 : memref<!tpu.dma_semaphore, #tpu.memory_space<semaphore_mem>>) src(%dma_wait3A_111 : memref<128xi32, #tpu.memory_space<hbm>>) dst(%arg6 : memref<128xi32, #tpu.memory_space<vmem>>)
        %dma_wait3A_112 = tpu.memref_slice %arg4[%add3A_109] : memref<320000xi32, #tpu.memory_space<hbm>> -> memref<128xi32, #tpu.memory_space<hbm>>
        %dma_wait3A_113 = tpu.memref_slice %arg4[%add3A_109] : memref<320000xi32, #tpu.memory_space<hbm>> -> memref<128xi32, #tpu.memory_space<hbm>>
        tpu.wait_dma2 semaphore(%arg14 : memref<!tpu.dma_semaphore, #tpu.memory_space<semaphore_mem>>) src(%dma_wait3A_113 : memref<128xi32, #tpu.memory_space<hbm>>) dst(%arg8 : memref<128xi32, #tpu.memory_space<vmem>>)
        %add3A_114 = arith.constant 1 : i32
        %add3A_115 = arith.addi %add3A_87, %add3A_114 : i32
        %dma_start3A_116 = arith.constant 0 : i32
        %dma_start3A_117 = arith.constant 0 : i32
        %dma_start3A_118 = tpu.memref_slice %arg2[%dma_start3A_116, %dma_start3A_117] : memref<10000x128xf32, #tpu.memory_space<hbm>> -> memref<10000x128xf32, #tpu.memory_space<hbm>>
        tpu.enqueue_indirect_dma source(%dma_start3A_118 : memref<10000x128xf32, #tpu.memory_space<hbm>>) target(%arg10 : memref<128x128xf32, #tpu.memory_space<vmem>>) offsets(%arg6 : memref<128xi32, #tpu.memory_space<vmem>>) semaphore(%arg16 : memref<!tpu.dma_semaphore, #tpu.memory_space<semaphore_mem>>)
      } else {
      }
      %dma_wait3A_95 = arith.constant 0 : i32
      %dma_wait3A_96 = arith.constant 0 : i32
      %dma_wait3A_97 = tpu.memref_slice %arg2[%dma_wait3A_95, %dma_wait3A_96] : memref<10000x128xf32, #tpu.memory_space<hbm>> -> memref<10000x128xf32, #tpu.memory_space<hbm>>
      tpu.wait_indirect_dma semaphore(%arg17 : memref<!tpu.dma_semaphore, #tpu.memory_space<semaphore_mem>>) src(%dma_wait3A_97 : memref<10000x128xf32, #tpu.memory_space<hbm>>) dst(%arg11 : memref<128x128xf32, #tpu.memory_space<vmem>>)
      "tpu.region"() ({
        %run_scoped3A = tpu.sem_alloc : memref<!tpu.dma_semaphore, #tpu.memory_space<semaphore_mem>>
        %dma_start3A_105 = arith.constant 0 : i32
        %dma_start3A_106 = arith.constant 0 : i32
        %dma_start3A_107 = tpu.memref_slice %arg13[%dma_start3A_105, %dma_start3A_106] : memref<10112x128xf32, #tpu.memory_space<vmem_shared>> -> memref<10112x128xf32, #tpu.memory_space<vmem_shared>>
        tpu.enqueue_indirect_dma source(%arg11 : memref<128x128xf32, #tpu.memory_space<vmem>>) target(%dma_start3A_107 : memref<10112x128xf32, #tpu.memory_space<vmem_shared>>) offsets(%arg9 : memref<128xi32, #tpu.memory_space<vmem>>) semaphore(%run_scoped3A : memref<!tpu.dma_semaphore, #tpu.memory_space<semaphore_mem>>) {add = true}
        %dma_wait3A_108 = arith.constant 0 : i32
        %dma_wait3A_109 = arith.constant 0 : i32
        %dma_wait3A_110 = tpu.memref_slice %arg13[%dma_wait3A_108, %dma_wait3A_109] : memref<10112x128xf32, #tpu.memory_space<vmem_shared>> -> memref<10112x128xf32, #tpu.memory_space<vmem_shared>>
        tpu.wait_indirect_dma semaphore(%run_scoped3A : memref<!tpu.dma_semaphore, #tpu.memory_space<semaphore_mem>>) src(%arg11 : memref<128x128xf32, #tpu.memory_space<vmem>>) dst(%dma_wait3A_110 : memref<10112x128xf32, #tpu.memory_space<vmem_shared>>)
        tpu.yield
      }) : () -> ()
      %add3A_98 = arith.constant 2 : i32
      %add3A_99 = arith.addi %add3A_87, %add3A_98 : i32
      %lt3A_100 = arith.constant 78 : i32
      %lt3A_101 = arith.cmpi slt, %add3A_99, %lt3A_100 : i32
      %convert_element_type3A_102 = arith.extui %lt3A_101 : i1 to i32
      %cond3A_103 = arith.constant 0 : i32
      %cond3A_104 = arith.cmpi ne, %convert_element_type3A_102, %cond3A_103 : i32
      scf.if %cond3A_104 {
        %add3A_105 = arith.constant 2 : i32
        %add3A_106 = arith.addi %add3A_87, %add3A_105 : i32
        %mul3A_107 = arith.constant 128 : i32
        %mul3A_108 = arith.muli %add3A_106, %mul3A_107 : i32
        %add3A_109 = arith.addi %mul3A_2, %mul3A_108 : i32
        %dma_start3A_110 = tpu.memref_slice %arg3[%add3A_109] : memref<320000xi32, #tpu.memory_space<hbm>> -> memref<128xi32, #tpu.memory_space<hbm>>
        %dma_start3A_111 = tpu.memref_slice %arg3[%add3A_109] : memref<320000xi32, #tpu.memory_space<hbm>> -> memref<128xi32, #tpu.memory_space<hbm>>
        tpu.enqueue_dma source(%dma_start3A_111 : memref<128xi32, #tpu.memory_space<hbm>>) target(%arg7 : memref<128xi32, #tpu.memory_space<vmem>>) target_semaphore(%arg15 : memref<!tpu.dma_semaphore, #tpu.memory_space<semaphore_mem>>)
        %dma_start3A_112 = tpu.memref_slice %arg4[%add3A_109] : memref<320000xi32, #tpu.memory_space<hbm>> -> memref<128xi32, #tpu.memory_space<hbm>>
        %dma_start3A_113 = tpu.memref_slice %arg4[%add3A_109] : memref<320000xi32, #tpu.memory_space<hbm>> -> memref<128xi32, #tpu.memory_space<hbm>>
        tpu.enqueue_dma source(%dma_start3A_113 : memref<128xi32, #tpu.memory_space<hbm>>) target(%arg9 : memref<128xi32, #tpu.memory_space<vmem>>) target_semaphore(%arg15 : memref<!tpu.dma_semaphore, #tpu.memory_space<semaphore_mem>>)
      } else {
      }
    }
    %scan3A_42 = arith.constant 39 : i32
    %add3A_43 = arith.constant 9984 : i32
    %add3A_44 = arith.addi %mul3A_2, %add3A_43 : i32
    "tpu.region"() ({
      %run_scoped3A = tpu.sem_alloc : memref<!tpu.dma_semaphore, #tpu.memory_space<semaphore_mem>>
      %dma_start3A_65 = arith.constant 0 : i32
      %dma_start3A_66 = tpu.memref_slice %arg6[%dma_start3A_65] : memref<128xi32, #tpu.memory_space<vmem>> -> memref<16xi32, #tpu.memory_space<vmem>>
      %dma_start3A_67 = tpu.memref_slice %arg3[%add3A_44] : memref<320000xi32, #tpu.memory_space<hbm>> -> memref<16xi32, #tpu.memory_space<hbm>>
      %dma_start3A_68 = arith.constant 0 : i32
      %dma_start3A_69 = tpu.memref_slice %arg6[%dma_start3A_68] : memref<128xi32, #tpu.memory_space<vmem>> -> memref<16xi32, #tpu.memory_space<vmem>>
      %dma_start3A_70 = tpu.memref_slice %arg3[%add3A_44] : memref<320000xi32, #tpu.memory_space<hbm>> -> memref<16xi32, #tpu.memory_space<hbm>>
      tpu.enqueue_dma source(%dma_start3A_70 : memref<16xi32, #tpu.memory_space<hbm>>) target(%dma_start3A_69 : memref<16xi32, #tpu.memory_space<vmem>>) target_semaphore(%run_scoped3A : memref<!tpu.dma_semaphore, #tpu.memory_space<semaphore_mem>>)
      %dma_wait3A_71 = arith.constant 0 : i32
      %dma_wait3A_72 = tpu.memref_slice %arg6[%dma_wait3A_71] : memref<128xi32, #tpu.memory_space<vmem>> -> memref<16xi32, #tpu.memory_space<vmem>>
      %dma_wait3A_73 = tpu.memref_slice %arg3[%add3A_44] : memref<320000xi32, #tpu.memory_space<hbm>> -> memref<16xi32, #tpu.memory_space<hbm>>
      %dma_wait3A_74 = arith.constant 0 : i32
      %dma_wait3A_75 = tpu.memref_slice %arg6[%dma_wait3A_74] : memref<128xi32, #tpu.memory_space<vmem>> -> memref<16xi32, #tpu.memory_space<vmem>>
      %dma_wait3A_76 = tpu.memref_slice %arg3[%add3A_44] : memref<320000xi32, #tpu.memory_space<hbm>> -> memref<16xi32, #tpu.memory_space<hbm>>
      tpu.wait_dma2 semaphore(%run_scoped3A : memref<!tpu.dma_semaphore, #tpu.memory_space<semaphore_mem>>) src(%dma_wait3A_76 : memref<16xi32, #tpu.memory_space<hbm>>) dst(%dma_wait3A_75 : memref<16xi32, #tpu.memory_space<vmem>>)
      tpu.yield
    }) : () -> ()
    "tpu.region"() ({
      %run_scoped3A = tpu.sem_alloc : memref<!tpu.dma_semaphore, #tpu.memory_space<semaphore_mem>>
      %dma_start3A_65 = tpu.memref_slice %arg4[%add3A_44] : memref<320000xi32, #tpu.memory_space<hbm>> -> memref<16xi32, #tpu.memory_space<hbm>>
      %dma_start3A_66 = tpu.memref_slice %arg4[%add3A_44] : memref<320000xi32, #tpu.memory_space<hbm>> -> memref<16xi32, #tpu.memory_space<hbm>>
      tpu.enqueue_dma source(%dma_start3A_66 : memref<16xi32, #tpu.memory_space<hbm>>) target(%arg12 : memref<16xi32, #tpu.memory_space<vmem>>) target_semaphore(%run_scoped3A : memref<!tpu.dma_semaphore, #tpu.memory_space<semaphore_mem>>)
      %dma_wait3A_67 = tpu.memref_slice %arg4[%add3A_44] : memref<320000xi32, #tpu.memory_space<hbm>> -> memref<16xi32, #tpu.memory_space<hbm>>
      %dma_wait3A_68 = tpu.memref_slice %arg4[%add3A_44] : memref<320000xi32, #tpu.memory_space<hbm>> -> memref<16xi32, #tpu.memory_space<hbm>>
      tpu.wait_dma2 semaphore(%run_scoped3A : memref<!tpu.dma_semaphore, #tpu.memory_space<semaphore_mem>>) src(%dma_wait3A_68 : memref<16xi32, #tpu.memory_space<hbm>>) dst(%arg12 : memref<16xi32, #tpu.memory_space<vmem>>)
      tpu.yield
    }) : () -> ()
    %dma_start3A_45 = arith.constant 0 : i32
    %dma_start3A_46 = arith.constant 0 : i32
    %dma_start3A_47 = tpu.memref_slice %arg10[%dma_start3A_45, %dma_start3A_46] : memref<128x128xf32, #tpu.memory_space<vmem>> -> memref<16x128xf32, #tpu.memory_space<vmem>>
    %dma_start3A_48 = arith.constant 0 : i32
    %dma_start3A_49 = tpu.memref_slice %arg6[%dma_start3A_48] : memref<128xi32, #tpu.memory_space<vmem>> -> memref<16xi32, #tpu.memory_space<vmem>>
    %dma_start3A_50 = arith.constant 0 : i32
    %dma_start3A_51 = arith.constant 0 : i32
    %dma_start3A_52 = tpu.memref_slice %arg2[%dma_start3A_50, %dma_start3A_51] : memref<10000x128xf32, #tpu.memory_space<hbm>> -> memref<10000x128xf32, #tpu.memory_space<hbm>>
    tpu.enqueue_indirect_dma source(%dma_start3A_52 : memref<10000x128xf32, #tpu.memory_space<hbm>>) target(%dma_start3A_47 : memref<16x128xf32, #tpu.memory_space<vmem>>) offsets(%dma_start3A_49 : memref<16xi32, #tpu.memory_space<vmem>>) semaphore(%arg16 : memref<!tpu.dma_semaphore, #tpu.memory_space<semaphore_mem>>)
    %dma_wait3A_53 = arith.constant 0 : i32
    %dma_wait3A_54 = arith.constant 0 : i32
    %dma_wait3A_55 = tpu.memref_slice %arg10[%dma_wait3A_53, %dma_wait3A_54] : memref<128x128xf32, #tpu.memory_space<vmem>> -> memref<16x128xf32, #tpu.memory_space<vmem>>
    %dma_wait3A_56 = arith.constant 0 : i32
    %dma_wait3A_57 = tpu.memref_slice %arg6[%dma_wait3A_56] : memref<128xi32, #tpu.memory_space<vmem>> -> memref<16xi32, #tpu.memory_space<vmem>>
    %dma_wait3A_58 = arith.constant 0 : i32
    %dma_wait3A_59 = arith.constant 0 : i32
    %dma_wait3A_60 = tpu.memref_slice %arg2[%dma_wait3A_58, %dma_wait3A_59] : memref<10000x128xf32, #tpu.memory_space<hbm>> -> memref<10000x128xf32, #tpu.memory_space<hbm>>
    tpu.wait_indirect_dma semaphore(%arg16 : memref<!tpu.dma_semaphore, #tpu.memory_space<semaphore_mem>>) src(%dma_wait3A_60 : memref<10000x128xf32, #tpu.memory_space<hbm>>) dst(%dma_wait3A_55 : memref<16x128xf32, #tpu.memory_space<vmem>>)
    "tpu.region"() ({
      %run_scoped3A = tpu.sem_alloc : memref<!tpu.dma_semaphore, #tpu.memory_space<semaphore_mem>>
      %dma_start3A_65 = arith.constant 0 : i32
      %dma_start3A_66 = arith.constant 0 : i32
      %dma_start3A_67 = tpu.memref_slice %arg10[%dma_start3A_65, %dma_start3A_66] : memref<128x128xf32, #tpu.memory_space<vmem>> -> memref<16x128xf32, #tpu.memory_space<vmem>>
      %dma_start3A_68 = arith.constant 0 : i32
      %dma_start3A_69 = arith.constant 0 : i32
      %dma_start3A_70 = tpu.memref_slice %arg13[%dma_start3A_68, %dma_start3A_69] : memref<10112x128xf32, #tpu.memory_space<vmem_shared>> -> memref<10112x128xf32, #tpu.memory_space<vmem_shared>>
      tpu.enqueue_indirect_dma source(%dma_start3A_67 : memref<16x128xf32, #tpu.memory_space<vmem>>) target(%dma_start3A_70 : memref<10112x128xf32, #tpu.memory_space<vmem_shared>>) offsets(%arg12 : memref<16xi32, #tpu.memory_space<vmem>>) semaphore(%run_scoped3A : memref<!tpu.dma_semaphore, #tpu.memory_space<semaphore_mem>>) {add = true}
      %dma_wait3A_71 = arith.constant 0 : i32
      %dma_wait3A_72 = arith.constant 0 : i32
      %dma_wait3A_73 = tpu.memref_slice %arg10[%dma_wait3A_71, %dma_wait3A_72] : memref<128x128xf32, #tpu.memory_space<vmem>> -> memref<16x128xf32, #tpu.memory_space<vmem>>
      %dma_wait3A_74 = arith.constant 0 : i32
      %dma_wait3A_75 = arith.constant 0 : i32
      %dma_wait3A_76 = tpu.memref_slice %arg13[%dma_wait3A_74, %dma_wait3A_75] : memref<10112x128xf32, #tpu.memory_space<vmem_shared>> -> memref<10112x128xf32, #tpu.memory_space<vmem_shared>>
      tpu.wait_indirect_dma semaphore(%run_scoped3A : memref<!tpu.dma_semaphore, #tpu.memory_space<semaphore_mem>>) src(%dma_wait3A_73 : memref<16x128xf32, #tpu.memory_space<vmem>>) dst(%dma_wait3A_76 : memref<10112x128xf32, #tpu.memory_space<vmem_shared>>)
      tpu.yield
    }) : () -> ()
    %barrier3A_61 = arith.constant 0 : index
    tpu.barrier barrier_id(%barrier3A_61)
    %mul3A_62 = arith.constant 10112 : i32
    %mul3A_63 = arith.muli %arg0, %mul3A_62 : i32
    %add3A_64 = arith.addi %mul3A_63, %mul3A_20 : i32
    "tpu.region"() ({
      %run_scoped3A = tpu.sem_alloc : memref<!tpu.dma_semaphore, #tpu.memory_space<semaphore_mem>>
      %dma_start3A_65 = arith.constant 0 : i32
      %dma_start3A_66 = tpu.memref_slice %arg5[%add3A_64, %dma_start3A_65] : memref<20224x128xf32, #tpu.memory_space<hbm>> -> memref<632x128xf32, #tpu.memory_space<hbm>>
      %dma_start3A_67 = arith.constant 0 : i32
      %dma_start3A_68 = tpu.memref_slice %arg13[%mul3A_20, %dma_start3A_67] : memref<10112x128xf32, #tpu.memory_space<vmem_shared>> -> memref<632x128xf32, #tpu.memory_space<vmem_shared>>
      tpu.enqueue_dma source(%dma_start3A_68 : memref<632x128xf32, #tpu.memory_space<vmem_shared>>) target(%dma_start3A_66 : memref<632x128xf32, #tpu.memory_space<hbm>>) target_semaphore(%run_scoped3A : memref<!tpu.dma_semaphore, #tpu.memory_space<semaphore_mem>>)
      %dma_wait3A_69 = arith.constant 0 : i32
      %dma_wait3A_70 = tpu.memref_slice %arg5[%add3A_64, %dma_wait3A_69] : memref<20224x128xf32, #tpu.memory_space<hbm>> -> memref<632x128xf32, #tpu.memory_space<hbm>>
      %dma_wait3A_71 = arith.constant 0 : i32
      %dma_wait3A_72 = tpu.memref_slice %arg13[%mul3A_20, %dma_wait3A_71] : memref<10112x128xf32, #tpu.memory_space<vmem_shared>> -> memref<632x128xf32, #tpu.memory_space<vmem_shared>>
      tpu.wait_dma2 semaphore(%run_scoped3A : memref<!tpu.dma_semaphore, #tpu.memory_space<semaphore_mem>>) src(%dma_wait3A_72 : memref<632x128xf32, #tpu.memory_space<vmem_shared>>) dst(%dma_wait3A_70 : memref<632x128xf32, #tpu.memory_space<hbm>>)
      tpu.yield
    }) : () -> ()
    return
  }
}

module attributes {stable_mosaic.version = 14 : i64} {
  func.func @kern(%arg0: i32, %arg1: memref<2000x128xf32, #tpu.memory_space<vmem>>, %arg2: memref<1x2000x128xf32, #tpu.memory_space<vmem>>, %arg3: memref<1x2000x128xf32, #tpu.memory_space<vmem>>, %arg4: memref<128x128xf32, #tpu.memory_space<vmem>>, %arg5: memref<1x128xf32, #tpu.memory_space<vmem>>, %arg6: memref<128x128xf32, #tpu.memory_space<vmem>>, %arg7: memref<1x128xf32, #tpu.memory_space<vmem>>, %arg8: memref<2000x128xf32, #tpu.memory_space<vmem>>) attributes {dimension_semantics = [#tpu.dimension_semantics<arbitrary>], iteration_bounds = array<i64: 5>, scalar_prefetch = 0 : i64, scratch_operands = 0 : i64, tpu.core_type = #tpu.core_type<tc>, window_params = [{transform_indices = @transform_0, window_bounds = array<i64: 2000, 128>}, {transform_indices = @transform_1, window_bounds = array<i64: 1, 2000, 128>}, {transform_indices = @transform_2, window_bounds = array<i64: 1, 2000, 128>}, {pipeline_mode = #tpu.pipeline_mode<synchronous>, transform_indices = @transform_3, window_bounds = array<i64: 128, 128>}, {pipeline_mode = #tpu.pipeline_mode<synchronous>, transform_indices = @transform_4, window_bounds = array<i64: 1, 128>}, {pipeline_mode = #tpu.pipeline_mode<synchronous>, transform_indices = @transform_5, window_bounds = array<i64: 128, 128>}, {pipeline_mode = #tpu.pipeline_mode<synchronous>, transform_indices = @transform_6, window_bounds = array<i64: 1, 128>}, {transform_indices = @transform_7, window_bounds = array<i64: 2000, 128>}]} {
    %get3A = arith.constant 0 : index
    %get3A_0 = arith.constant 0 : index
    %get3A_1 = vector.load %arg1[%get3A, %get3A_0] : memref<2000x128xf32, #tpu.memory_space<vmem>>, vector<2000x128xf32>
    %get3A_2 = arith.constant 0 : index
    %get3A_3 = arith.constant 0 : index
    %get3A_4 = arith.constant 0 : index
    %get3A_5 = vector.load %arg2[%get3A_2, %get3A_3, %get3A_4] : memref<1x2000x128xf32, #tpu.memory_space<vmem>>, vector<1x2000x128xf32>
    %get3A_6 = vector.shape_cast %get3A_5 : vector<1x2000x128xf32> to vector<2000x128xf32>
    %add3A = arith.addf %get3A_1, %get3A_6 : vector<2000x128xf32>
    %get3A_7 = arith.constant 0 : index
    %get3A_8 = arith.constant 0 : index
    %get3A_9 = arith.constant 0 : index
    %get3A_10 = vector.load %arg3[%get3A_7, %get3A_8, %get3A_9] : memref<1x2000x128xf32, #tpu.memory_space<vmem>>, vector<1x2000x128xf32>
    %get3A_11 = vector.shape_cast %get3A_10 : vector<1x2000x128xf32> to vector<2000x128xf32>
    %add3A_12 = arith.addf %add3A, %get3A_11 : vector<2000x128xf32>
    %get3A_13 = arith.constant 0 : index
    %get3A_14 = arith.constant 0 : index
    %get3A_15 = vector.load %arg4[%get3A_13, %get3A_14] : memref<128x128xf32, #tpu.memory_space<vmem>>, vector<128x128xf32>
    %dot_general3A = arith.constant dense<0.000000e+00> : vector<2000x128xf32>
    %dot_general3A_16 = tpu.matmul %add3A_12, %get3A_15, %dot_general3A {dimension_numbers = #tpu.dot_dimension_numbers<[1], [0], [0], [1], [0, 0, 1, 1], [], []>, transpose_lhs_hint = false} : vector<2000x128xf32>, vector<128x128xf32>, vector<2000x128xf32> -> vector<2000x128xf32>
    %get3A_17 = arith.constant 0 : index
    %get3A_18 = arith.constant 0 : index
    %get3A_19 = vector.load %arg5[%get3A_17, %get3A_18] : memref<1x128xf32, #tpu.memory_space<vmem>>, vector<1x128xf32>
    %add3A_20 = vector.broadcast %get3A_19 : vector<1x128xf32> to vector<2000x128xf32>
    %add3A_21 = arith.addf %dot_general3A_16, %add3A_20 : vector<2000x128xf32>
    %max3A = arith.constant 0.000000e+00 : f32
    %max3A_22 = vector.broadcast %max3A : f32 to vector<2000x128xf32>
    %max3A_23 = arith.maximumf %add3A_21, %max3A_22 : vector<2000x128xf32>
    %get3A_24 = arith.constant 0 : index
    %get3A_25 = arith.constant 0 : index
    %get3A_26 = vector.load %arg6[%get3A_24, %get3A_25] : memref<128x128xf32, #tpu.memory_space<vmem>>, vector<128x128xf32>
    %dot_general3A_27 = arith.constant dense<0.000000e+00> : vector<2000x128xf32>
    %dot_general3A_28 = tpu.matmul %max3A_23, %get3A_26, %dot_general3A_27 {dimension_numbers = #tpu.dot_dimension_numbers<[1], [0], [0], [1], [0, 0, 1, 1], [], []>, transpose_lhs_hint = false} : vector<2000x128xf32>, vector<128x128xf32>, vector<2000x128xf32> -> vector<2000x128xf32>
    %get3A_29 = arith.constant 0 : index
    %get3A_30 = arith.constant 0 : index
    %get3A_31 = vector.load %arg7[%get3A_29, %get3A_30] : memref<1x128xf32, #tpu.memory_space<vmem>>, vector<1x128xf32>
    %add3A_32 = vector.broadcast %get3A_31 : vector<1x128xf32> to vector<2000x128xf32>
    %add3A_33 = arith.addf %dot_general3A_28, %add3A_32 : vector<2000x128xf32>
    %max3A_34 = arith.constant 0.000000e+00 : f32
    %max3A_35 = vector.broadcast %max3A_34 : f32 to vector<2000x128xf32>
    %max3A_36 = arith.maximumf %add3A_33, %max3A_35 : vector<2000x128xf32>
    %swap3A = arith.constant 0 : index
    %swap3A_37 = arith.constant 0 : index
    %swap3A_38 = vector.load %arg8[%swap3A, %swap3A_37] : memref<2000x128xf32, #tpu.memory_space<vmem>>, vector<2000x128xf32>
    tpu.vector_store %arg8[%swap3A, %swap3A_37], %max3A_36 {strides = array<i32>} : memref<2000x128xf32, #tpu.memory_space<vmem>>, vector<2000x128xf32>,
    return
  }
  func.func @transform_0(%arg0: i32) -> (i32, i32) {
    %c0_i32 = arith.constant 0 : i32
    %c0_i32_0 = arith.constant 0 : i32
    return %arg0, %c0_i32 : i32, i32
  }
  func.func @transform_1(%arg0: i32) -> (i32, i32, i32) {
    %c0_i32 = arith.constant 0 : i32
    %c0_i32_0 = arith.constant 0 : i32
    %c0_i32_1 = arith.constant 0 : i32
    return %c0_i32, %arg0, %c0_i32_0 : i32, i32, i32
  }
  func.func @transform_2(%arg0: i32) -> (i32, i32, i32) {
    %c1_i32 = arith.constant 1 : i32
    %c0_i32 = arith.constant 0 : i32
    %c0_i32_0 = arith.constant 0 : i32
    return %c1_i32, %arg0, %c0_i32 : i32, i32, i32
  }
  func.func @transform_3(%arg0: i32) -> (i32, i32) {
    %c0_i32 = arith.constant 0 : i32
    %c0_i32_0 = arith.constant 0 : i32
    %c0_i32_1 = arith.constant 0 : i32
    return %c0_i32, %c0_i32_0 : i32, i32
  }
  func.func @transform_4(%arg0: i32) -> (i32, i32) {
    %c0_i32 = arith.constant 0 : i32
    %c0_i32_0 = arith.constant 0 : i32
    %c0_i32_1 = arith.constant 0 : i32
    return %c0_i32, %c0_i32_0 : i32, i32
  }
  func.func @transform_5(%arg0: i32) -> (i32, i32) {
    %c0_i32 = arith.constant 0 : i32
    %c0_i32_0 = arith.constant 0 : i32
    %c0_i32_1 = arith.constant 0 : i32
    return %c0_i32, %c0_i32_0 : i32, i32
  }
  func.func @transform_6(%arg0: i32) -> (i32, i32) {
    %c0_i32 = arith.constant 0 : i32
    %c0_i32_0 = arith.constant 0 : i32
    %c0_i32_1 = arith.constant 0 : i32
    return %c0_i32, %c0_i32_0 : i32, i32
  }
  func.func @transform_7(%arg0: i32) -> (i32, i32) {
    %c0_i32 = arith.constant 0 : i32
    %c0_i32_0 = arith.constant 0 : i32
    return %arg0, %c0_i32 : i32, i32
  }
}

module attributes {stable_mosaic.version = 14 : i64} {
  func.func @kern(%arg0: i32, %arg1: memref<2000x128xf32, #tpu.memory_space<vmem>>, %arg2: memref<1x2000x128xf32, #tpu.memory_space<vmem>>, %arg3: memref<1x2000x128xf32, #tpu.memory_space<vmem>>, %arg4: memref<128x128xf32, #tpu.memory_space<vmem>>, %arg5: memref<1x128xf32, #tpu.memory_space<vmem>>, %arg6: memref<128x128xf32, #tpu.memory_space<vmem>>, %arg7: memref<1x128xf32, #tpu.memory_space<vmem>>, %arg8: memref<1x1x2000xi32, #tpu.memory_space<vmem>>, %arg9: memref<128x128xf32, #tpu.memory_space<vmem>>, %arg10: memref<1x128xf32, #tpu.memory_space<vmem>>, %arg11: memref<128x128xf32, #tpu.memory_space<vmem>>, %arg12: memref<1x128xf32, #tpu.memory_space<vmem>>, %arg13: memref<64x128xf32, #tpu.memory_space<vmem>>, %arg14: memref<64x128xf32, #tpu.memory_space<vmem>>) attributes {dimension_semantics = [#tpu.dimension_semantics<arbitrary>], iteration_bounds = array<i64: 5>, scalar_prefetch = 0 : i64, scratch_operands = 1 : i64, tpu.core_type = #tpu.core_type<tc>, window_params = [{transform_indices = @transform_0, window_bounds = array<i64: 2000, 128>}, {transform_indices = @transform_1, window_bounds = array<i64: 1, 2000, 128>}, {transform_indices = @transform_2, window_bounds = array<i64: 1, 2000, 128>}, {pipeline_mode = #tpu.pipeline_mode<synchronous>, transform_indices = @transform_3, window_bounds = array<i64: 128, 128>}, {pipeline_mode = #tpu.pipeline_mode<synchronous>, transform_indices = @transform_4, window_bounds = array<i64: 1, 128>}, {pipeline_mode = #tpu.pipeline_mode<synchronous>, transform_indices = @transform_5, window_bounds = array<i64: 128, 128>}, {pipeline_mode = #tpu.pipeline_mode<synchronous>, transform_indices = @transform_6, window_bounds = array<i64: 1, 128>}, {transform_indices = @transform_7, window_bounds = array<i64: 1, 1, 2000>}, {pipeline_mode = #tpu.pipeline_mode<synchronous>, transform_indices = @transform_8, window_bounds = array<i64: 128, 128>}, {pipeline_mode = #tpu.pipeline_mode<synchronous>, transform_indices = @transform_9, window_bounds = array<i64: 1, 128>}, {pipeline_mode = #tpu.pipeline_mode<synchronous>, transform_indices = @transform_10, window_bounds = array<i64: 128, 128>}, {pipeline_mode = #tpu.pipeline_mode<synchronous>, transform_indices = @transform_11, window_bounds = array<i64: 1, 128>}, {pipeline_mode = #tpu.pipeline_mode<synchronous>, transform_indices = @transform_12, window_bounds = array<i64: 64, 128>}]} {
    %eq3A = arith.constant 0 : i32
    %eq3A_0 = arith.cmpi eq, %arg0, %eq3A : i32
    %convert_element_type3A = arith.extui %eq3A_0 : i1 to i32
    %cond3A = arith.constant 0 : i32
    %cond3A_1 = arith.cmpi ne, %convert_element_type3A, %cond3A : i32
    scf.if %cond3A_1 {
      %broadcast_in_dim3A_61 = arith.constant 0.000000e+00 : f32
      %broadcast_in_dim3A_62 = vector.broadcast %broadcast_in_dim3A_61 : f32 to vector<64x128xf32>
      %swap3A_63 = arith.constant 0 : index
      %swap3A_64 = arith.constant 0 : index
      %swap3A_65 = vector.load %arg14[%swap3A_63, %swap3A_64] : memref<64x128xf32, #tpu.memory_space<vmem>>, vector<64x128xf32>
      tpu.vector_store %arg14[%swap3A_63, %swap3A_64], %broadcast_in_dim3A_62 {strides = array<i32>} : memref<64x128xf32, #tpu.memory_space<vmem>>, vector<64x128xf32>,
    } else {
    }
    %get3A = arith.constant 0 : index
    %get3A_2 = arith.constant 0 : index
    %get3A_3 = vector.load %arg1[%get3A, %get3A_2] : memref<2000x128xf32, #tpu.memory_space<vmem>>, vector<2000x128xf32>
    %get3A_4 = arith.constant 0 : index
    %get3A_5 = arith.constant 0 : index
    %get3A_6 = arith.constant 0 : index
    %get3A_7 = vector.load %arg2[%get3A_4, %get3A_5, %get3A_6] : memref<1x2000x128xf32, #tpu.memory_space<vmem>>, vector<1x2000x128xf32>
    %get3A_8 = vector.shape_cast %get3A_7 : vector<1x2000x128xf32> to vector<2000x128xf32>
    %add3A = arith.addf %get3A_3, %get3A_8 : vector<2000x128xf32>
    %get3A_9 = arith.constant 0 : index
    %get3A_10 = arith.constant 0 : index
    %get3A_11 = arith.constant 0 : index
    %get3A_12 = vector.load %arg3[%get3A_9, %get3A_10, %get3A_11] : memref<1x2000x128xf32, #tpu.memory_space<vmem>>, vector<1x2000x128xf32>
    %get3A_13 = vector.shape_cast %get3A_12 : vector<1x2000x128xf32> to vector<2000x128xf32>
    %add3A_14 = arith.addf %add3A, %get3A_13 : vector<2000x128xf32>
    %get3A_15 = arith.constant 0 : index
    %get3A_16 = arith.constant 0 : index
    %get3A_17 = vector.load %arg4[%get3A_15, %get3A_16] : memref<128x128xf32, #tpu.memory_space<vmem>>, vector<128x128xf32>
    %dot_general3A = arith.constant dense<0.000000e+00> : vector<2000x128xf32>
    %dot_general3A_18 = tpu.matmul %add3A_14, %get3A_17, %dot_general3A {dimension_numbers = #tpu.dot_dimension_numbers<[1], [0], [0], [1], [0, 0, 1, 1], [], []>, transpose_lhs_hint = false} : vector<2000x128xf32>, vector<128x128xf32>, vector<2000x128xf32> -> vector<2000x128xf32>
    %get3A_19 = arith.constant 0 : index
    %get3A_20 = arith.constant 0 : index
    %get3A_21 = vector.load %arg5[%get3A_19, %get3A_20] : memref<1x128xf32, #tpu.memory_space<vmem>>, vector<1x128xf32>
    %add3A_22 = vector.broadcast %get3A_21 : vector<1x128xf32> to vector<2000x128xf32>
    %add3A_23 = arith.addf %dot_general3A_18, %add3A_22 : vector<2000x128xf32>
    %max3A = arith.constant 0.000000e+00 : f32
    %max3A_24 = vector.broadcast %max3A : f32 to vector<2000x128xf32>
    %max3A_25 = arith.maximumf %add3A_23, %max3A_24 : vector<2000x128xf32>
    %get3A_26 = arith.constant 0 : index
    %get3A_27 = arith.constant 0 : index
    %get3A_28 = vector.load %arg6[%get3A_26, %get3A_27] : memref<128x128xf32, #tpu.memory_space<vmem>>, vector<128x128xf32>
    %dot_general3A_29 = arith.constant dense<0.000000e+00> : vector<2000x128xf32>
    %dot_general3A_30 = tpu.matmul %max3A_25, %get3A_28, %dot_general3A_29 {dimension_numbers = #tpu.dot_dimension_numbers<[1], [0], [0], [1], [0, 0, 1, 1], [], []>, transpose_lhs_hint = false} : vector<2000x128xf32>, vector<128x128xf32>, vector<2000x128xf32> -> vector<2000x128xf32>
    %get3A_31 = arith.constant 0 : index
    %get3A_32 = arith.constant 0 : index
    %get3A_33 = vector.load %arg7[%get3A_31, %get3A_32] : memref<1x128xf32, #tpu.memory_space<vmem>>, vector<1x128xf32>
    %add3A_34 = vector.broadcast %get3A_33 : vector<1x128xf32> to vector<2000x128xf32>
    %add3A_35 = arith.addf %dot_general3A_30, %add3A_34 : vector<2000x128xf32>
    %max3A_36 = arith.constant 0.000000e+00 : f32
    %max3A_37 = vector.broadcast %max3A_36 : f32 to vector<2000x128xf32>
    %max3A_38 = arith.maximumf %add3A_35, %max3A_37 : vector<2000x128xf32>
    %get3A_39 = arith.constant 0 : index
    %get3A_40 = arith.constant 0 : index
    %get3A_41 = arith.constant 0 : index
    %get3A_42 = vector.load %arg8[%get3A_39, %get3A_40, %get3A_41] : memref<1x1x2000xi32, #tpu.memory_space<vmem>>, vector<1x1x2000xi32>
    %get3A_43 = vector.shape_cast %get3A_42 : vector<1x1x2000xi32> to vector<2000xi32>
    %broadcast_in_dim3A = vector.shape_cast %get3A_43 : vector<2000xi32> to vector<1x2000xi32>
    %iota3A = tpu.iota {dimensions = array<i32: 0>} : vector<64x2000xi32>
    %eq3A_44 = vector.broadcast %broadcast_in_dim3A : vector<1x2000xi32> to vector<64x2000xi32>
    %eq3A_45 = arith.cmpi eq, %eq3A_44, %iota3A : vector<64x2000xi32>
    %convert_element_type3A_46 = arith.extui %eq3A_45 : vector<64x2000xi1> to vector<64x2000xi32>
    %convert_element_type3A_47 = arith.sitofp %convert_element_type3A_46 : vector<64x2000xi32> to vector<64x2000xf32>
    %get3A_48 = arith.constant 0 : index
    %get3A_49 = arith.constant 0 : index
    %get3A_50 = vector.load %arg14[%get3A_48, %get3A_49] : memref<64x128xf32, #tpu.memory_space<vmem>>, vector<64x128xf32>
    %dot_general3A_51 = arith.constant dense<0.000000e+00> : vector<64x128xf32>
    %dot_general3A_52 = tpu.matmul %convert_element_type3A_47, %max3A_38, %dot_general3A_51 {dimension_numbers = #tpu.dot_dimension_numbers<[1], [0], [0], [1], [0, 0, 1, 1], [], []>, transpose_lhs_hint = false} : vector<64x2000xf32>, vector<2000x128xf32>, vector<64x128xf32> -> vector<64x128xf32>
    %add3A_53 = arith.addf %get3A_50, %dot_general3A_52 : vector<64x128xf32>
    %swap3A = arith.constant 0 : index
    %swap3A_54 = arith.constant 0 : index
    %swap3A_55 = vector.load %arg14[%swap3A, %swap3A_54] : memref<64x128xf32, #tpu.memory_space<vmem>>, vector<64x128xf32>
    tpu.vector_store %arg14[%swap3A, %swap3A_54], %add3A_53 {strides = array<i32>} : memref<64x128xf32, #tpu.memory_space<vmem>>, vector<64x128xf32>,
    %eq3A_56 = arith.constant 4 : i32
    %eq3A_57 = arith.cmpi eq, %arg0, %eq3A_56 : i32
    %convert_element_type3A_58 = arith.extui %eq3A_57 : i1 to i32
    %cond3A_59 = arith.constant 0 : i32
    %cond3A_60 = arith.cmpi ne, %convert_element_type3A_58, %cond3A_59 : i32
    scf.if %cond3A_60 {
      %get3A_61 = arith.constant 0 : index
      %get3A_62 = arith.constant 0 : index
      %get3A_63 = vector.load %arg14[%get3A_61, %get3A_62] : memref<64x128xf32, #tpu.memory_space<vmem>>, vector<64x128xf32>
      %get3A_64 = arith.constant 0 : index
      %get3A_65 = arith.constant 0 : index
      %get3A_66 = vector.load %arg9[%get3A_64, %get3A_65] : memref<128x128xf32, #tpu.memory_space<vmem>>, vector<128x128xf32>
      %dot_general3A_67 = arith.constant dense<0.000000e+00> : vector<64x128xf32>
      %dot_general3A_68 = tpu.matmul %get3A_63, %get3A_66, %dot_general3A_67 {dimension_numbers = #tpu.dot_dimension_numbers<[1], [0], [0], [1], [0, 0, 1, 1], [], []>, transpose_lhs_hint = false} : vector<64x128xf32>, vector<128x128xf32>, vector<64x128xf32> -> vector<64x128xf32>
      %get3A_69 = arith.constant 0 : index
      %get3A_70 = arith.constant 0 : index
      %get3A_71 = vector.load %arg10[%get3A_69, %get3A_70] : memref<1x128xf32, #tpu.memory_space<vmem>>, vector<1x128xf32>
      %add3A_72 = vector.broadcast %get3A_71 : vector<1x128xf32> to vector<64x128xf32>
      %add3A_73 = arith.addf %dot_general3A_68, %add3A_72 : vector<64x128xf32>
      %max3A_74 = arith.constant 0.000000e+00 : f32
      %max3A_75 = vector.broadcast %max3A_74 : f32 to vector<64x128xf32>
      %max3A_76 = arith.maximumf %add3A_73, %max3A_75 : vector<64x128xf32>
      %get3A_77 = arith.constant 0 : index
      %get3A_78 = arith.constant 0 : index
      %get3A_79 = vector.load %arg11[%get3A_77, %get3A_78] : memref<128x128xf32, #tpu.memory_space<vmem>>, vector<128x128xf32>
      %dot_general3A_80 = arith.constant dense<0.000000e+00> : vector<64x128xf32>
      %dot_general3A_81 = tpu.matmul %max3A_76, %get3A_79, %dot_general3A_80 {dimension_numbers = #tpu.dot_dimension_numbers<[1], [0], [0], [1], [0, 0, 1, 1], [], []>, transpose_lhs_hint = false} : vector<64x128xf32>, vector<128x128xf32>, vector<64x128xf32> -> vector<64x128xf32>
      %get3A_82 = arith.constant 0 : index
      %get3A_83 = arith.constant 0 : index
      %get3A_84 = vector.load %arg12[%get3A_82, %get3A_83] : memref<1x128xf32, #tpu.memory_space<vmem>>, vector<1x128xf32>
      %add3A_85 = vector.broadcast %get3A_84 : vector<1x128xf32> to vector<64x128xf32>
      %add3A_86 = arith.addf %dot_general3A_81, %add3A_85 : vector<64x128xf32>
      %swap3A_87 = arith.constant 0 : index
      %swap3A_88 = arith.constant 0 : index
      %swap3A_89 = vector.load %arg13[%swap3A_87, %swap3A_88] : memref<64x128xf32, #tpu.memory_space<vmem>>, vector<64x128xf32>
      tpu.vector_store %arg13[%swap3A_87, %swap3A_88], %add3A_86 {strides = array<i32>} : memref<64x128xf32, #tpu.memory_space<vmem>>, vector<64x128xf32>,
    } else {
    }
    return
  }
  func.func @transform_0(%arg0: i32) -> (i32, i32) {
    %c0_i32 = arith.constant 0 : i32
    %c0_i32_0 = arith.constant 0 : i32
    return %arg0, %c0_i32 : i32, i32
  }
  func.func @transform_1(%arg0: i32) -> (i32, i32, i32) {
    %c0_i32 = arith.constant 0 : i32
    %c0_i32_0 = arith.constant 0 : i32
    %c0_i32_1 = arith.constant 0 : i32
    return %c0_i32, %arg0, %c0_i32_0 : i32, i32, i32
  }
  func.func @transform_2(%arg0: i32) -> (i32, i32, i32) {
    %c1_i32 = arith.constant 1 : i32
    %c0_i32 = arith.constant 0 : i32
    %c0_i32_0 = arith.constant 0 : i32
    return %c1_i32, %arg0, %c0_i32 : i32, i32, i32
  }
  func.func @transform_3(%arg0: i32) -> (i32, i32) {
    %c0_i32 = arith.constant 0 : i32
    %c0_i32_0 = arith.constant 0 : i32
    %c0_i32_1 = arith.constant 0 : i32
    return %c0_i32, %c0_i32_0 : i32, i32
  }
  func.func @transform_4(%arg0: i32) -> (i32, i32) {
    %c0_i32 = arith.constant 0 : i32
    %c0_i32_0 = arith.constant 0 : i32
    %c0_i32_1 = arith.constant 0 : i32
    return %c0_i32, %c0_i32_0 : i32, i32
  }
  func.func @transform_5(%arg0: i32) -> (i32, i32) {
    %c0_i32 = arith.constant 0 : i32
    %c0_i32_0 = arith.constant 0 : i32
    %c0_i32_1 = arith.constant 0 : i32
    return %c0_i32, %c0_i32_0 : i32, i32
  }
  func.func @transform_6(%arg0: i32) -> (i32, i32) {
    %c0_i32 = arith.constant 0 : i32
    %c0_i32_0 = arith.constant 0 : i32
    %c0_i32_1 = arith.constant 0 : i32
    return %c0_i32, %c0_i32_0 : i32, i32
  }
  func.func @transform_7(%arg0: i32) -> (i32, i32, i32) {
    %c0_i32 = arith.constant 0 : i32
    %c0_i32_0 = arith.constant 0 : i32
    %c0_i32_1 = arith.constant 0 : i32
    return %arg0, %c0_i32, %c0_i32_0 : i32, i32, i32
  }
  func.func @transform_8(%arg0: i32) -> (i32, i32) {
    %c0_i32 = arith.constant 0 : i32
    %c0_i32_0 = arith.constant 0 : i32
    %c0_i32_1 = arith.constant 0 : i32
    return %c0_i32, %c0_i32_0 : i32, i32
  }
  func.func @transform_9(%arg0: i32) -> (i32, i32) {
    %c0_i32 = arith.constant 0 : i32
    %c0_i32_0 = arith.constant 0 : i32
    %c0_i32_1 = arith.constant 0 : i32
    return %c0_i32, %c0_i32_0 : i32, i32
  }
  func.func @transform_10(%arg0: i32) -> (i32, i32) {
    %c0_i32 = arith.constant 0 : i32
    %c0_i32_0 = arith.constant 0 : i32
    %c0_i32_1 = arith.constant 0 : i32
    return %c0_i32, %c0_i32_0 : i32, i32
  }
  func.func @transform_11(%arg0: i32) -> (i32, i32) {
    %c0_i32 = arith.constant 0 : i32
    %c0_i32_0 = arith.constant 0 : i32
    %c0_i32_1 = arith.constant 0 : i32
    return %c0_i32, %c0_i32_0 : i32, i32
  }
  func.func @transform_12(%arg0: i32) -> (i32, i32) {
    %c0_i32 = arith.constant 0 : i32
    %c0_i32_0 = arith.constant 0 : i32
    %c0_i32_1 = arith.constant 0 : i32
    return %c0_i32, %c0_i32_0 : i32, i32
  }
}

</mosaic_0001>

<sc_bundles>
// kernel: kernel.11.cloned.1.call-start
scs
__scs_entry_jumppad:
0x0: {  	(pc) =	sbr.rel $0x88, $3  }
0x1: {  	(tag) =	ssettag $0x0;
	lr =	simm.s32 $0x1  }
0x2: {  	[smem:$0x3F88] =	sst lr;
	_ =	strace $0xD0000000  }
0x3: {  	_ = 	snop  }
0x4: {  	_ = 	snop  }
0x5: {  	_ = 	snop  }
0x6: {  	_ = 	snop  }
0x7: {  	_ = 	snop  }
__scs_overlays_trampoline_lowered:
0x8: {  	[smem:$0x3F97] =	sst s0  }
0x9: {  	[smem:$0x3F98] =	sst s1  }
0xa: {  	[smem:$0x3F99] =	sst s2  }
0xb: {  	[smem:$0x3F9A] =	sst s3  }
0xc: {  	[smem:$0x3F9B] =	sst s4  }
0xd: {  	[smem:$0x3F9C] =	sst s5  }
0xe: {  	[smem:$0x3F9D] =	sst s6  }
0xf: {  	[smem:$0x3F9E] =	sst s7  }
0x10: {  	[smem:$0x3F9F] =	sst s8  }
0x11: {  	[smem:$0x3FA0] =	sst s9;
	s0 =	simm.s32 @!p0 $0x0  }
0x12: {  	s1 =	sld [smem:$0x3F86];
	s0 =	simm.s32 @p0 $0x1  }
0x13: {  	[smem:$0x3FA1] =	sst s0;
	s0 =	simm.s32 @!p1 $0x0  }
0x14: {  	s2 =	sld [smem:$0x3F85];
	s0 =	simm.s32 @p1 $0x1  }
0x15: {  	[smem:$0x3FA2] =	sst s0;
	s0 =	simm.s32 @!p2 $0x0  }
0x16: {  	s3 =	sld [smem:$0x3FDB];
	s0 =	simm.s32 @p2 $0x1  }
0x17: {  	s4 =	simm.s32 $0x1BF5;
	[smem:$0x3FA4] =	sst s0  }
0x18: {  	s0 =	sld [smem:$0x3F87];
	_ =	swait.ge [sflag:s4], $0x0  }
0x19: {  	s7 =	sld [smem:$0x3F88]  }
0x1a: {  	s8 =	sadd.s32 $0xFFFFE003, lr  }
0x1b: {  	s9 =	sadd.s32 $0xFFFFFEF7, lr;
	s5 =	simm.s32 $0xFFFFFFFF;
	p2 =	slt.u32 s8, $0xFFFFF086  }
0x1c: {  	p1 =	slt.u32 s9, $0xF7A;
	s5 =	simm.s32 @!p2 $0x0  }
0x1d: {  	s5 =	simm.s32 @p1 $0x1;
	p0 =	seq.s32 s7, s2  }
0x1e: {  	s7 =	smul.u32 @!p0 $0xF7A, s2;
	p2 =	seq.s32 @!p0 s5, $0x0  }
0x1f: {  	s9 =	smul.u32 $0xF7A, s1;
	s8 =	simm.s32 @!p0 $0x1BF5;
	p2 =	por !p2, p0  }
0x20: {  	[sflag:s8] =	ssyncset.s32 @!p0 $0xFFFFF086;
	s6 =	sadd.s32 @!p0 s3, s7;
	s7 =	simm.s32 @!p0 $0x108  }
0x21: {  	s3 =	sadd.s32 s3, s9;
	s6 =	sadd.s32 @!p0 $0x88, s6;
	s7 =	simm.s32 @p2 $0x1082  }
0x22: {  	[simem:s7], [sflag:s8] =	dma.local @!p0 [hbm:s6], $0xF7A  }
0x23: {  	s9 =	sor.u32 $0xD0000000, s2;
	s6 =	simm.s32 $0x108;
	_ =	swait.ge @!p0 [sflag:s8], $0x0  }
0x24: {  	s3 =	sadd.s32 $0x88, s3;
	s6 =	simm.s32 @!p1 $0x1082;
	[sflag:s4] =	ssyncset.s32 $0xFFFFF086  }
0x25: {  	[simem:s6], [sflag:s4] =	dma.local [hbm:s3], $0xF7A  }
0x26: {  	[smem:$0x3F88] =	sst s1;
	(tag) =	ssettag s2;
	_ =	strace s9  }
0x27: {  	s1 =	sld [smem:$0x3F98]  }
0x28: {  	s2 =	sld [smem:$0x3F99]  }
0x29: {  	s4 =	sld [smem:$0x3F9B]  }
0x2a: {  	p0 =	seq.s32 s5, $0x0;
	s5 =	sld [smem:$0x3F9C]  }
0x2b: {  	s6 =	sld [smem:$0x3F9D]  }
0x2c: {  	s7 =	sld [smem:$0x3F9E]  }
0x2d: {  	s3 =	simm.s32 $0x108;
	s8 =	sld [smem:$0x3F9F]  }
0x2e: {  	s3 =	simm.s32 @!p0 $0x1082;
	s9 =	sld [smem:$0x3FA0]  }
0x2f: {  	lr =	sadd.s32 s0, s3;
	s0 =	sld [smem:$0x3F97]  }
0x30: {  	s3 =	sld [smem:$0x3F9A]  }
0x31: {  	[smem:$0x3FA3] =	sst s10  }
0x32: {  	s10 =	sld [smem:$0x3FA1];
	_ =	sdelay $0x3  }
0x33: {  	p0 =	seq.s32 s10, $0x1;
	s10 =	sld [smem:$0x3FA3];
	_ =	sdelay $0x3  }
0x34: {  	[smem:$0x3FA3] =	sst s10  }
0x35: {  	s10 =	sld [smem:$0x3FA2];
	_ =	sdelay $0x3  }
0x36: {  	p1 =	seq.s32 s10, $0x1;
	s10 =	sld [smem:$0x3FA3];
	_ =	sdelay $0x3  }
0x37: {  	[smem:$0x3FA3] =	sst s10  }
0x38: {  	s10 =	sld [smem:$0x3FA4]  }
0x39: {  	_ = 	snop;
	(pc) =	sbr.ind lr, $3  }
0x3a: {  	_ = 	snop  }
0x3b: {  	_ = 	snop  }
0x3c: {  	p2 =	seq.s32 s10, $0x1;
	s10 =	sld [smem:$0x3FA3]  }
0x3d: {  	_ =	shalt  }
0x3e: {  	_ =	shalt  }
0x3f: {  	_ =	shalt  }
0x40: {  	_ =	shalt  }
0x41: {  	_ =	shalt  }
0x42: {  	_ =	shalt  }
0x43: {  	_ =	shalt  }
0x44: {  	_ =	shalt  }
0x45: {  	_ =	shalt  }
0x46: {  	_ =	shalt  }
0x47: {  	_ =	shalt  }
0x48: {  	_ =	shalt  }
0x49: {  	_ =	shalt  }
0x4a: {  	_ =	shalt  }
0x4b: {  	_ =	shalt  }
0x4c: {  	_ =	shalt  }
0x4d: {  	_ =	shalt  }
0x4e: {  	_ =	shalt  }
0x4f: {  	_ =	shalt  }
0x50: {  	_ =	shalt  }
0x51: {  	_ =	shalt  }
0x52: {  	_ =	shalt  }
0x53: {  	_ =	shalt  }
0x54: {  	_ =	shalt  }
0x55: {  	_ =	shalt  }
0x56: {  	_ =	shalt  }
0x57: {  	_ =	shalt  }
0x58: {  	_ =	shalt  }
0x59: {  	_ =	shalt  }
0x5a: {  	_ =	shalt  }
0x5b: {  	_ =	shalt  }
0x5c: {  	_ =	shalt  }
0x5d: {  	_ =	shalt  }
0x5e: {  	_ =	shalt  }
0x5f: {  	_ =	shalt  }
0x60: {  	_ =	shalt  }
0x61: {  	_ =	shalt  }
0x62: {  	_ =	shalt  }
0x63: {  	_ =	shalt  }
0x64: {  	_ =	shalt  }
0x65: {  	_ =	shalt  }
0x66: {  	_ =	shalt  }
0x67: {  	_ =	shalt  }
0x68: {  	_ =	shalt  }
0x69: {  	_ =	shalt  }
0x6a: {  	_ =	shalt  }
0x6b: {  	_ =	shalt  }
0x6c: {  	_ =	shalt  }
0x6d: {  	_ =	shalt  }
0x6e: {  	_ =	shalt  }
0x6f: {  	_ =	shalt  }
0x70: {  	_ =	shalt  }
0x71: {  	_ =	shalt  }
0x72: {  	_ =	shalt  }
0x73: {  	_ =	shalt  }
0x74: {  	_ =	shalt  }
0x75: {  	_ =	shalt  }
0x76: {  	_ =	shalt  }
0x77: {  	_ =	shalt  }
0x78: {  	_ =	shalt  }
0x79: {  	_ =	shalt  }
0x7a: {  	_ =	shalt  }
0x7b: {  	_ =	shalt  }
0x7c: {  	_ =	shalt  }
0x7d: {  	_ =	shalt  }
0x7e: {  	_ =	shalt  }
0x7f: {  	_ =	shalt  }
0x80: {  	_ =	shalt  }
0x81: {  	_ =	shalt  }
0x82: {  	_ =	shalt  }
0x83: {  	_ =	shalt  }
0x84: {  	_ =	shalt  }
0x85: {  	_ =	shalt  }
0x86: {  	_ =	shalt  }
0x87: {  	_ =	shalt  }
.Lfunc_end0:
.L_simem_size_0:
called_computation.1_lowered:
.L_overlay_start_0:
0x88: {  	s2 =	sld [smem:$0x3FD9]  }
0x89: {  	s3 =	sld [smem:$0x3FFE];
	_ =	sdelay $0x1  }
0x8a: {  	s1 =	srdreg.scid  }
0x8b: {  	s0 =	sand.u32 $0x1, s1  }
0x8c: {  	s16 =	sshll.u32 s0, $0xA;
	s2 =	sadd.s32 s3, s2  }
0x8d: {  	s2 =	sadd.s32 s2, s16  }
0x8e: {  	[smem:$0x3FAF] =	sst s2  }
0x8f: {  	_ = 	snop  }
0x90: {  	(tm) =	ssettm $0x1  }
0x91: {  	s17 =	sld [smem:$0x3FFB];
	_ =	sdelay $0x3  }
0x92: {  	_ =	strace s17  }
0x93: {  	s2 =	sld [smem:$0x3FFC];
	_ =	sdelay $0x3  }
0x94: {  	_ =	strace s2  }
0x95: {  	s2 =	sld [smem:$0x3FFD];
	_ =	sdelay $0x3  }
0x96: {  	_ =	strace s2  }
0x97: {  	_ =	strace $0x8FFFFFFF  }
0x98: {  	s18 =	sld [smem:$0x3FDB];
	_ =	sdelay $0x1  }
0x99: {  	s19 =	simm.s32 $_scs_section_size  }
0x9a: {  	s4 =	simm.s32 $_size__tile_overlayer_lowered;
	s5 =	simm.s32 $_tile_overlayer_lowered  }
0x9b: {  	s22 =	simm.s32 $0x1BFF;
	s21 =	sshll.u32 s5, $0x1;
	s2 =	sadd.s32 s19, s18  }
0x9c: {  	s6 =	simm.s32 $0x0;
	s20 =	sshll.u32 s4, $0x1;
	s4 =	sadd.s32 s21, s2  }
0x9d: {  	[timem:s6], [sflag:s22] =	dma.local [hbm:s4], s20  }
0x9e: {  	_ =	swait.ge [sflag:s22], s20  }
0x9f: {  	s3 =	ssub.s32 $0x0, s20;
	[sflag:s22] =	ssyncset.done $0x0  }
0xa0: {  	[sflag:s22] =	ssyncadd.s32 s3;
	_ =	sdelay $0x1  }
0xa1: {  	s23 =	simm.s32 $0x1B8B  }
0xa2: {  	_ =	swait.ge [sflag:s23], $0x1  }
0xa3: {  	[sflag:s23] =	ssyncset.done $0x0  }
0xa4: {  	s25 =	simm.s32 $0x1B8E;
	s24 =	sld [smem:$0x3FFE];
	[sflag:s23] =	ssyncadd.s32 $0xFFFFFFFF  }
0xa5: {  	s26 =	simm.s32 $execute0_lowered;
	[smem:$0x3FD2] =	sst s25  }
0xa6: {  	s4 =	sshll.u32 s26, $0x1;
	_ =	strace $0x80000049;
	[dreg:$0x1] =	wrdreg $0xFFFFFFFF  }
0xa7: {  	s28 =	simm.s32 $_size_execute0_lowered;
	s2 =	sadd.s32 s2, s4;
	[dreg:$0x0] =	wrdreg $0x0  }
0xa8: {  	s4 =	sshll.u32 s28, $0x1;
	[dreg:$0x2] =	wrdreg s2  }
0xa9: {  	[dreg:$0x3] =	wrdreg s4  }
0xaa: {  	[dreg:$0x4] =	wrdreg $0xC0  }
0xab: {  	_ =	task [dreg:s6], $0x5FFFF  }
0xac: {  	[dreg:$0x1] =	wrdreg $0xFFFFFFFF  }
0xad: {  	[dreg:$0x0] =	wrdreg $0x60  }
0xae: {  	[dreg:$0x2] =	wrdreg s24  }
0xaf: {  	[dreg:$0x3] =	wrdreg $0x82800  }
0xb0: {  	[dreg:$0x4] =	wrdreg $0x9  }
0xb1: {  	_ =	task.clear_ibuf [dreg:s6], $0x5FFFF;
	_ =	strace $0x90000049  }
0xb2: {  	s29 =	simm.s32 $0x9;
	_ =	strace $0x8000004B  }
0xb3: {  	_ =	swait.ge [sflag:s29], $0x1  }
0xb4: {  	[sflag:s29] =	ssyncadd.s32 $0xFFFFFFFF  }
0xb5: {  	_ =	strace $0x9000004B  }
0xb6: {  	_ =	sfence  }
0xb7: {  	s30 =	sld [smem:$0x0];
	_ =	sdelay $0x2  }
0xb8: {  	s31 =	sshll.u32 s1, $0xD;
	s1 =	sshrl.u32 s1, $0x2  }
0xb9: {  	s3 =	sand.u32 $0x4000, s31;
	s1 =	sadd.s32 s1, s30  }
0xba: {  	s0 =	sor.u32 s3, s0;
	s1 =	sshll.u32 s1, $0x11  }
0xbb: {  	s0 =	sor.u32 s1, s0  }
0xbc: {  	s0 =	sadd.s32 $0x8F2B, s0  }
0xbd: {  	[sflag:s0] =	ssyncadd.remote.s32 $0x1  }
0xbe: {  	_ =	sfence.sel $0xFFFF  }
0xbf: {  	[dreg:$0x0] =	wrdreg $0xFFFFFFFF;
	(pc) =	sbr.abs _section_cstart, $3  }
0xc0: {  	[dreg:$0x1] =	wrdreg $0xFFFFFFFF  }
0xc1: {  	_ =	task.clear_ibuf [dreg:s6], $0x2FFFF;
	_ =	strace $0x9FFFFFFF  }
0xc2: {  	(tm) =	ssettm $0x7FFFFFFF  }
0xc3: {  	_ =	shalt  }
tec
execute0_lowered:
.L_overlay_start_1:
0x0: {  	(tag) =	ssettag $0x1  }
0x1: {  	s0 =	rddreg [dreg:$0x0]  }
0x2: {  	s1 =	rddreg [dreg:$0x1]  }
0x3: {  	s3 =	simm.s32 $0x0;
	s2 =	srdreg.scid;
	s11 =	stileid.u32  }
0x4: {  	s28 =	simm.s32 $0x5;
	s29 =	simm.s32 $0x1;
	s7 =	smul.u32 $0x2780, s11  }
0x5: {  	s30 =	simm.s32 $0x2;
	s31 =	simm.s32 $0x4200;
	s20 =	smul.u32 $0x4F000, s11  }
0x6: {  	[smem:$0x7FF] =	sst s3;
	s2 =	sand.u32 $0x1, s2;
	s12 =	smul.u32 $0x4E20, s11  }
0x7: {  	s4 =	sshll.u32 s11, $0x1;
	s5 =	sadd.s32 $0xEC00, s0;
	s8 =	smul.u32 $0x27800, s2  }
0x8: {  	s6 =	sor.u32 s2, s4;
	s17 =	ssub.s32 $0x2, s2;
	s2 =	smul.u32 $0x2710, s2  }
0x9: {  	_ =	strace $0x8000004A;
	s4 =	sadd.s32 $0x18A00, s0;
	s9 =	smul.u32 $0x2710, s6  }
0xa: {  	s6 =	sadd.s32 $0x4E00, s0;
	s18 =	sshrl.u32 s17, $0x1;
	s7 =	sadd.s32 s7, s8  }
0xb: {  	s8 =	sshrl.u32 s20, $0x2;
	s2 =	sadd.s32 s2, s12;
	s0 =	sadd.s32 s7, s0  }
0xc: {  	s9 =	sshrl.u32 s9, $0x3;
	s7 =	ssub.s32 s17, s18;
	s11 =	sadd.s32 s8, s1  }
0xd: {  	s26 =	sadd.s32 $0x180, s2;
	s19 =	sadd.s32 s5, s9;
	s10 =	sadd.s32 s6, s9  }
0xe: {  	s21 =	sadd.s32 $0x10, s9;
	s23 =	sadd.s32 $0x4E0, s9;
	s24 =	sadd.s32 $0x10000, s11  }
0xf: {  	s0 =	sadd.s32 $0x3FC00, s0;
	s16 =	smax.u32 s7, $0x1;
	[dreg:$0x3] =	wrdreg s19  }
0x10: {  	s17 =	sadd.s32 $0x4000, s11;
	s18 =	sadd.s32 $0x8000, s11;
	[dreg:$0x4] =	wrdreg s10  }
0x11: {  	s7 =	simm.s32 $0x8200;
	s9 =	simm.s32 $0x0;
	[dreg:$0x7] =	wrdreg s24  }
0x12: {  	s22 =	sadd.s32 s5, s21;
	s10 =	sadd.s32 s6, s21;
	[dreg:$0xa] =	wrdreg s0  }
0x13: {  	s25 =	sadd.s32 s5, s23;
	s8 =	sadd.s32 s6, s23;
	[dreg:$0x5] =	wrdreg s22  }
0x14: {  	s0 =	sshrl.u32 s26, $0x3;
	s19 =	sadd.s32 $0xC000, s11;
	[dreg:$0x6] =	wrdreg s10  }
0x15: {  	s23 =	simm.s32 $0x100;
	s24 =	simm.s32 $0x80;
	[dreg:$0x8] =	wrdreg s25  }
0x16: {  	s26 =	simm.s32 $0x200;
	[dreg:$0x9] =	wrdreg s8;
	s20 =	sadd.s32 s0, s6  }
0x17: {  	s21 =	sadd.s32 s0, s5;
	s22 =	sadd.s32 $0x100, s2;
	s25 =	simm.s32 $0x180  }
0x18: {  	v0 =	vimm.f32 $0.0e+00;
	s0 =	simm.s32 $0x3;
	s2 =	simm.s32 $0x4;
	s8 =	simm.s32 $0x10  }
.LBB2_1:
0x19: {  	s10 =	rddreg [dreg:$0x3]  }
0x1a: {  	[tilespmem:s3], [sflag:$0x1] =	stream.linear.gather [hbm4b:s10+s3], $0x80, $0x38;
	[tilespmem:$0x1BE80] =	vst v63  }
0x1b: {  	s13 =	rddreg [dreg:$0x4]  }
0x1c: {  	[tilespmem:s23], [sflag:$0x1] =	stream.linear.gather [hbm4b:s13+s3], $0x80, $0x38;
	[tilespmem:$0x1BE80] =	vst v63  }
0x1d: {  	s14 =	rddreg [dreg:$0x5]  }
0x1e: {  	[tilespmem:s24], [sflag:$0x2] =	stream.linear.gather [hbm4b:s14+s3], $0x80, $0x38;
	[tilespmem:$0x1BE80] =	vst v63  }
0x1f: {  	s15 =	rddreg [dreg:$0x6];
	s12 =	simm.s32 $0x200;
	s10 =	simm.s32 $0x0  }
0x20: {  	[tilespmem:s25], [sflag:$0x2] =	stream.linear.gather [hbm4b:s15+s3], $0x80, $0x38;
	[tilespmem:$0x1BE80] =	vst v63  }
.LBB2_2:
0x21: {  	p0 =	sne.s32 s12, $0xFE00;
	[tilespmem:s10+$0x270] =	vst v0  }
0x22: {  	[tilespmem:s10+$0x200] =	vst v0  }
0x23: {  	[tilespmem:s10+$0x210] =	vst v0  }
.Ltmp0:
0x24: {  	[tilespmem:s10+$0x220] =	vst v0;
	(pc) =	sbr.rel @p0 .LBB2_2-.Ltmp0, $4  }
0x25: {  	[tilespmem:s10+$0x230] =	vst v0  }
0x26: {  	[tilespmem:s10+$0x240] =	vst v0  }
0x27: {  	[tilespmem:s10+$0x250] =	vst v0  }
0x28: {  	[tilespmem:s10+$0x260] =	vst v0;
	s10 =	sshra.s32 s12, $0x2;
	s12 =	sadd.s32 $0x200, s12  }
0x29: {  	[tilespmem:s10+$0x270] =	vst v0  }
0x2a: {  	[tilespmem:s10+$0x200] =	vst v0  }
0x2b: {  	[tilespmem:s10+$0x210] =	vst v0  }
0x2c: {  	[tilespmem:s10+$0x220] =	vst v0  }
0x2d: {  	[tilespmem:s10+$0x230] =	vst v0  }
0x2e: {  	[tilespmem:s10+$0x240] =	vst v0  }
0x2f: {  	[tilespmem:s10+$0x250] =	vst v0  }
0x30: {  	[tilespmem:s10+$0x260] =	vst v0  }
0x31: {  	[spmem:s11] =	stream.linear.scatter [tilespmem:s26], [sflag:$0x5], $0x4000, $0x38;
	[tilespmem:$0x1BE80] =	vst v63  }
0x32: {  	_ =	swait.ge [sflag:s28], $0x4000  }
0x33: {  	[sflag:s28] =	ssyncset.done $0x0  }
0x34: {  	[sflag:s28] =	ssyncadd.s32 $0xFFFFC000  }
0x35: {  	[spmem:s17] =	stream.linear.scatter [tilespmem:s26], [sflag:$0x5], $0x4000, $0x38;
	[tilespmem:$0x1BE80] =	vst v63  }
0x36: {  	_ =	swait.ge [sflag:s28], $0x4000  }
0x37: {  	[sflag:s28] =	ssyncset.done $0x0  }
0x38: {  	[sflag:s28] =	ssyncadd.s32 $0xFFFFC000  }
0x39: {  	[spmem:s18] =	stream.linear.scatter [tilespmem:s26], [sflag:$0x5], $0x4000, $0x38;
	[tilespmem:$0x1BE80] =	vst v63  }
0x3a: {  	_ =	swait.ge [sflag:s28], $0x4000  }
0x3b: {  	[sflag:s28] =	ssyncset.done $0x0  }
0x3c: {  	[sflag:s28] =	ssyncadd.s32 $0xFFFFC000  }
0x3d: {  	[spmem:s19] =	stream.linear.scatter [tilespmem:s26], [sflag:$0x5], $0x4000, $0x38;
	[tilespmem:$0x1BE80] =	vst v63  }
0x3e: {  	_ =	swait.ge [sflag:s28], $0x4000  }
0x3f: {  	[sflag:s28] =	ssyncset.done $0x0  }
0x40: {  	s12 =	rddreg [dreg:$0x7];
	[sflag:s28] =	ssyncadd.s32 $0xFFFFC000  }
0x41: {  	[spmem:s12] =	stream.linear.scatter [tilespmem:s26], [sflag:$0x5], $0x3C00, $0x38;
	[tilespmem:$0x1BE80] =	vst v63  }
0x42: {  	_ =	swait.ge [sflag:s28], $0x3C00  }
0x43: {  	[sflag:s28] =	ssyncset.done $0x0  }
0x44: {  	[sflag:s28] =	ssyncadd.s32 $0xFFFFC400  }
0x45: {  	_ =	swait.ge [sflag:s29], $0x80  }
0x46: {  	[sflag:s29] =	ssyncset.done $0x0  }
0x47: {  	[sflag:s29] =	ssyncadd.s32 $0xFFFFFF80  }
0x48: {  	_ =	swait.ge [sflag:s29], $0x80  }
0x49: {  	[sflag:s29] =	ssyncset.done $0x0  }
0x4a: {  	s13 =	simm.s32 $0x0;
	[sflag:s29] =	ssyncadd.s32 $0xFFFFFF80  }
0x4b: {  	[tilespmem:s26], [sflag:$0x3] =	stream.indirect.gather [hbm4b:s4+s24], $0x80, s13, s24, $0xb8;
	[tilespmem:$0x1BE80] =	vst v63  }
0x4c: {  	[bflag:$0x0] =	sbarrier.arrive $0xFFFF  }
0x4d: {  	_ =	swait.ge [sflag:s30], $0x80  }
0x4e: {  	[sflag:s30] =	ssyncset.done $0x0  }
0x4f: {  	[sflag:s30] =	ssyncadd.s32 $0xFFFFFF80  }
0x50: {  	_ =	swait.ge [sflag:s30], $0x80  }
0x51: {  	[sflag:s30] =	ssyncset.done $0x0  }
0x52: {  	[sflag:s30] =	ssyncadd.s32 $0xFFFFFF80  }
0x53: {  	[tilespmem:s31], [sflag:$0x4] =	stream.indirect.gather [hbm4b:s4+s24], $0x80, s24, s24, $0xb8;
	[tilespmem:$0x1BE80] =	vst v63  }
0x54: {  	_ =	swait.ge [sflag:s0], $0x4000  }
0x55: {  	[sflag:s0] =	ssyncset.done $0x0  }
0x56: {  	[sflag:s0] =	ssyncadd.s32 $0xFFFFC000  }
0x57: {  	[spmem:s1] =	stream.indirect.scatter.add.f32 [tilespmem:s26], [sflag:$0x5], $0x80, s23, s24, $0xb8;
	[tilespmem:$0x1BE80] =	vst v63  }
0x58: {  	_ =	swait.ge [sflag:s28], $0x4000  }
0x59: {  	s14 =	sshrl.u32 s22, $0x3;
	[sflag:s28] =	ssyncset.done $0x0  }
0x5a: {  	s12 =	sadd.s32 s5, s14;
	[sflag:s28] =	ssyncadd.s32 $0xFFFFC000  }
0x5b: {  	[tilespmem:s3], [sflag:$0x1] =	stream.linear.gather [hbm4b:s12+s3], $0x80, $0x38;
	[tilespmem:$0x1BE80] =	vst v63  }
0x5c: {  	s10 =	sadd.s32 s6, s14  }
0x5d: {  	[tilespmem:s23], [sflag:$0x1] =	stream.linear.gather [hbm4b:s10+s3], $0x80, $0x38;
	[tilespmem:$0x1BE80] =	vst v63  }
0x5e: {  	_ =	swait.ge [sflag:s29], $0x80  }
0x5f: {  	[sflag:s29] =	ssyncset.done $0x0  }
0x60: {  	[sflag:s29] =	ssyncadd.s32 $0xFFFFFF80  }
0x61: {  	_ =	swait.ge [sflag:s29], $0x80  }
0x62: {  	[sflag:s29] =	ssyncset.done $0x0  }
0x63: {  	[sflag:s29] =	ssyncadd.s32 $0xFFFFFF80  }
0x64: {  	[tilespmem:s26], [sflag:$0x3] =	stream.indirect.gather [hbm4b:s4+s24], $0x80, s3, s24, $0xb8;
	[tilespmem:$0x1BE80] =	vst v63  }
0x65: {  	_ =	swait.ge [sflag:s2], $0x4000  }
0x66: {  	[sflag:s2] =	ssyncset.done $0x0  }
0x67: {  	[sflag:s2] =	ssyncadd.s32 $0xFFFFC000  }
0x68: {  	[spmem:s1] =	stream.indirect.scatter.add.f32 [tilespmem:s31], [sflag:$0x5], $0x80, s25, s24, $0xb8;
	[tilespmem:$0x1BE80] =	vst v63  }
0x69: {  	_ =	swait.ge [sflag:s28], $0x4000  }
0x6a: {  	s15 =	sadd.s32 $0x0, s21;
	s13 =	sadd.s32 $0x0, s20;
	[sflag:s28] =	ssyncset.done $0x0  }
0x6b: {  	s12 =	sadd.s32 $0x100, s22;
	s10 =	simm.s32 $0x20;
	[sflag:s28] =	ssyncadd.s32 $0xFFFFC000  }
0x6c: {  	[tilespmem:s24], [sflag:$0x2] =	stream.linear.gather [hbm4b:s15+s3], $0x80, $0x38;
	[tilespmem:$0x1BE80] =	vst v63  }
.LBB2_4:
0x6d: {  	[tilespmem:s25], [sflag:$0x2] =	stream.linear.gather [hbm4b:s13+s3], $0x80, $0x38;
	[tilespmem:$0x1BE80] =	vst v63  }
0x6e: {  	s13 =	smov.u32 s10  }
0x6f: {  	p0 =	sne.s32 s10, $0x4A0;
	s10 =	sadd.s32 $0x20, s10;
	_ =	swait.ge [sflag:s30], $0x80  }
0x70: {  	[sflag:s30] =	ssyncset.done $0x0  }
0x71: {  	[sflag:s30] =	ssyncadd.s32 $0xFFFFFF80  }
0x72: {  	_ =	swait.ge [sflag:s30], $0x80  }
0x73: {  	[sflag:s30] =	ssyncset.done $0x0  }
0x74: {  	[sflag:s30] =	ssyncadd.s32 $0xFFFFFF80  }
0x75: {  	[tilespmem:s31], [sflag:$0x4] =	stream.indirect.gather [hbm4b:s4+s24], $0x80, s24, s24, $0xb8;
	[tilespmem:$0x1BE80] =	vst v63  }
0x76: {  	_ =	swait.ge [sflag:s0], $0x4000  }
0x77: {  	[sflag:s0] =	ssyncset.done $0x0  }
0x78: {  	[sflag:s0] =	ssyncadd.s32 $0xFFFFC000  }
0x79: {  	[spmem:s1] =	stream.indirect.scatter.add.f32 [tilespmem:s26], [sflag:$0x5], $0x80, s23, s24, $0xb8;
	[tilespmem:$0x1BE80] =	vst v63  }
0x7a: {  	_ =	swait.ge [sflag:s28], $0x4000  }
0x7b: {  	s14 =	sshrl.u32 s12, $0x3;
	[sflag:s28] =	ssyncset.done $0x0  }
0x7c: {  	s15 =	sadd.s32 s5, s14;
	[sflag:s28] =	ssyncadd.s32 $0xFFFFC000  }
0x7d: {  	[tilespmem:s3], [sflag:$0x1] =	stream.linear.gather [hbm4b:s15+s3], $0x80, $0x38;
	[tilespmem:$0x1BE80] =	vst v63  }
0x7e: {  	s14 =	sadd.s32 s6, s14  }
0x7f: {  	[tilespmem:s23], [sflag:$0x1] =	stream.linear.gather [hbm4b:s14+s3], $0x80, $0x38;
	[tilespmem:$0x1BE80] =	vst v63  }
0x80: {  	_ =	swait.ge [sflag:s29], $0x80  }
0x81: {  	[sflag:s29] =	ssyncset.done $0x0  }
0x82: {  	[sflag:s29] =	ssyncadd.s32 $0xFFFFFF80  }
0x83: {  	_ =	swait.ge [sflag:s29], $0x80  }
0x84: {  	[sflag:s29] =	ssyncset.done $0x0  }
0x85: {  	[sflag:s29] =	ssyncadd.s32 $0xFFFFFF80  }
0x86: {  	[tilespmem:s26], [sflag:$0x3] =	stream.indirect.gather [hbm4b:s4+s24], $0x80, s3, s24, $0xb8;
	[tilespmem:$0x1BE80] =	vst v63  }
0x87: {  	_ =	swait.ge [sflag:s2], $0x4000  }
0x88: {  	[sflag:s2] =	ssyncset.done $0x0  }
0x89: {  	[sflag:s2] =	ssyncadd.s32 $0xFFFFC000  }
0x8a: {  	[spmem:s1] =	stream.indirect.scatter.add.f32 [tilespmem:s31], [sflag:$0x5], $0x80, s25, s24, $0xb8;
	[tilespmem:$0x1BE80] =	vst v63  }
.Ltmp1:
0x8b: {  	_ =	swait.ge [sflag:s28], $0x4000;
	(pc) =	sbr.rel @p0 .LBB2_4-.Ltmp1, $4  }
0x8c: {  	[sflag:s28] =	ssyncset.done $0x0  }
0x8d: {  	s14 =	sadd.s32 s13, s21;
	[sflag:s28] =	ssyncadd.s32 $0xFFFFC000  }
0x8e: {  	[tilespmem:s24], [sflag:$0x2] =	stream.linear.gather [hbm4b:s14+s3], $0x80, $0x38;
	[tilespmem:$0x1BE80] =	vst v63  }
0x8f: {  	s12 =	sadd.s32 $0x100, s12;
	s13 =	sadd.s32 s13, s20  }
0x90: {  	[tilespmem:s25], [sflag:$0x2] =	stream.linear.gather [hbm4b:s13+s3], $0x80, $0x38;
	[tilespmem:$0x1BE80] =	vst v63  }
0x91: {  	_ =	swait.ge [sflag:s30], $0x80  }
0x92: {  	[sflag:s30] =	ssyncset.done $0x0  }
0x93: {  	[sflag:s30] =	ssyncadd.s32 $0xFFFFFF80  }
0x94: {  	_ =	swait.ge [sflag:s30], $0x80  }
0x95: {  	[sflag:s30] =	ssyncset.done $0x0  }
0x96: {  	[sflag:s30] =	ssyncadd.s32 $0xFFFFFF80  }
0x97: {  	[tilespmem:s31], [sflag:$0x4] =	stream.indirect.gather [hbm4b:s4+s24], $0x80, s24, s24, $0xb8;
	[tilespmem:$0x1BE80] =	vst v63  }
0x98: {  	_ =	swait.ge [sflag:s0], $0x4000  }
0x99: {  	[sflag:s0] =	ssyncset.done $0x0  }
0x9a: {  	[sflag:s0] =	ssyncadd.s32 $0xFFFFC000  }
0x9b: {  	[spmem:s1] =	stream.indirect.scatter.add.f32 [tilespmem:s26], [sflag:$0x5], $0x80, s23, s24, $0xb8;
	[tilespmem:$0x1BE80] =	vst v63  }
0x9c: {  	_ =	swait.ge [sflag:s28], $0x4000  }
0x9d: {  	[sflag:s28] =	ssyncset.done $0x0  }
0x9e: {  	[sflag:s28] =	ssyncadd.s32 $0xFFFFC000  }
0x9f: {  	_ =	swait.ge [sflag:s2], $0x4000  }
0xa0: {  	[sflag:s2] =	ssyncset.done $0x0  }
0xa1: {  	[sflag:s2] =	ssyncadd.s32 $0xFFFFC000  }
0xa2: {  	[spmem:s1] =	stream.indirect.scatter.add.f32 [tilespmem:s31], [sflag:$0x5], $0x80, s25, s24, $0xb8;
	[tilespmem:$0x1BE80] =	vst v63  }
0xa3: {  	_ =	swait.ge [sflag:s28], $0x4000  }
0xa4: {  	[sflag:s28] =	ssyncset.done $0x0  }
0xa5: {  	s10 =	rddreg [dreg:$0x8];
	[sflag:s28] =	ssyncadd.s32 $0xFFFFC000  }
0xa6: {  	[tilespmem:s3], [sflag:$0x5] =	stream.linear.gather [hbm4b:s10+s3], $0x10, $0x38;
	[tilespmem:$0x1BE80] =	vst v63  }
0xa7: {  	_ =	swait.ge [sflag:s28], $0x10  }
0xa8: {  	[sflag:s28] =	ssyncset.done $0x0  }
0xa9: {  	s13 =	rddreg [dreg:$0x9];
	[sflag:s28] =	ssyncadd.s32 $0xFFFFFFF0  }
0xaa: {  	[tilespmem:s7], [sflag:$0x5] =	stream.linear.gather [hbm4b:s13+s3], $0x10, $0x38;
	[tilespmem:$0x1BE80] =	vst v63  }
0xab: {  	_ =	swait.ge [sflag:s28], $0x10  }
0xac: {  	[sflag:s28] =	ssyncset.done $0x0  }
0xad: {  	[sflag:s28] =	ssyncadd.s32 $0xFFFFFFF0  }
0xae: {  	[tilespmem:s26], [sflag:$0x3] =	stream.indirect.gather [hbm4b:s4+s8], $0x80, s3, s8, $0xb8;
	[tilespmem:$0x1BE80] =	vst v63  }
0xaf: {  	_ =	swait.ge [sflag:s0], $0x800  }
0xb0: {  	[sflag:s0] =	ssyncset.done $0x0  }
0xb1: {  	[sflag:s0] =	ssyncadd.s32 $0xFFFFF800  }
0xb2: {  	[spmem:s1] =	stream.indirect.scatter.add.f32 [tilespmem:s26], [sflag:$0x5], $0x80, s7, s8, $0xb8;
	[tilespmem:$0x1BE80] =	vst v63  }
0xb3: {  	_ =	swait.ge [sflag:s28], $0x800  }
0xb4: {  	s14 =	stileid.u32;
	[sflag:s28] =	ssyncset.done $0x0  }
0xb5: {  	s12 =	sshrl.u32 s11, $0x3;
	s9 =	sadd.s32 $0x1, s9;
	[sflag:s28] =	ssyncadd.s32 $0xFFFFF800  }
0xb6: {  	p0 =	sne.s32 s9, s16;
	s10 =	sshll.u32 s14, $0x6;
	[bflag:$0x0] =	sbarrier.arrive $0xFFFF  }
.Ltmp2:
0xb7: {  	s10 =	sor.u32 $0x1C05, s10;
	s15 =	rddreg [dreg:$0xa];
	(pc) =	sbr.rel @p0 .LBB2_1-.Ltmp2, $4  }
0xb8: {  	[hbm:s15], [sflag:s10] =	dma.local [spmem:s12], $0x2780  }
0xb9: {  	_ =	swait.ge [sflag:s28], $0x2780  }
0xba: {  	[sflag:s28] =	ssyncset.done $0x0  }
0xbb: {  	[sflag:s28] =	ssyncadd.s32 $0xFFFFD880  }
0xbc: {  	_ =	sfence.sel $0x180000  }
0xbd: {  	[bflag:$0x0] =	sbarrier.arrive $0xFFFF  }
0xbe: {  	_ =	strace $0x9000004A  }
0xbf: {  	s0 =	stileid.u32;
	[bflag:$0x2] =	sbarrier.arrive $0xFFFF  }
0xc0: {  	p0 =	sne.s32 s0, $0x0;
	s0 =	rddreg [dreg:$0x2]  }
0xc1: {  	s0 =	sadd.s32 @!p0 $0x100000, s0  }
0xc2: {  	[sflag:s0] =	ssyncadd.tile.s32 @!p0 $0x1;
	_ =	shalt  }
.Lfunc_end2:
_tile_overlayer_lowered:
.L_overlay_start_2:
0xc3: {  	(tag) =	ssettag $0x2  }
0xc4: {  	s0 =	rddreg [dreg:$0x0];
	s2 =	stileid.u32  }
0xc5: {  	s1 =	rddreg [dreg:$0x1];
	p0 =	sne.s32 s2, $0x0  }
0xc6: {  	s3 =	rddreg [dreg:$0x2];
	[bflag:$0x3] =	sbarrier.arrive $0xFFFF;
	s2 =	simm.s32 @!p0 $0x1C05  }
0xc7: {  	[timem:s3], [sflag:s2] =	dma.local @!p0 [hbm:s0], s1  }
0xc8: {  	s0 =	simm.s32 @!p0 $0x5  }
0xc9: {  	_ =	swait.ge @!p0 [sflag:s0], s1  }
0xca: {  	s1 =	ssub.s32 @!p0 $0x0, s1;
	[sflag:s0] =	ssyncset.done @!p0 $0x0  }
0xcb: {  	[sflag:s0] =	ssyncadd.s32 @!p0 s1  }
0xcc: {  	[bflag:$0x3] =	sbarrier.arrive $0xFFFF  }
0xcd: {  	_ =	shalt  }

// kernel: kernel.14.cloned.1.call-start
scs
__scs_entry_jumppad:
0x0: {  	(pc) =	sbr.rel $0x88, $3  }
0x1: {  	(tag) =	ssettag $0x0;
	lr =	simm.s32 $0x1  }
0x2: {  	[smem:$0x3F88] =	sst lr;
	_ =	strace $0xD0000000  }
0x3: {  	_ = 	snop  }
0x4: {  	_ = 	snop  }
0x5: {  	_ = 	snop  }
0x6: {  	_ = 	snop  }
0x7: {  	_ = 	snop  }
__scs_overlays_trampoline_lowered:
0x8: {  	[smem:$0x3F97] =	sst s0  }
0x9: {  	[smem:$0x3F98] =	sst s1  }
0xa: {  	[smem:$0x3F99] =	sst s2  }
0xb: {  	[smem:$0x3F9A] =	sst s3  }
0xc: {  	[smem:$0x3F9B] =	sst s4  }
0xd: {  	[smem:$0x3F9C] =	sst s5  }
0xe: {  	[smem:$0x3F9D] =	sst s6  }
0xf: {  	[smem:$0x3F9E] =	sst s7  }
0x10: {  	[smem:$0x3F9F] =	sst s8  }
0x11: {  	[smem:$0x3FA0] =	sst s9;
	s0 =	simm.s32 @!p0 $0x0  }
0x12: {  	s1 =	sld [smem:$0x3F86];
	s0 =	simm.s32 @p0 $0x1  }
0x13: {  	[smem:$0x3FA1] =	sst s0;
	s0 =	simm.s32 @!p1 $0x0  }
0x14: {  	s2 =	sld [smem:$0x3F85];
	s0 =	simm.s32 @p1 $0x1  }
0x15: {  	[smem:$0x3FA2] =	sst s0;
	s0 =	simm.s32 @!p2 $0x0  }
0x16: {  	s3 =	sld [smem:$0x3FDB];
	s0 =	simm.s32 @p2 $0x1  }
0x17: {  	s4 =	simm.s32 $0x1BF5;
	[smem:$0x3FA4] =	sst s0  }
0x18: {  	s0 =	sld [smem:$0x3F87];
	_ =	swait.ge [sflag:s4], $0x0  }
0x19: {  	s7 =	sld [smem:$0x3F88]  }
0x1a: {  	s8 =	sadd.s32 $0xFFFFE003, lr  }
0x1b: {  	s9 =	sadd.s32 $0xFFFFFEF7, lr;
	s5 =	simm.s32 $0xFFFFFFFF;
	p2 =	slt.u32 s8, $0xFFFFF086  }
0x1c: {  	p1 =	slt.u32 s9, $0xF7A;
	s5 =	simm.s32 @!p2 $0x0  }
0x1d: {  	s5 =	simm.s32 @p1 $0x1;
	p0 =	seq.s32 s7, s2  }
0x1e: {  	s7 =	smul.u32 @!p0 $0xF7A, s2;
	p2 =	seq.s32 @!p0 s5, $0x0  }
0x1f: {  	s9 =	smul.u32 $0xF7A, s1;
	s8 =	simm.s32 @!p0 $0x1BF5;
	p2 =	por !p2, p0  }
0x20: {  	[sflag:s8] =	ssyncset.s32 @!p0 $0xFFFFF086;
	s6 =	sadd.s32 @!p0 s3, s7;
	s7 =	simm.s32 @!p0 $0x108  }
0x21: {  	s3 =	sadd.s32 s3, s9;
	s6 =	sadd.s32 @!p0 $0x88, s6;
	s7 =	simm.s32 @p2 $0x1082  }
0x22: {  	[simem:s7], [sflag:s8] =	dma.local @!p0 [hbm:s6], $0xF7A  }
0x23: {  	s9 =	sor.u32 $0xD0000000, s2;
	s6 =	simm.s32 $0x108;
	_ =	swait.ge @!p0 [sflag:s8], $0x0  }
0x24: {  	s3 =	sadd.s32 $0x88, s3;
	s6 =	simm.s32 @!p1 $0x1082;
	[sflag:s4] =	ssyncset.s32 $0xFFFFF086  }
0x25: {  	[simem:s6], [sflag:s4] =	dma.local [hbm:s3], $0xF7A  }
0x26: {  	[smem:$0x3F88] =	sst s1;
	(tag) =	ssettag s2;
	_ =	strace s9  }
0x27: {  	s1 =	sld [smem:$0x3F98]  }
0x28: {  	s2 =	sld [smem:$0x3F99]  }
0x29: {  	s4 =	sld [smem:$0x3F9B]  }
0x2a: {  	p0 =	seq.s32 s5, $0x0;
	s5 =	sld [smem:$0x3F9C]  }
0x2b: {  	s6 =	sld [smem:$0x3F9D]  }
0x2c: {  	s7 =	sld [smem:$0x3F9E]  }
0x2d: {  	s3 =	simm.s32 $0x108;
	s8 =	sld [smem:$0x3F9F]  }
0x2e: {  	s3 =	simm.s32 @!p0 $0x1082;
	s9 =	sld [smem:$0x3FA0]  }
0x2f: {  	lr =	sadd.s32 s0, s3;
	s0 =	sld [smem:$0x3F97]  }
0x30: {  	s3 =	sld [smem:$0x3F9A]  }
0x31: {  	[smem:$0x3FA3] =	sst s10  }
0x32: {  	s10 =	sld [smem:$0x3FA1];
	_ =	sdelay $0x3  }
0x33: {  	p0 =	seq.s32 s10, $0x1;
	s10 =	sld [smem:$0x3FA3];
	_ =	sdelay $0x3  }
0x34: {  	[smem:$0x3FA3] =	sst s10  }
0x35: {  	s10 =	sld [smem:$0x3FA2];
	_ =	sdelay $0x3  }
0x36: {  	p1 =	seq.s32 s10, $0x1;
	s10 =	sld [smem:$0x3FA3];
	_ =	sdelay $0x3  }
0x37: {  	[smem:$0x3FA3] =	sst s10  }
0x38: {  	s10 =	sld [smem:$0x3FA4]  }
0x39: {  	_ = 	snop;
	(pc) =	sbr.ind lr, $3  }
0x3a: {  	_ = 	snop  }
0x3b: {  	_ = 	snop  }
0x3c: {  	p2 =	seq.s32 s10, $0x1;
	s10 =	sld [smem:$0x3FA3]  }
0x3d: {  	_ =	shalt  }
0x3e: {  	_ =	shalt  }
0x3f: {  	_ =	shalt  }
0x40: {  	_ =	shalt  }
0x41: {  	_ =	shalt  }
0x42: {  	_ =	shalt  }
0x43: {  	_ =	shalt  }
0x44: {  	_ =	shalt  }
0x45: {  	_ =	shalt  }
0x46: {  	_ =	shalt  }
0x47: {  	_ =	shalt  }
0x48: {  	_ =	shalt  }
0x49: {  	_ =	shalt  }
0x4a: {  	_ =	shalt  }
0x4b: {  	_ =	shalt  }
0x4c: {  	_ =	shalt  }
0x4d: {  	_ =	shalt  }
0x4e: {  	_ =	shalt  }
0x4f: {  	_ =	shalt  }
0x50: {  	_ =	shalt  }
0x51: {  	_ =	shalt  }
0x52: {  	_ =	shalt  }
0x53: {  	_ =	shalt  }
0x54: {  	_ =	shalt  }
0x55: {  	_ =	shalt  }
0x56: {  	_ =	shalt  }
0x57: {  	_ =	shalt  }
0x58: {  	_ =	shalt  }
0x59: {  	_ =	shalt  }
0x5a: {  	_ =	shalt  }
0x5b: {  	_ =	shalt  }
0x5c: {  	_ =	shalt  }
0x5d: {  	_ =	shalt  }
0x5e: {  	_ =	shalt  }
0x5f: {  	_ =	shalt  }
0x60: {  	_ =	shalt  }
0x61: {  	_ =	shalt  }
0x62: {  	_ =	shalt  }
0x63: {  	_ =	shalt  }
0x64: {  	_ =	shalt  }
0x65: {  	_ =	shalt  }
0x66: {  	_ =	shalt  }
0x67: {  	_ =	shalt  }
0x68: {  	_ =	shalt  }
0x69: {  	_ =	shalt  }
0x6a: {  	_ =	shalt  }
0x6b: {  	_ =	shalt  }
0x6c: {  	_ =	shalt  }
0x6d: {  	_ =	shalt  }
0x6e: {  	_ =	shalt  }
0x6f: {  	_ =	shalt  }
0x70: {  	_ =	shalt  }
0x71: {  	_ =	shalt  }
0x72: {  	_ =	shalt  }
0x73: {  	_ =	shalt  }
0x74: {  	_ =	shalt  }
0x75: {  	_ =	shalt  }
0x76: {  	_ =	shalt  }
0x77: {  	_ =	shalt  }
0x78: {  	_ =	shalt  }
0x79: {  	_ =	shalt  }
0x7a: {  	_ =	shalt  }
0x7b: {  	_ =	shalt  }
0x7c: {  	_ =	shalt  }
0x7d: {  	_ =	shalt  }
0x7e: {  	_ =	shalt  }
0x7f: {  	_ =	shalt  }
0x80: {  	_ =	shalt  }
0x81: {  	_ =	shalt  }
0x82: {  	_ =	shalt  }
0x83: {  	_ =	shalt  }
0x84: {  	_ =	shalt  }
0x85: {  	_ =	shalt  }
0x86: {  	_ =	shalt  }
0x87: {  	_ =	shalt  }
.Lfunc_end0:
.L_simem_size_0:
called_computation.2_lowered:
.L_overlay_start_0:
0x88: {  	s2 =	sld [smem:$0x3FD9]  }
0x89: {  	s3 =	sld [smem:$0x3FFE];
	_ =	sdelay $0x1  }
0x8a: {  	s1 =	srdreg.scid  }
0x8b: {  	s0 =	sand.u32 $0x1, s1  }
0x8c: {  	s16 =	sshll.u32 s0, $0xA;
	s2 =	sadd.s32 s3, s2  }
0x8d: {  	s2 =	sadd.s32 s2, s16  }
0x8e: {  	[smem:$0x3FAF] =	sst s2  }
0x8f: {  	_ = 	snop  }
0x90: {  	(tm) =	ssettm $0x1  }
0x91: {  	s17 =	sld [smem:$0x3FFB];
	_ =	sdelay $0x3  }
0x92: {  	_ =	strace s17  }
0x93: {  	s2 =	sld [smem:$0x3FFC];
	_ =	sdelay $0x3  }
0x94: {  	_ =	strace s2  }
0x95: {  	s2 =	sld [smem:$0x3FFD];
	_ =	sdelay $0x3  }
0x96: {  	_ =	strace s2  }
0x97: {  	_ =	strace $0x8FFFFFFF  }
0x98: {  	s18 =	sld [smem:$0x3FDB];
	_ =	sdelay $0x1  }
0x99: {  	s19 =	simm.s32 $_scs_section_size  }
0x9a: {  	s4 =	simm.s32 $_size__tile_overlayer_lowered;
	s5 =	simm.s32 $_tile_overlayer_lowered  }
0x9b: {  	s22 =	simm.s32 $0x1BFF;
	s21 =	sshll.u32 s5, $0x1;
	s2 =	sadd.s32 s19, s18  }
0x9c: {  	s6 =	simm.s32 $0x0;
	s20 =	sshll.u32 s4, $0x1;
	s4 =	sadd.s32 s21, s2  }
0x9d: {  	[timem:s6], [sflag:s22] =	dma.local [hbm:s4], s20  }
0x9e: {  	_ =	swait.ge [sflag:s22], s20  }
0x9f: {  	s3 =	ssub.s32 $0x0, s20;
	[sflag:s22] =	ssyncset.done $0x0  }
0xa0: {  	[sflag:s22] =	ssyncadd.s32 s3;
	_ =	sdelay $0x1  }
0xa1: {  	s23 =	simm.s32 $0x1B8B  }
0xa2: {  	_ =	swait.ge [sflag:s23], $0x1  }
0xa3: {  	[sflag:s23] =	ssyncset.done $0x0  }
0xa4: {  	s25 =	simm.s32 $0x1B8E;
	s24 =	sld [smem:$0x3FFE];
	[sflag:s23] =	ssyncadd.s32 $0xFFFFFFFF  }
0xa5: {  	s26 =	simm.s32 $execute0_lowered;
	[smem:$0x3FD2] =	sst s25  }
0xa6: {  	s4 =	sshll.u32 s26, $0x1;
	_ =	strace $0x8000004C;
	[dreg:$0x1] =	wrdreg $0xFFFFFFFF  }
0xa7: {  	s28 =	simm.s32 $_size_execute0_lowered;
	s2 =	sadd.s32 s2, s4;
	[dreg:$0x0] =	wrdreg $0x0  }
0xa8: {  	s4 =	sshll.u32 s28, $0x1;
	[dreg:$0x2] =	wrdreg s2  }
0xa9: {  	[dreg:$0x3] =	wrdreg s4  }
0xaa: {  	[dreg:$0x4] =	wrdreg $0xC0  }
0xab: {  	_ =	task [dreg:s6], $0x5FFFF  }
0xac: {  	[dreg:$0x1] =	wrdreg $0xFFFFFFFF  }
0xad: {  	[dreg:$0x0] =	wrdreg $0x60  }
0xae: {  	[dreg:$0x2] =	wrdreg s24  }
0xaf: {  	[dreg:$0x3] =	wrdreg $0x82800  }
0xb0: {  	[dreg:$0x4] =	wrdreg $0x9  }
0xb1: {  	_ =	task.clear_ibuf [dreg:s6], $0x5FFFF;
	_ =	strace $0x9000004C  }
0xb2: {  	s29 =	simm.s32 $0x9;
	_ =	strace $0x8000004E  }
0xb3: {  	_ =	swait.ge [sflag:s29], $0x1  }
0xb4: {  	[sflag:s29] =	ssyncadd.s32 $0xFFFFFFFF  }
0xb5: {  	_ =	strace $0x9000004E  }
0xb6: {  	_ =	sfence  }
0xb7: {  	s30 =	sld [smem:$0x0];
	_ =	sdelay $0x2  }
0xb8: {  	s31 =	sshll.u32 s1, $0xD;
	s1 =	sshrl.u32 s1, $0x2  }
0xb9: {  	s3 =	sand.u32 $0x4000, s31;
	s1 =	sadd.s32 s1, s30  }
0xba: {  	s0 =	sor.u32 s3, s0;
	s1 =	sshll.u32 s1, $0x11  }
0xbb: {  	s0 =	sor.u32 s1, s0  }
0xbc: {  	s0 =	sadd.s32 $0x8F2B, s0  }
0xbd: {  	[sflag:s0] =	ssyncadd.remote.s32 $0x1  }
0xbe: {  	_ =	sfence.sel $0xFFFF  }
0xbf: {  	[dreg:$0x0] =	wrdreg $0xFFFFFFFF;
	(pc) =	sbr.abs _section_cstart, $3  }
0xc0: {  	[dreg:$0x1] =	wrdreg $0xFFFFFFFF  }
0xc1: {  	_ =	task.clear_ibuf [dreg:s6], $0x2FFFF;
	_ =	strace $0x9FFFFFFF  }
0xc2: {  	(tm) =	ssettm $0x7FFFFFFF  }
0xc3: {  	_ =	shalt  }
tec
execute0_lowered:
.L_overlay_start_1:
0x0: {  	(tag) =	ssettag $0x1  }
0x1: {  	s0 =	rddreg [dreg:$0x0]  }
0x2: {  	s1 =	rddreg [dreg:$0x1]  }
0x3: {  	s3 =	simm.s32 $0x0;
	s2 =	srdreg.scid;
	s11 =	stileid.u32  }
0x4: {  	s28 =	simm.s32 $0x5;
	s29 =	simm.s32 $0x1;
	s7 =	smul.u32 $0x2780, s11  }
0x5: {  	s30 =	simm.s32 $0x2;
	s31 =	simm.s32 $0x4200;
	s20 =	smul.u32 $0x4F000, s11  }
0x6: {  	[smem:$0x7FF] =	sst s3;
	s2 =	sand.u32 $0x1, s2;
	s12 =	smul.u32 $0x4E20, s11  }
0x7: {  	s4 =	sshll.u32 s11, $0x1;
	s5 =	sadd.s32 $0xEC00, s0;
	s8 =	smul.u32 $0x27800, s2  }
0x8: {  	s6 =	sor.u32 s2, s4;
	s17 =	ssub.s32 $0x2, s2;
	s2 =	smul.u32 $0x2710, s2  }
0x9: {  	_ =	strace $0x8000004D;
	s4 =	sadd.s32 $0x18A00, s0;
	s9 =	smul.u32 $0x2710, s6  }
0xa: {  	s6 =	sadd.s32 $0x4E00, s0;
	s18 =	sshrl.u32 s17, $0x1;
	s7 =	sadd.s32 s7, s8  }
0xb: {  	s8 =	sshrl.u32 s20, $0x2;
	s2 =	sadd.s32 s2, s12;
	s0 =	sadd.s32 s7, s0  }
0xc: {  	s9 =	sshrl.u32 s9, $0x3;
	s7 =	ssub.s32 s17, s18;
	s11 =	sadd.s32 s8, s1  }
0xd: {  	s26 =	sadd.s32 $0x180, s2;
	s19 =	sadd.s32 s5, s9;
	s10 =	sadd.s32 s6, s9  }
0xe: {  	s21 =	sadd.s32 $0x10, s9;
	s23 =	sadd.s32 $0x4E0, s9;
	s24 =	sadd.s32 $0x10000, s11  }
0xf: {  	s0 =	sadd.s32 $0x3FC00, s0;
	s16 =	smax.u32 s7, $0x1;
	[dreg:$0x3] =	wrdreg s19  }
0x10: {  	s17 =	sadd.s32 $0x4000, s11;
	s18 =	sadd.s32 $0x8000, s11;
	[dreg:$0x4] =	wrdreg s10  }
0x11: {  	s7 =	simm.s32 $0x8200;
	s9 =	simm.s32 $0x0;
	[dreg:$0x7] =	wrdreg s24  }
0x12: {  	s22 =	sadd.s32 s5, s21;
	s10 =	sadd.s32 s6, s21;
	[dreg:$0xa] =	wrdreg s0  }
0x13: {  	s25 =	sadd.s32 s5, s23;
	s8 =	sadd.s32 s6, s23;
	[dreg:$0x5] =	wrdreg s22  }
0x14: {  	s0 =	sshrl.u32 s26, $0x3;
	s19 =	sadd.s32 $0xC000, s11;
	[dreg:$0x6] =	wrdreg s10  }
0x15: {  	s23 =	simm.s32 $0x100;
	s24 =	simm.s32 $0x80;
	[dreg:$0x8] =	wrdreg s25  }
0x16: {  	s26 =	simm.s32 $0x200;
	[dreg:$0x9] =	wrdreg s8;
	s20 =	sadd.s32 s0, s6  }
0x17: {  	s21 =	sadd.s32 s0, s5;
	s22 =	sadd.s32 $0x100, s2;
	s25 =	simm.s32 $0x180  }
0x18: {  	v0 =	vimm.f32 $0.0e+00;
	s0 =	simm.s32 $0x3;
	s2 =	simm.s32 $0x4;
	s8 =	simm.s32 $0x10  }
.LBB2_1:
0x19: {  	s10 =	rddreg [dreg:$0x3]  }
0x1a: {  	[tilespmem:s3], [sflag:$0x1] =	stream.linear.gather [hbm4b:s10+s3], $0x80, $0x38;
	[tilespmem:$0x1BE80] =	vst v63  }
0x1b: {  	s13 =	rddreg [dreg:$0x4]  }
0x1c: {  	[tilespmem:s23], [sflag:$0x1] =	stream.linear.gather [hbm4b:s13+s3], $0x80, $0x38;
	[tilespmem:$0x1BE80] =	vst v63  }
0x1d: {  	s14 =	rddreg [dreg:$0x5]  }
0x1e: {  	[tilespmem:s24], [sflag:$0x2] =	stream.linear.gather [hbm4b:s14+s3], $0x80, $0x38;
	[tilespmem:$0x1BE80] =	vst v63  }
0x1f: {  	s15 =	rddreg [dreg:$0x6];
	s12 =	simm.s32 $0x200;
	s10 =	simm.s32 $0x0  }
0x20: {  	[tilespmem:s25], [sflag:$0x2] =	stream.linear.gather [hbm4b:s15+s3], $0x80, $0x38;
	[tilespmem:$0x1BE80] =	vst v63  }
.LBB2_2:
0x21: {  	p0 =	sne.s32 s12, $0xFE00;
	[tilespmem:s10+$0x270] =	vst v0  }
0x22: {  	[tilespmem:s10+$0x200] =	vst v0  }
0x23: {  	[tilespmem:s10+$0x210] =	vst v0  }
.Ltmp0:
0x24: {  	[tilespmem:s10+$0x220] =	vst v0;
	(pc) =	sbr.rel @p0 .LBB2_2-.Ltmp0, $4  }
0x25: {  	[tilespmem:s10+$0x230] =	vst v0  }
0x26: {  	[tilespmem:s10+$0x240] =	vst v0  }
0x27: {  	[tilespmem:s10+$0x250] =	vst v0  }
0x28: {  	[tilespmem:s10+$0x260] =	vst v0;
	s10 =	sshra.s32 s12, $0x2;
	s12 =	sadd.s32 $0x200, s12  }
0x29: {  	[tilespmem:s10+$0x270] =	vst v0  }
0x2a: {  	[tilespmem:s10+$0x200] =	vst v0  }
0x2b: {  	[tilespmem:s10+$0x210] =	vst v0  }
0x2c: {  	[tilespmem:s10+$0x220] =	vst v0  }
0x2d: {  	[tilespmem:s10+$0x230] =	vst v0  }
0x2e: {  	[tilespmem:s10+$0x240] =	vst v0  }
0x2f: {  	[tilespmem:s10+$0x250] =	vst v0  }
0x30: {  	[tilespmem:s10+$0x260] =	vst v0  }
0x31: {  	[spmem:s11] =	stream.linear.scatter [tilespmem:s26], [sflag:$0x5], $0x4000, $0x38;
	[tilespmem:$0x1BE80] =	vst v63  }
0x32: {  	_ =	swait.ge [sflag:s28], $0x4000  }
0x33: {  	[sflag:s28] =	ssyncset.done $0x0  }
0x34: {  	[sflag:s28] =	ssyncadd.s32 $0xFFFFC000  }
0x35: {  	[spmem:s17] =	stream.linear.scatter [tilespmem:s26], [sflag:$0x5], $0x4000, $0x38;
	[tilespmem:$0x1BE80] =	vst v63  }
0x36: {  	_ =	swait.ge [sflag:s28], $0x4000  }
0x37: {  	[sflag:s28] =	ssyncset.done $0x0  }
0x38: {  	[sflag:s28] =	ssyncadd.s32 $0xFFFFC000  }
0x39: {  	[spmem:s18] =	stream.linear.scatter [tilespmem:s26], [sflag:$0x5], $0x4000, $0x38;
	[tilespmem:$0x1BE80] =	vst v63  }
0x3a: {  	_ =	swait.ge [sflag:s28], $0x4000  }
0x3b: {  	[sflag:s28] =	ssyncset.done $0x0  }
0x3c: {  	[sflag:s28] =	ssyncadd.s32 $0xFFFFC000  }
0x3d: {  	[spmem:s19] =	stream.linear.scatter [tilespmem:s26], [sflag:$0x5], $0x4000, $0x38;
	[tilespmem:$0x1BE80] =	vst v63  }
0x3e: {  	_ =	swait.ge [sflag:s28], $0x4000  }
0x3f: {  	[sflag:s28] =	ssyncset.done $0x0  }
0x40: {  	s12 =	rddreg [dreg:$0x7];
	[sflag:s28] =	ssyncadd.s32 $0xFFFFC000  }
0x41: {  	[spmem:s12] =	stream.linear.scatter [tilespmem:s26], [sflag:$0x5], $0x3C00, $0x38;
	[tilespmem:$0x1BE80] =	vst v63  }
0x42: {  	_ =	swait.ge [sflag:s28], $0x3C00  }
0x43: {  	[sflag:s28] =	ssyncset.done $0x0  }
0x44: {  	[sflag:s28] =	ssyncadd.s32 $0xFFFFC400  }
0x45: {  	_ =	swait.ge [sflag:s29], $0x80  }
0x46: {  	[sflag:s29] =	ssyncset.done $0x0  }
0x47: {  	[sflag:s29] =	ssyncadd.s32 $0xFFFFFF80  }
0x48: {  	_ =	swait.ge [sflag:s29], $0x80  }
0x49: {  	[sflag:s29] =	ssyncset.done $0x0  }
0x4a: {  	s13 =	simm.s32 $0x0;
	[sflag:s29] =	ssyncadd.s32 $0xFFFFFF80  }
0x4b: {  	[tilespmem:s26], [sflag:$0x3] =	stream.indirect.gather [hbm4b:s4+s24], $0x80, s13, s24, $0xb8;
	[tilespmem:$0x1BE80] =	vst v63  }
0x4c: {  	[bflag:$0x0] =	sbarrier.arrive $0xFFFF  }
0x4d: {  	_ =	swait.ge [sflag:s30], $0x80  }
0x4e: {  	[sflag:s30] =	ssyncset.done $0x0  }
0x4f: {  	[sflag:s30] =	ssyncadd.s32 $0xFFFFFF80  }
0x50: {  	_ =	swait.ge [sflag:s30], $0x80  }
0x51: {  	[sflag:s30] =	ssyncset.done $0x0  }
0x52: {  	[sflag:s30] =	ssyncadd.s32 $0xFFFFFF80  }
0x53: {  	[tilespmem:s31], [sflag:$0x4] =	stream.indirect.gather [hbm4b:s4+s24], $0x80, s24, s24, $0xb8;
	[tilespmem:$0x1BE80] =	vst v63  }
0x54: {  	_ =	swait.ge [sflag:s0], $0x4000  }
0x55: {  	[sflag:s0] =	ssyncset.done $0x0  }
0x56: {  	[sflag:s0] =	ssyncadd.s32 $0xFFFFC000  }
0x57: {  	[spmem:s1] =	stream.indirect.scatter.add.f32 [tilespmem:s26], [sflag:$0x5], $0x80, s23, s24, $0xb8;
	[tilespmem:$0x1BE80] =	vst v63  }
0x58: {  	_ =	swait.ge [sflag:s28], $0x4000  }
0x59: {  	s14 =	sshrl.u32 s22, $0x3;
	[sflag:s28] =	ssyncset.done $0x0  }
0x5a: {  	s12 =	sadd.s32 s5, s14;
	[sflag:s28] =	ssyncadd.s32 $0xFFFFC000  }
0x5b: {  	[tilespmem:s3], [sflag:$0x1] =	stream.linear.gather [hbm4b:s12+s3], $0x80, $0x38;
	[tilespmem:$0x1BE80] =	vst v63  }
0x5c: {  	s10 =	sadd.s32 s6, s14  }
0x5d: {  	[tilespmem:s23], [sflag:$0x1] =	stream.linear.gather [hbm4b:s10+s3], $0x80, $0x38;
	[tilespmem:$0x1BE80] =	vst v63  }
0x5e: {  	_ =	swait.ge [sflag:s29], $0x80  }
0x5f: {  	[sflag:s29] =	ssyncset.done $0x0  }
0x60: {  	[sflag:s29] =	ssyncadd.s32 $0xFFFFFF80  }
0x61: {  	_ =	swait.ge [sflag:s29], $0x80  }
0x62: {  	[sflag:s29] =	ssyncset.done $0x0  }
0x63: {  	[sflag:s29] =	ssyncadd.s32 $0xFFFFFF80  }
0x64: {  	[tilespmem:s26], [sflag:$0x3] =	stream.indirect.gather [hbm4b:s4+s24], $0x80, s3, s24, $0xb8;
	[tilespmem:$0x1BE80] =	vst v63  }
0x65: {  	_ =	swait.ge [sflag:s2], $0x4000  }
0x66: {  	[sflag:s2] =	ssyncset.done $0x0  }
0x67: {  	[sflag:s2] =	ssyncadd.s32 $0xFFFFC000  }
0x68: {  	[spmem:s1] =	stream.indirect.scatter.add.f32 [tilespmem:s31], [sflag:$0x5], $0x80, s25, s24, $0xb8;
	[tilespmem:$0x1BE80] =	vst v63  }
0x69: {  	_ =	swait.ge [sflag:s28], $0x4000  }
0x6a: {  	s15 =	sadd.s32 $0x0, s21;
	s13 =	sadd.s32 $0x0, s20;
	[sflag:s28] =	ssyncset.done $0x0  }
0x6b: {  	s12 =	sadd.s32 $0x100, s22;
	s10 =	simm.s32 $0x20;
	[sflag:s28] =	ssyncadd.s32 $0xFFFFC000  }
0x6c: {  	[tilespmem:s24], [sflag:$0x2] =	stream.linear.gather [hbm4b:s15+s3], $0x80, $0x38;
	[tilespmem:$0x1BE80] =	vst v63  }
.LBB2_4:
0x6d: {  	[tilespmem:s25], [sflag:$0x2] =	stream.linear.gather [hbm4b:s13+s3], $0x80, $0x38;
	[tilespmem:$0x1BE80] =	vst v63  }
0x6e: {  	s13 =	smov.u32 s10  }
0x6f: {  	p0 =	sne.s32 s10, $0x4A0;
	s10 =	sadd.s32 $0x20, s10;
	_ =	swait.ge [sflag:s30], $0x80  }
0x70: {  	[sflag:s30] =	ssyncset.done $0x0  }
0x71: {  	[sflag:s30] =	ssyncadd.s32 $0xFFFFFF80  }
0x72: {  	_ =	swait.ge [sflag:s30], $0x80  }
0x73: {  	[sflag:s30] =	ssyncset.done $0x0  }
0x74: {  	[sflag:s30] =	ssyncadd.s32 $0xFFFFFF80  }
0x75: {  	[tilespmem:s31], [sflag:$0x4] =	stream.indirect.gather [hbm4b:s4+s24], $0x80, s24, s24, $0xb8;
	[tilespmem:$0x1BE80] =	vst v63  }
0x76: {  	_ =	swait.ge [sflag:s0], $0x4000  }
0x77: {  	[sflag:s0] =	ssyncset.done $0x0  }
0x78: {  	[sflag:s0] =	ssyncadd.s32 $0xFFFFC000  }
0x79: {  	[spmem:s1] =	stream.indirect.scatter.add.f32 [tilespmem:s26], [sflag:$0x5], $0x80, s23, s24, $0xb8;
	[tilespmem:$0x1BE80] =	vst v63  }
0x7a: {  	_ =	swait.ge [sflag:s28], $0x4000  }
0x7b: {  	s14 =	sshrl.u32 s12, $0x3;
	[sflag:s28] =	ssyncset.done $0x0  }
0x7c: {  	s15 =	sadd.s32 s5, s14;
	[sflag:s28] =	ssyncadd.s32 $0xFFFFC000  }
0x7d: {  	[tilespmem:s3], [sflag:$0x1] =	stream.linear.gather [hbm4b:s15+s3], $0x80, $0x38;
	[tilespmem:$0x1BE80] =	vst v63  }
0x7e: {  	s14 =	sadd.s32 s6, s14  }
0x7f: {  	[tilespmem:s23], [sflag:$0x1] =	stream.linear.gather [hbm4b:s14+s3], $0x80, $0x38;
	[tilespmem:$0x1BE80] =	vst v63  }
0x80: {  	_ =	swait.ge [sflag:s29], $0x80  }
0x81: {  	[sflag:s29] =	ssyncset.done $0x0  }
0x82: {  	[sflag:s29] =	ssyncadd.s32 $0xFFFFFF80  }
0x83: {  	_ =	swait.ge [sflag:s29], $0x80  }
0x84: {  	[sflag:s29] =	ssyncset.done $0x0  }
0x85: {  	[sflag:s29] =	ssyncadd.s32 $0xFFFFFF80  }
0x86: {  	[tilespmem:s26], [sflag:$0x3] =	stream.indirect.gather [hbm4b:s4+s24], $0x80, s3, s24, $0xb8;
	[tilespmem:$0x1BE80] =	vst v63  }
0x87: {  	_ =	swait.ge [sflag:s2], $0x4000  }
0x88: {  	[sflag:s2] =	ssyncset.done $0x0  }
0x89: {  	[sflag:s2] =	ssyncadd.s32 $0xFFFFC000  }
0x8a: {  	[spmem:s1] =	stream.indirect.scatter.add.f32 [tilespmem:s31], [sflag:$0x5], $0x80, s25, s24, $0xb8;
	[tilespmem:$0x1BE80] =	vst v63  }
.Ltmp1:
0x8b: {  	_ =	swait.ge [sflag:s28], $0x4000;
	(pc) =	sbr.rel @p0 .LBB2_4-.Ltmp1, $4  }
0x8c: {  	[sflag:s28] =	ssyncset.done $0x0  }
0x8d: {  	s14 =	sadd.s32 s13, s21;
	[sflag:s28] =	ssyncadd.s32 $0xFFFFC000  }
0x8e: {  	[tilespmem:s24], [sflag:$0x2] =	stream.linear.gather [hbm4b:s14+s3], $0x80, $0x38;
	[tilespmem:$0x1BE80] =	vst v63  }
0x8f: {  	s12 =	sadd.s32 $0x100, s12;
	s13 =	sadd.s32 s13, s20  }
0x90: {  	[tilespmem:s25], [sflag:$0x2] =	stream.linear.gather [hbm4b:s13+s3], $0x80, $0x38;
	[tilespmem:$0x1BE80] =	vst v63  }
0x91: {  	_ =	swait.ge [sflag:s30], $0x80  }
0x92: {  	[sflag:s30] =	ssyncset.done $0x0  }
0x93: {  	[sflag:s30] =	ssyncadd.s32 $0xFFFFFF80  }
0x94: {  	_ =	swait.ge [sflag:s30], $0x80  }
0x95: {  	[sflag:s30] =	ssyncset.done $0x0  }
0x96: {  	[sflag:s30] =	ssyncadd.s32 $0xFFFFFF80  }
0x97: {  	[tilespmem:s31], [sflag:$0x4] =	stream.indirect.gather [hbm4b:s4+s24], $0x80, s24, s24, $0xb8;
	[tilespmem:$0x1BE80] =	vst v63  }
0x98: {  	_ =	swait.ge [sflag:s0], $0x4000  }
0x99: {  	[sflag:s0] =	ssyncset.done $0x0  }
0x9a: {  	[sflag:s0] =	ssyncadd.s32 $0xFFFFC000  }
0x9b: {  	[spmem:s1] =	stream.indirect.scatter.add.f32 [tilespmem:s26], [sflag:$0x5], $0x80, s23, s24, $0xb8;
	[tilespmem:$0x1BE80] =	vst v63  }
0x9c: {  	_ =	swait.ge [sflag:s28], $0x4000  }
0x9d: {  	[sflag:s28] =	ssyncset.done $0x0  }
0x9e: {  	[sflag:s28] =	ssyncadd.s32 $0xFFFFC000  }
0x9f: {  	_ =	swait.ge [sflag:s2], $0x4000  }
0xa0: {  	[sflag:s2] =	ssyncset.done $0x0  }
0xa1: {  	[sflag:s2] =	ssyncadd.s32 $0xFFFFC000  }
0xa2: {  	[spmem:s1] =	stream.indirect.scatter.add.f32 [tilespmem:s31], [sflag:$0x5], $0x80, s25, s24, $0xb8;
	[tilespmem:$0x1BE80] =	vst v63  }
0xa3: {  	_ =	swait.ge [sflag:s28], $0x4000  }
0xa4: {  	[sflag:s28] =	ssyncset.done $0x0  }
0xa5: {  	s10 =	rddreg [dreg:$0x8];
	[sflag:s28] =	ssyncadd.s32 $0xFFFFC000  }
0xa6: {  	[tilespmem:s3], [sflag:$0x5] =	stream.linear.gather [hbm4b:s10+s3], $0x10, $0x38;
	[tilespmem:$0x1BE80] =	vst v63  }
0xa7: {  	_ =	swait.ge [sflag:s28], $0x10  }
0xa8: {  	[sflag:s28] =	ssyncset.done $0x0  }
0xa9: {  	s13 =	rddreg [dreg:$0x9];
	[sflag:s28] =	ssyncadd.s32 $0xFFFFFFF0  }
0xaa: {  	[tilespmem:s7], [sflag:$0x5] =	stream.linear.gather [hbm4b:s13+s3], $0x10, $0x38;
	[tilespmem:$0x1BE80] =	vst v63  }
0xab: {  	_ =	swait.ge [sflag:s28], $0x10  }
0xac: {  	[sflag:s28] =	ssyncset.done $0x0  }
0xad: {  	[sflag:s28] =	ssyncadd.s32 $0xFFFFFFF0  }
0xae: {  	[tilespmem:s26], [sflag:$0x3] =	stream.indirect.gather [hbm4b:s4+s8], $0x80, s3, s8, $0xb8;
	[tilespmem:$0x1BE80] =	vst v63  }
0xaf: {  	_ =	swait.ge [sflag:s0], $0x800  }
0xb0: {  	[sflag:s0] =	ssyncset.done $0x0  }
0xb1: {  	[sflag:s0] =	ssyncadd.s32 $0xFFFFF800  }
0xb2: {  	[spmem:s1] =	stream.indirect.scatter.add.f32 [tilespmem:s26], [sflag:$0x5], $0x80, s7, s8, $0xb8;
	[tilespmem:$0x1BE80] =	vst v63  }
0xb3: {  	_ =	swait.ge [sflag:s28], $0x800  }
0xb4: {  	s14 =	stileid.u32;
	[sflag:s28] =	ssyncset.done $0x0  }
0xb5: {  	s12 =	sshrl.u32 s11, $0x3;
	s9 =	sadd.s32 $0x1, s9;
	[sflag:s28] =	ssyncadd.s32 $0xFFFFF800  }
0xb6: {  	p0 =	sne.s32 s9, s16;
	s10 =	sshll.u32 s14, $0x6;
	[bflag:$0x0] =	sbarrier.arrive $0xFFFF  }
.Ltmp2:
0xb7: {  	s10 =	sor.u32 $0x1C05, s10;
	s15 =	rddreg [dreg:$0xa];
	(pc) =	sbr.rel @p0 .LBB2_1-.Ltmp2, $4  }
0xb8: {  	[hbm:s15], [sflag:s10] =	dma.local [spmem:s12], $0x2780  }
0xb9: {  	_ =	swait.ge [sflag:s28], $0x2780  }
0xba: {  	[sflag:s28] =	ssyncset.done $0x0  }
0xbb: {  	[sflag:s28] =	ssyncadd.s32 $0xFFFFD880  }
0xbc: {  	_ =	sfence.sel $0x180000  }
0xbd: {  	[bflag:$0x0] =	sbarrier.arrive $0xFFFF  }
0xbe: {  	_ =	strace $0x9000004D  }
0xbf: {  	s0 =	stileid.u32;
	[bflag:$0x2] =	sbarrier.arrive $0xFFFF  }
0xc0: {  	p0 =	sne.s32 s0, $0x0;
	s0 =	rddreg [dreg:$0x2]  }
0xc1: {  	s0 =	sadd.s32 @!p0 $0x100000, s0  }
0xc2: {  	[sflag:s0] =	ssyncadd.tile.s32 @!p0 $0x1;
	_ =	shalt  }
.Lfunc_end2:
_tile_overlayer_lowered:
.L_overlay_start_2:
0xc3: {  	(tag) =	ssettag $0x2  }
0xc4: {  	s0 =	rddreg [dreg:$0x0];
	s2 =	stileid.u32  }
0xc5: {  	s1 =	rddreg [dreg:$0x1];
	p0 =	sne.s32 s2, $0x0  }
0xc6: {  	s3 =	rddreg [dreg:$0x2];
	[bflag:$0x3] =	sbarrier.arrive $0xFFFF;
	s2 =	simm.s32 @!p0 $0x1C05  }
0xc7: {  	[timem:s3], [sflag:s2] =	dma.local @!p0 [hbm:s0], s1  }
0xc8: {  	s0 =	simm.s32 @!p0 $0x5  }
0xc9: {  	_ =	swait.ge @!p0 [sflag:s0], s1  }
0xca: {  	s1 =	ssub.s32 @!p0 $0x0, s1;
	[sflag:s0] =	ssyncset.done @!p0 $0x0  }
0xcb: {  	[sflag:s0] =	ssyncadd.s32 @!p0 s1  }
0xcc: {  	[bflag:$0x3] =	sbarrier.arrive $0xFFFF  }
0xcd: {  	_ =	shalt  }

// kernel: kernel.8.cloned.1.call-start
scs
__scs_entry_jumppad:
0x0: {  	(pc) =	sbr.rel $0x88, $3  }
0x1: {  	(tag) =	ssettag $0x0;
	lr =	simm.s32 $0x1  }
0x2: {  	[smem:$0x3F88] =	sst lr;
	_ =	strace $0xD0000000  }
0x3: {  	_ = 	snop  }
0x4: {  	_ = 	snop  }
0x5: {  	_ = 	snop  }
0x6: {  	_ = 	snop  }
0x7: {  	_ = 	snop  }
__scs_overlays_trampoline_lowered:
0x8: {  	[smem:$0x3F97] =	sst s0  }
0x9: {  	[smem:$0x3F98] =	sst s1  }
0xa: {  	[smem:$0x3F99] =	sst s2  }
0xb: {  	[smem:$0x3F9A] =	sst s3  }
0xc: {  	[smem:$0x3F9B] =	sst s4  }
0xd: {  	[smem:$0x3F9C] =	sst s5  }
0xe: {  	[smem:$0x3F9D] =	sst s6  }
0xf: {  	[smem:$0x3F9E] =	sst s7  }
0x10: {  	[smem:$0x3F9F] =	sst s8  }
0x11: {  	[smem:$0x3FA0] =	sst s9;
	s0 =	simm.s32 @!p0 $0x0  }
0x12: {  	s1 =	sld [smem:$0x3F86];
	s0 =	simm.s32 @p0 $0x1  }
0x13: {  	[smem:$0x3FA1] =	sst s0;
	s0 =	simm.s32 @!p1 $0x0  }
0x14: {  	s2 =	sld [smem:$0x3F85];
	s0 =	simm.s32 @p1 $0x1  }
0x15: {  	[smem:$0x3FA2] =	sst s0;
	s0 =	simm.s32 @!p2 $0x0  }
0x16: {  	s3 =	sld [smem:$0x3FDB];
	s0 =	simm.s32 @p2 $0x1  }
0x17: {  	s4 =	simm.s32 $0x1BF5;
	[smem:$0x3FA4] =	sst s0  }
0x18: {  	s0 =	sld [smem:$0x3F87];
	_ =	swait.ge [sflag:s4], $0x0  }
0x19: {  	s7 =	sld [smem:$0x3F88]  }
0x1a: {  	s8 =	sadd.s32 $0xFFFFE003, lr  }
0x1b: {  	s9 =	sadd.s32 $0xFFFFFEF7, lr;
	s5 =	simm.s32 $0xFFFFFFFF;
	p2 =	slt.u32 s8, $0xFFFFF086  }
0x1c: {  	p1 =	slt.u32 s9, $0xF7A;
	s5 =	simm.s32 @!p2 $0x0  }
0x1d: {  	s5 =	simm.s32 @p1 $0x1;
	p0 =	seq.s32 s7, s2  }
0x1e: {  	s7 =	smul.u32 @!p0 $0xF7A, s2;
	p2 =	seq.s32 @!p0 s5, $0x0  }
0x1f: {  	s9 =	smul.u32 $0xF7A, s1;
	s8 =	simm.s32 @!p0 $0x1BF5;
	p2 =	por !p2, p0  }
0x20: {  	[sflag:s8] =	ssyncset.s32 @!p0 $0xFFFFF086;
	s6 =	sadd.s32 @!p0 s3, s7;
	s7 =	simm.s32 @!p0 $0x108  }
0x21: {  	s3 =	sadd.s32 s3, s9;
	s6 =	sadd.s32 @!p0 $0x88, s6;
	s7 =	simm.s32 @p2 $0x1082  }
0x22: {  	[simem:s7], [sflag:s8] =	dma.local @!p0 [hbm:s6], $0xF7A  }
0x23: {  	s9 =	sor.u32 $0xD0000000, s2;
	s6 =	simm.s32 $0x108;
	_ =	swait.ge @!p0 [sflag:s8], $0x0  }
0x24: {  	s3 =	sadd.s32 $0x88, s3;
	s6 =	simm.s32 @!p1 $0x1082;
	[sflag:s4] =	ssyncset.s32 $0xFFFFF086  }
0x25: {  	[simem:s6], [sflag:s4] =	dma.local [hbm:s3], $0xF7A  }
0x26: {  	[smem:$0x3F88] =	sst s1;
	(tag) =	ssettag s2;
	_ =	strace s9  }
0x27: {  	s1 =	sld [smem:$0x3F98]  }
0x28: {  	s2 =	sld [smem:$0x3F99]  }
0x29: {  	s4 =	sld [smem:$0x3F9B]  }
0x2a: {  	p0 =	seq.s32 s5, $0x0;
	s5 =	sld [smem:$0x3F9C]  }
0x2b: {  	s6 =	sld [smem:$0x3F9D]  }
0x2c: {  	s7 =	sld [smem:$0x3F9E]  }
0x2d: {  	s3 =	simm.s32 $0x108;
	s8 =	sld [smem:$0x3F9F]  }
0x2e: {  	s3 =	simm.s32 @!p0 $0x1082;
	s9 =	sld [smem:$0x3FA0]  }
0x2f: {  	lr =	sadd.s32 s0, s3;
	s0 =	sld [smem:$0x3F97]  }
0x30: {  	s3 =	sld [smem:$0x3F9A]  }
0x31: {  	[smem:$0x3FA3] =	sst s10  }
0x32: {  	s10 =	sld [smem:$0x3FA1];
	_ =	sdelay $0x3  }
0x33: {  	p0 =	seq.s32 s10, $0x1;
	s10 =	sld [smem:$0x3FA3];
	_ =	sdelay $0x3  }
0x34: {  	[smem:$0x3FA3] =	sst s10  }
0x35: {  	s10 =	sld [smem:$0x3FA2];
	_ =	sdelay $0x3  }
0x36: {  	p1 =	seq.s32 s10, $0x1;
	s10 =	sld [smem:$0x3FA3];
	_ =	sdelay $0x3  }
0x37: {  	[smem:$0x3FA3] =	sst s10  }
0x38: {  	s10 =	sld [smem:$0x3FA4]  }
0x39: {  	_ = 	snop;
	(pc) =	sbr.ind lr, $3  }
0x3a: {  	_ = 	snop  }
0x3b: {  	_ = 	snop  }
0x3c: {  	p2 =	seq.s32 s10, $0x1;
	s10 =	sld [smem:$0x3FA3]  }
0x3d: {  	_ =	shalt  }
0x3e: {  	_ =	shalt  }
0x3f: {  	_ =	shalt  }
0x40: {  	_ =	shalt  }
0x41: {  	_ =	shalt  }
0x42: {  	_ =	shalt  }
0x43: {  	_ =	shalt  }
0x44: {  	_ =	shalt  }
0x45: {  	_ =	shalt  }
0x46: {  	_ =	shalt  }
0x47: {  	_ =	shalt  }
0x48: {  	_ =	shalt  }
0x49: {  	_ =	shalt  }
0x4a: {  	_ =	shalt  }
0x4b: {  	_ =	shalt  }
0x4c: {  	_ =	shalt  }
0x4d: {  	_ =	shalt  }
0x4e: {  	_ =	shalt  }
0x4f: {  	_ =	shalt  }
0x50: {  	_ =	shalt  }
0x51: {  	_ =	shalt  }
0x52: {  	_ =	shalt  }
0x53: {  	_ =	shalt  }
0x54: {  	_ =	shalt  }
0x55: {  	_ =	shalt  }
0x56: {  	_ =	shalt  }
0x57: {  	_ =	shalt  }
0x58: {  	_ =	shalt  }
0x59: {  	_ =	shalt  }
0x5a: {  	_ =	shalt  }
0x5b: {  	_ =	shalt  }
0x5c: {  	_ =	shalt  }
0x5d: {  	_ =	shalt  }
0x5e: {  	_ =	shalt  }
0x5f: {  	_ =	shalt  }
0x60: {  	_ =	shalt  }
0x61: {  	_ =	shalt  }
0x62: {  	_ =	shalt  }
0x63: {  	_ =	shalt  }
0x64: {  	_ =	shalt  }
0x65: {  	_ =	shalt  }
0x66: {  	_ =	shalt  }
0x67: {  	_ =	shalt  }
0x68: {  	_ =	shalt  }
0x69: {  	_ =	shalt  }
0x6a: {  	_ =	shalt  }
0x6b: {  	_ =	shalt  }
0x6c: {  	_ =	shalt  }
0x6d: {  	_ =	shalt  }
0x6e: {  	_ =	shalt  }
0x6f: {  	_ =	shalt  }
0x70: {  	_ =	shalt  }
0x71: {  	_ =	shalt  }
0x72: {  	_ =	shalt  }
0x73: {  	_ =	shalt  }
0x74: {  	_ =	shalt  }
0x75: {  	_ =	shalt  }
0x76: {  	_ =	shalt  }
0x77: {  	_ =	shalt  }
0x78: {  	_ =	shalt  }
0x79: {  	_ =	shalt  }
0x7a: {  	_ =	shalt  }
0x7b: {  	_ =	shalt  }
0x7c: {  	_ =	shalt  }
0x7d: {  	_ =	shalt  }
0x7e: {  	_ =	shalt  }
0x7f: {  	_ =	shalt  }
0x80: {  	_ =	shalt  }
0x81: {  	_ =	shalt  }
0x82: {  	_ =	shalt  }
0x83: {  	_ =	shalt  }
0x84: {  	_ =	shalt  }
0x85: {  	_ =	shalt  }
0x86: {  	_ =	shalt  }
0x87: {  	_ =	shalt  }
.Lfunc_end0:
.L_simem_size_0:
called_computation_lowered:
.L_overlay_start_0:
0x88: {  	s2 =	sld [smem:$0x3FD9]  }
0x89: {  	s3 =	sld [smem:$0x3FFE];
	_ =	sdelay $0x1  }
0x8a: {  	s1 =	srdreg.scid  }
0x8b: {  	s0 =	sand.u32 $0x1, s1  }
0x8c: {  	s17 =	sshll.u32 s0, $0xA;
	s2 =	sadd.s32 s3, s2  }
0x8d: {  	s2 =	sadd.s32 s2, s17  }
0x8e: {  	[smem:$0x3FAF] =	sst s2  }
0x8f: {  	_ = 	snop  }
0x90: {  	s2 =	sld [smem:$0x3FC9];
	(tm) =	ssettm $0x1  }
0x91: {  	s18 =	sld [smem:$0x3FFB];
	_ =	sdelay $0x3  }
0x92: {  	_ =	strace s18  }
0x93: {  	s3 =	sld [smem:$0x3FFC];
	_ =	sdelay $0x3  }
0x94: {  	_ =	strace s3  }
0x95: {  	s3 =	sld [smem:$0x3FFD];
	_ =	sdelay $0x3  }
0x96: {  	_ =	strace s3  }
0x97: {  	_ =	strace $0x8FFFFFFF  }
0x98: {  	s19 =	sld [smem:$0x3FDB];
	_ =	sdelay $0x1  }
0x99: {  	s4 =	simm.s32 $_scs_section_size  }
0x9a: {  	s5 =	simm.s32 $_size__tile_overlayer_lowered;
	s6 =	simm.s32 $_tile_overlayer_lowered  }
0x9b: {  	s22 =	simm.s32 $0x1BFF;
	s21 =	sshll.u32 s6, $0x1;
	s3 =	sadd.s32 s4, s19  }
0x9c: {  	s7 =	simm.s32 $0x0;
	s20 =	sshll.u32 s5, $0x1;
	s5 =	sadd.s32 s21, s3  }
0x9d: {  	[timem:s7], [sflag:s22] =	dma.local [hbm:s5], s20  }
0x9e: {  	_ =	swait.ge [sflag:s22], s20  }
0x9f: {  	s4 =	ssub.s32 $0x0, s20;
	[sflag:s22] =	ssyncset.done $0x0  }
0xa0: {  	[sflag:s22] =	ssyncadd.s32 s4;
	_ =	sdelay $0x1  }
0xa1: {  	s23 =	simm.s32 $0x1B8B  }
0xa2: {  	_ =	swait.ge [sflag:s23], $0x1  }
0xa3: {  	[sflag:s23] =	ssyncset.done $0x0  }
0xa4: {  	s25 =	simm.s32 $0x1B8E;
	s24 =	sld [smem:$0x3FFE];
	[sflag:s23] =	ssyncadd.s32 $0xFFFFFFFF  }
0xa5: {  	s26 =	simm.s32 $execute0_lowered;
	[smem:$0x3FD2] =	sst s25  }
0xa6: {  	s5 =	sshll.u32 s26, $0x1;
	_ =	strace $0x80000046;
	[dreg:$0x1] =	wrdreg $0xFFFFFFFF  }
0xa7: {  	s28 =	simm.s32 $_size_execute0_lowered;
	s3 =	sadd.s32 s3, s5;
	[dreg:$0x0] =	wrdreg $0x0  }
0xa8: {  	s5 =	sshll.u32 s28, $0x1;
	[dreg:$0x2] =	wrdreg s3  }
0xa9: {  	[dreg:$0x3] =	wrdreg s5  }
0xaa: {  	[dreg:$0x4] =	wrdreg $0xC0  }
0xab: {  	_ =	task [dreg:s7], $0x5FFFF  }
0xac: {  	[dreg:$0x1] =	wrdreg $0xFFFFFFFF  }
0xad: {  	[dreg:$0x0] =	wrdreg $0x60  }
0xae: {  	[dreg:$0x2] =	wrdreg s2  }
0xaf: {  	[dreg:$0x3] =	wrdreg s24  }
0xb0: {  	[dreg:$0x4] =	wrdreg $0x82800  }
0xb1: {  	[dreg:$0x5] =	wrdreg $0x9  }
0xb2: {  	_ =	task.clear_ibuf [dreg:s7], $0x6FFFF;
	_ =	strace $0x90000046  }
0xb3: {  	s29 =	simm.s32 $0x9;
	_ =	strace $0x80000048  }
0xb4: {  	_ =	swait.ge [sflag:s29], $0x1  }
0xb5: {  	[sflag:s29] =	ssyncadd.s32 $0xFFFFFFFF  }
0xb6: {  	_ =	strace $0x90000048  }
0xb7: {  	_ =	sfence  }
0xb8: {  	s30 =	sld [smem:$0x0];
	_ =	sdelay $0x2  }
0xb9: {  	s31 =	sshll.u32 s1, $0xD;
	s1 =	sshrl.u32 s1, $0x2  }
0xba: {  	s3 =	sand.u32 $0x4000, s31;
	s1 =	sadd.s32 s1, s30  }
0xbb: {  	s0 =	sor.u32 s3, s0;
	s1 =	sshll.u32 s1, $0x11  }
0xbc: {  	s0 =	sor.u32 s1, s0  }
0xbd: {  	s0 =	sadd.s32 $0x8F2B, s0  }
0xbe: {  	[sflag:s0] =	ssyncadd.remote.s32 $0x1  }
0xbf: {  	_ =	sfence.sel $0xFFFF  }
0xc0: {  	[dreg:$0x0] =	wrdreg $0xFFFFFFFF;
	(pc) =	sbr.abs _section_cstart, $3  }
0xc1: {  	[dreg:$0x1] =	wrdreg $0xFFFFFFFF  }
0xc2: {  	_ =	task.clear_ibuf [dreg:s7], $0x2FFFF;
	_ =	strace $0x9FFFFFFF  }
0xc3: {  	(tm) =	ssettm $0x7FFFFFFF  }
tec
execute0_lowered:
.L_overlay_start_1:
0x0: {  	(tag) =	ssettag $0x1  }
0x1: {  	s1 =	rddreg [dreg:$0x0]  }
0x2: {  	s0 =	rddreg [dreg:$0x1]  }
0x3: {  	s3 =	rddreg [dreg:$0x2];
	s4 =	simm.s32 $0x0;
	s11 =	stileid.u32  }
0x4: {  	s2 =	srdreg.scid;
	s28 =	simm.s32 $0x5;
	s7 =	smul.u32 $0x2780, s11  }
0x5: {  	s29 =	simm.s32 $0x1;
	s30 =	simm.s32 $0x2;
	s20 =	smul.u32 $0x4F000, s11  }
0x6: {  	s31 =	simm.s32 $0x4200;
	s2 =	sand.u32 $0x1, s2;
	s12 =	smul.u32 $0x4E20, s11  }
0x7: {  	s5 =	sshll.u32 s11, $0x1;
	[smem:$0x7FF] =	sst s4;
	s8 =	smul.u32 $0x27800, s2  }
0x8: {  	s6 =	sor.u32 s2, s5;
	s17 =	ssub.s32 $0x2, s2;
	s2 =	smul.u32 $0x2710, s2  }
0x9: {  	_ =	strace $0x80000047;
	s5 =	sadd.s32 $0xEC00, s0;
	s9 =	smul.u32 $0x2710, s6  }
0xa: {  	s6 =	sadd.s32 $0x4E00, s0;
	s18 =	sshrl.u32 s17, $0x1;
	s7 =	sadd.s32 s7, s8  }
0xb: {  	s8 =	sshrl.u32 s20, $0x2;
	s2 =	sadd.s32 s2, s12;
	s0 =	sadd.s32 s7, s0  }
0xc: {  	s9 =	sshrl.u32 s9, $0x3;
	s7 =	ssub.s32 s17, s18;
	s11 =	sadd.s32 s8, s3  }
0xd: {  	s26 =	sadd.s32 $0x180, s2;
	s19 =	sadd.s32 s5, s9;
	s10 =	sadd.s32 s6, s9  }
0xe: {  	s21 =	sadd.s32 $0x10, s9;
	s23 =	sadd.s32 $0x4E0, s9;
	s24 =	sadd.s32 $0x10000, s11  }
0xf: {  	s0 =	sadd.s32 $0x18A00, s0;
	s16 =	smax.u32 s7, $0x1;
	[dreg:$0x4] =	wrdreg s19  }
0x10: {  	s17 =	sadd.s32 $0x4000, s11;
	s18 =	sadd.s32 $0x8000, s11;
	[dreg:$0x5] =	wrdreg s10  }
0x11: {  	s7 =	simm.s32 $0x8200;
	s9 =	simm.s32 $0x0;
	[dreg:$0x8] =	wrdreg s24  }
0x12: {  	s22 =	sadd.s32 s5, s21;
	s10 =	sadd.s32 s6, s21;
	[dreg:$0xb] =	wrdreg s0  }
0x13: {  	s25 =	sadd.s32 s5, s23;
	s8 =	sadd.s32 s6, s23;
	[dreg:$0x6] =	wrdreg s22  }
0x14: {  	s0 =	sshrl.u32 s26, $0x3;
	s19 =	sadd.s32 $0xC000, s11;
	[dreg:$0x7] =	wrdreg s10  }
0x15: {  	s23 =	simm.s32 $0x100;
	s24 =	simm.s32 $0x80;
	[dreg:$0x9] =	wrdreg s25  }
0x16: {  	s26 =	simm.s32 $0x200;
	[dreg:$0xa] =	wrdreg s8;
	s20 =	sadd.s32 s0, s6  }
0x17: {  	s21 =	sadd.s32 s0, s5;
	s22 =	sadd.s32 $0x100, s2;
	s25 =	simm.s32 $0x180  }
0x18: {  	v0 =	vimm.f32 $0.0e+00;
	s0 =	simm.s32 $0x3;
	s2 =	simm.s32 $0x4;
	s8 =	simm.s32 $0x10  }
.LBB2_1:
0x19: {  	s10 =	rddreg [dreg:$0x4]  }
0x1a: {  	[tilespmem:s4], [sflag:$0x1] =	stream.linear.gather [hbm4b:s10+s4], $0x80, $0x38;
	[tilespmem:$0x1BE80] =	vst v63  }
0x1b: {  	s13 =	rddreg [dreg:$0x5]  }
0x1c: {  	[tilespmem:s23], [sflag:$0x1] =	stream.linear.gather [hbm4b:s13+s4], $0x80, $0x38;
	[tilespmem:$0x1BE80] =	vst v63  }
0x1d: {  	s14 =	rddreg [dreg:$0x6]  }
0x1e: {  	[tilespmem:s24], [sflag:$0x2] =	stream.linear.gather [hbm4b:s14+s4], $0x80, $0x38;
	[tilespmem:$0x1BE80] =	vst v63  }
0x1f: {  	s15 =	rddreg [dreg:$0x7];
	s12 =	simm.s32 $0x200;
	s10 =	simm.s32 $0x0  }
0x20: {  	[tilespmem:s25], [sflag:$0x2] =	stream.linear.gather [hbm4b:s15+s4], $0x80, $0x38;
	[tilespmem:$0x1BE80] =	vst v63  }
.LBB2_2:
0x21: {  	p0 =	sne.s32 s12, $0xFE00;
	[tilespmem:s10+$0x270] =	vst v0  }
0x22: {  	[tilespmem:s10+$0x200] =	vst v0  }
0x23: {  	[tilespmem:s10+$0x210] =	vst v0  }
.Ltmp0:
0x24: {  	[tilespmem:s10+$0x220] =	vst v0;
	(pc) =	sbr.rel @p0 .LBB2_2-.Ltmp0, $4  }
0x25: {  	[tilespmem:s10+$0x230] =	vst v0  }
0x26: {  	[tilespmem:s10+$0x240] =	vst v0  }
0x27: {  	[tilespmem:s10+$0x250] =	vst v0  }
0x28: {  	[tilespmem:s10+$0x260] =	vst v0;
	s10 =	sshra.s32 s12, $0x2;
	s12 =	sadd.s32 $0x200, s12  }
0x29: {  	[tilespmem:s10+$0x270] =	vst v0  }
0x2a: {  	[tilespmem:s10+$0x200] =	vst v0  }
0x2b: {  	[tilespmem:s10+$0x210] =	vst v0  }
0x2c: {  	[tilespmem:s10+$0x220] =	vst v0  }
0x2d: {  	[tilespmem:s10+$0x230] =	vst v0  }
0x2e: {  	[tilespmem:s10+$0x240] =	vst v0  }
0x2f: {  	[tilespmem:s10+$0x250] =	vst v0  }
0x30: {  	[tilespmem:s10+$0x260] =	vst v0  }
0x31: {  	[spmem:s11] =	stream.linear.scatter [tilespmem:s26], [sflag:$0x5], $0x4000, $0x38;
	[tilespmem:$0x1BE80] =	vst v63  }
0x32: {  	_ =	swait.ge [sflag:s28], $0x4000  }
0x33: {  	[sflag:s28] =	ssyncset.done $0x0  }
0x34: {  	[sflag:s28] =	ssyncadd.s32 $0xFFFFC000  }
0x35: {  	[spmem:s17] =	stream.linear.scatter [tilespmem:s26], [sflag:$0x5], $0x4000, $0x38;
	[tilespmem:$0x1BE80] =	vst v63  }
0x36: {  	_ =	swait.ge [sflag:s28], $0x4000  }
0x37: {  	[sflag:s28] =	ssyncset.done $0x0  }
0x38: {  	[sflag:s28] =	ssyncadd.s32 $0xFFFFC000  }
0x39: {  	[spmem:s18] =	stream.linear.scatter [tilespmem:s26], [sflag:$0x5], $0x4000, $0x38;
	[tilespmem:$0x1BE80] =	vst v63  }
0x3a: {  	_ =	swait.ge [sflag:s28], $0x4000  }
0x3b: {  	[sflag:s28] =	ssyncset.done $0x0  }
0x3c: {  	[sflag:s28] =	ssyncadd.s32 $0xFFFFC000  }
0x3d: {  	[spmem:s19] =	stream.linear.scatter [tilespmem:s26], [sflag:$0x5], $0x4000, $0x38;
	[tilespmem:$0x1BE80] =	vst v63  }
0x3e: {  	_ =	swait.ge [sflag:s28], $0x4000  }
0x3f: {  	[sflag:s28] =	ssyncset.done $0x0  }
0x40: {  	s12 =	rddreg [dreg:$0x8];
	[sflag:s28] =	ssyncadd.s32 $0xFFFFC000  }
0x41: {  	[spmem:s12] =	stream.linear.scatter [tilespmem:s26], [sflag:$0x5], $0x3C00, $0x38;
	[tilespmem:$0x1BE80] =	vst v63  }
0x42: {  	_ =	swait.ge [sflag:s28], $0x3C00  }
0x43: {  	[sflag:s28] =	ssyncset.done $0x0  }
0x44: {  	[sflag:s28] =	ssyncadd.s32 $0xFFFFC400  }
0x45: {  	_ =	swait.ge [sflag:s29], $0x80  }
0x46: {  	[sflag:s29] =	ssyncset.done $0x0  }
0x47: {  	[sflag:s29] =	ssyncadd.s32 $0xFFFFFF80  }
0x48: {  	_ =	swait.ge [sflag:s29], $0x80  }
0x49: {  	[sflag:s29] =	ssyncset.done $0x0  }
0x4a: {  	s13 =	simm.s32 $0x0;
	[sflag:s29] =	ssyncadd.s32 $0xFFFFFF80  }
0x4b: {  	[tilespmem:s26], [sflag:$0x3] =	stream.indirect.gather [hbm4b:s1+s24], $0x80, s13, s24, $0xb8;
	[tilespmem:$0x1BE80] =	vst v63  }
0x4c: {  	[bflag:$0x0] =	sbarrier.arrive $0xFFFF  }
0x4d: {  	_ =	swait.ge [sflag:s30], $0x80  }
0x4e: {  	[sflag:s30] =	ssyncset.done $0x0  }
0x4f: {  	[sflag:s30] =	ssyncadd.s32 $0xFFFFFF80  }
0x50: {  	_ =	swait.ge [sflag:s30], $0x80  }
0x51: {  	[sflag:s30] =	ssyncset.done $0x0  }
0x52: {  	[sflag:s30] =	ssyncadd.s32 $0xFFFFFF80  }
0x53: {  	[tilespmem:s31], [sflag:$0x4] =	stream.indirect.gather [hbm4b:s1+s24], $0x80, s24, s24, $0xb8;
	[tilespmem:$0x1BE80] =	vst v63  }
0x54: {  	_ =	swait.ge [sflag:s0], $0x4000  }
0x55: {  	[sflag:s0] =	ssyncset.done $0x0  }
0x56: {  	[sflag:s0] =	ssyncadd.s32 $0xFFFFC000  }
0x57: {  	[spmem:s3] =	stream.indirect.scatter.add.f32 [tilespmem:s26], [sflag:$0x5], $0x80, s23, s24, $0xb8;
	[tilespmem:$0x1BE80] =	vst v63  }
0x58: {  	_ =	swait.ge [sflag:s28], $0x4000  }
0x59: {  	s14 =	sshrl.u32 s22, $0x3;
	[sflag:s28] =	ssyncset.done $0x0  }
0x5a: {  	s12 =	sadd.s32 s5, s14;
	[sflag:s28] =	ssyncadd.s32 $0xFFFFC000  }
0x5b: {  	[tilespmem:s4], [sflag:$0x1] =	stream.linear.gather [hbm4b:s12+s4], $0x80, $0x38;
	[tilespmem:$0x1BE80] =	vst v63  }
0x5c: {  	s10 =	sadd.s32 s6, s14  }
0x5d: {  	[tilespmem:s23], [sflag:$0x1] =	stream.linear.gather [hbm4b:s10+s4], $0x80, $0x38;
	[tilespmem:$0x1BE80] =	vst v63  }
0x5e: {  	_ =	swait.ge [sflag:s29], $0x80  }
0x5f: {  	[sflag:s29] =	ssyncset.done $0x0  }
0x60: {  	[sflag:s29] =	ssyncadd.s32 $0xFFFFFF80  }
0x61: {  	_ =	swait.ge [sflag:s29], $0x80  }
0x62: {  	[sflag:s29] =	ssyncset.done $0x0  }
0x63: {  	[sflag:s29] =	ssyncadd.s32 $0xFFFFFF80  }
0x64: {  	[tilespmem:s26], [sflag:$0x3] =	stream.indirect.gather [hbm4b:s1+s24], $0x80, s4, s24, $0xb8;
	[tilespmem:$0x1BE80] =	vst v63  }
0x65: {  	_ =	swait.ge [sflag:s2], $0x4000  }
0x66: {  	[sflag:s2] =	ssyncset.done $0x0  }
0x67: {  	[sflag:s2] =	ssyncadd.s32 $0xFFFFC000  }
0x68: {  	[spmem:s3] =	stream.indirect.scatter.add.f32 [tilespmem:s31], [sflag:$0x5], $0x80, s25, s24, $0xb8;
	[tilespmem:$0x1BE80] =	vst v63  }
0x69: {  	_ =	swait.ge [sflag:s28], $0x4000  }
0x6a: {  	s15 =	sadd.s32 $0x0, s21;
	s13 =	sadd.s32 $0x0, s20;
	[sflag:s28] =	ssyncset.done $0x0  }
0x6b: {  	s12 =	sadd.s32 $0x100, s22;
	s10 =	simm.s32 $0x20;
	[sflag:s28] =	ssyncadd.s32 $0xFFFFC000  }
0x6c: {  	[tilespmem:s24], [sflag:$0x2] =	stream.linear.gather [hbm4b:s15+s4], $0x80, $0x38;
	[tilespmem:$0x1BE80] =	vst v63  }
.LBB2_4:
0x6d: {  	[tilespmem:s25], [sflag:$0x2] =	stream.linear.gather [hbm4b:s13+s4], $0x80, $0x38;
	[tilespmem:$0x1BE80] =	vst v63  }
0x6e: {  	s13 =	smov.u32 s10  }
0x6f: {  	p0 =	sne.s32 s10, $0x4A0;
	s10 =	sadd.s32 $0x20, s10;
	_ =	swait.ge [sflag:s30], $0x80  }
0x70: {  	[sflag:s30] =	ssyncset.done $0x0  }
0x71: {  	[sflag:s30] =	ssyncadd.s32 $0xFFFFFF80  }
0x72: {  	_ =	swait.ge [sflag:s30], $0x80  }
0x73: {  	[sflag:s30] =	ssyncset.done $0x0  }
0x74: {  	[sflag:s30] =	ssyncadd.s32 $0xFFFFFF80  }
0x75: {  	[tilespmem:s31], [sflag:$0x4] =	stream.indirect.gather [hbm4b:s1+s24], $0x80, s24, s24, $0xb8;
	[tilespmem:$0x1BE80] =	vst v63  }
0x76: {  	_ =	swait.ge [sflag:s0], $0x4000  }
0x77: {  	[sflag:s0] =	ssyncset.done $0x0  }
0x78: {  	[sflag:s0] =	ssyncadd.s32 $0xFFFFC000  }
0x79: {  	[spmem:s3] =	stream.indirect.scatter.add.f32 [tilespmem:s26], [sflag:$0x5], $0x80, s23, s24, $0xb8;
	[tilespmem:$0x1BE80] =	vst v63  }
0x7a: {  	_ =	swait.ge [sflag:s28], $0x4000  }
0x7b: {  	s14 =	sshrl.u32 s12, $0x3;
	[sflag:s28] =	ssyncset.done $0x0  }
0x7c: {  	s15 =	sadd.s32 s5, s14;
	[sflag:s28] =	ssyncadd.s32 $0xFFFFC000  }
0x7d: {  	[tilespmem:s4], [sflag:$0x1] =	stream.linear.gather [hbm4b:s15+s4], $0x80, $0x38;
	[tilespmem:$0x1BE80] =	vst v63  }
0x7e: {  	s14 =	sadd.s32 s6, s14  }
0x7f: {  	[tilespmem:s23], [sflag:$0x1] =	stream.linear.gather [hbm4b:s14+s4], $0x80, $0x38;
	[tilespmem:$0x1BE80] =	vst v63  }
0x80: {  	_ =	swait.ge [sflag:s29], $0x80  }
0x81: {  	[sflag:s29] =	ssyncset.done $0x0  }
0x82: {  	[sflag:s29] =	ssyncadd.s32 $0xFFFFFF80  }
0x83: {  	_ =	swait.ge [sflag:s29], $0x80  }
0x84: {  	[sflag:s29] =	ssyncset.done $0x0  }
0x85: {  	[sflag:s29] =	ssyncadd.s32 $0xFFFFFF80  }
0x86: {  	[tilespmem:s26], [sflag:$0x3] =	stream.indirect.gather [hbm4b:s1+s24], $0x80, s4, s24, $0xb8;
	[tilespmem:$0x1BE80] =	vst v63  }
0x87: {  	_ =	swait.ge [sflag:s2], $0x4000  }
0x88: {  	[sflag:s2] =	ssyncset.done $0x0  }
0x89: {  	[sflag:s2] =	ssyncadd.s32 $0xFFFFC000  }
0x8a: {  	[spmem:s3] =	stream.indirect.scatter.add.f32 [tilespmem:s31], [sflag:$0x5], $0x80, s25, s24, $0xb8;
	[tilespmem:$0x1BE80] =	vst v63  }
.Ltmp1:
0x8b: {  	_ =	swait.ge [sflag:s28], $0x4000;
	(pc) =	sbr.rel @p0 .LBB2_4-.Ltmp1, $4  }
0x8c: {  	[sflag:s28] =	ssyncset.done $0x0  }
0x8d: {  	s14 =	sadd.s32 s13, s21;
	[sflag:s28] =	ssyncadd.s32 $0xFFFFC000  }
0x8e: {  	[tilespmem:s24], [sflag:$0x2] =	stream.linear.gather [hbm4b:s14+s4], $0x80, $0x38;
	[tilespmem:$0x1BE80] =	vst v63  }
0x8f: {  	s12 =	sadd.s32 $0x100, s12;
	s13 =	sadd.s32 s13, s20  }
0x90: {  	[tilespmem:s25], [sflag:$0x2] =	stream.linear.gather [hbm4b:s13+s4], $0x80, $0x38;
	[tilespmem:$0x1BE80] =	vst v63  }
0x91: {  	_ =	swait.ge [sflag:s30], $0x80  }
0x92: {  	[sflag:s30] =	ssyncset.done $0x0  }
0x93: {  	[sflag:s30] =	ssyncadd.s32 $0xFFFFFF80  }
0x94: {  	_ =	swait.ge [sflag:s30], $0x80  }
0x95: {  	[sflag:s30] =	ssyncset.done $0x0  }
0x96: {  	[sflag:s30] =	ssyncadd.s32 $0xFFFFFF80  }
0x97: {  	[tilespmem:s31], [sflag:$0x4] =	stream.indirect.gather [hbm4b:s1+s24], $0x80, s24, s24, $0xb8;
	[tilespmem:$0x1BE80] =	vst v63  }
0x98: {  	_ =	swait.ge [sflag:s0], $0x4000  }
0x99: {  	[sflag:s0] =	ssyncset.done $0x0  }
0x9a: {  	[sflag:s0] =	ssyncadd.s32 $0xFFFFC000  }
0x9b: {  	[spmem:s3] =	stream.indirect.scatter.add.f32 [tilespmem:s26], [sflag:$0x5], $0x80, s23, s24, $0xb8;
	[tilespmem:$0x1BE80] =	vst v63  }
0x9c: {  	_ =	swait.ge [sflag:s28], $0x4000  }
0x9d: {  	[sflag:s28] =	ssyncset.done $0x0  }
0x9e: {  	[sflag:s28] =	ssyncadd.s32 $0xFFFFC000  }
0x9f: {  	_ =	swait.ge [sflag:s2], $0x4000  }
0xa0: {  	[sflag:s2] =	ssyncset.done $0x0  }
0xa1: {  	[sflag:s2] =	ssyncadd.s32 $0xFFFFC000  }
0xa2: {  	[spmem:s3] =	stream.indirect.scatter.add.f32 [tilespmem:s31], [sflag:$0x5], $0x80, s25, s24, $0xb8;
	[tilespmem:$0x1BE80] =	vst v63  }
0xa3: {  	_ =	swait.ge [sflag:s28], $0x4000  }
0xa4: {  	[sflag:s28] =	ssyncset.done $0x0  }
0xa5: {  	s10 =	rddreg [dreg:$0x9];
	[sflag:s28] =	ssyncadd.s32 $0xFFFFC000  }
0xa6: {  	[tilespmem:s4], [sflag:$0x5] =	stream.linear.gather [hbm4b:s10+s4], $0x10, $0x38;
	[tilespmem:$0x1BE80] =	vst v63  }
0xa7: {  	_ =	swait.ge [sflag:s28], $0x10  }
0xa8: {  	[sflag:s28] =	ssyncset.done $0x0  }
0xa9: {  	s13 =	rddreg [dreg:$0xa];
	[sflag:s28] =	ssyncadd.s32 $0xFFFFFFF0  }
0xaa: {  	[tilespmem:s7], [sflag:$0x5] =	stream.linear.gather [hbm4b:s13+s4], $0x10, $0x38;
	[tilespmem:$0x1BE80] =	vst v63  }
0xab: {  	_ =	swait.ge [sflag:s28], $0x10  }
0xac: {  	[sflag:s28] =	ssyncset.done $0x0  }
0xad: {  	[sflag:s28] =	ssyncadd.s32 $0xFFFFFFF0  }
0xae: {  	[tilespmem:s26], [sflag:$0x3] =	stream.indirect.gather [hbm4b:s1+s8], $0x80, s4, s8, $0xb8;
	[tilespmem:$0x1BE80] =	vst v63  }
0xaf: {  	_ =	swait.ge [sflag:s0], $0x800  }
0xb0: {  	[sflag:s0] =	ssyncset.done $0x0  }
0xb1: {  	[sflag:s0] =	ssyncadd.s32 $0xFFFFF800  }
0xb2: {  	[spmem:s3] =	stream.indirect.scatter.add.f32 [tilespmem:s26], [sflag:$0x5], $0x80, s7, s8, $0xb8;
	[tilespmem:$0x1BE80] =	vst v63  }
0xb3: {  	_ =	swait.ge [sflag:s28], $0x800  }
0xb4: {  	s14 =	stileid.u32;
	[sflag:s28] =	ssyncset.done $0x0  }
0xb5: {  	s12 =	sshrl.u32 s11, $0x3;
	s9 =	sadd.s32 $0x1, s9;
	[sflag:s28] =	ssyncadd.s32 $0xFFFFF800  }
0xb6: {  	p0 =	sne.s32 s9, s16;
	s10 =	sshll.u32 s14, $0x6;
	[bflag:$0x0] =	sbarrier.arrive $0xFFFF  }
.Ltmp2:
0xb7: {  	s10 =	sor.u32 $0x1C05, s10;
	s15 =	rddreg [dreg:$0xb];
	(pc) =	sbr.rel @p0 .LBB2_1-.Ltmp2, $4  }
0xb8: {  	[hbm:s15], [sflag:s10] =	dma.local [spmem:s12], $0x2780  }
0xb9: {  	_ =	swait.ge [sflag:s28], $0x2780  }
0xba: {  	[sflag:s28] =	ssyncset.done $0x0  }
0xbb: {  	[sflag:s28] =	ssyncadd.s32 $0xFFFFD880  }
0xbc: {  	_ =	sfence.sel $0x180000  }
0xbd: {  	[bflag:$0x0] =	sbarrier.arrive $0xFFFF  }
0xbe: {  	_ =	strace $0x90000047  }
0xbf: {  	s0 =	stileid.u32;
	[bflag:$0x2] =	sbarrier.arrive $0xFFFF  }
0xc0: {  	p0 =	sne.s32 s0, $0x0;
	s0 =	rddreg [dreg:$0x3]  }
0xc1: {  	s0 =	sadd.s32 @!p0 $0x100000, s0  }
0xc2: {  	[sflag:s0] =	ssyncadd.tile.s32 @!p0 $0x1;
	_ =	shalt  }
.Lfunc_end2:
_tile_overlayer_lowered:
.L_overlay_start_2:
0xc3: {  	(tag) =	ssettag $0x2  }
0xc4: {  	s0 =	rddreg [dreg:$0x0];
	s2 =	stileid.u32  }
0xc5: {  	s1 =	rddreg [dreg:$0x1];
	p0 =	sne.s32 s2, $0x0  }
0xc6: {  	s3 =	rddreg [dreg:$0x2];
	[bflag:$0x3] =	sbarrier.arrive $0xFFFF;
	s2 =	simm.s32 @!p0 $0x1C05  }
0xc7: {  	[timem:s3], [sflag:s2] =	dma.local @!p0 [hbm:s0], s1  }
0xc8: {  	s0 =	simm.s32 @!p0 $0x5  }
0xc9: {  	_ =	swait.ge @!p0 [sflag:s0], s1  }
0xca: {  	s1 =	ssub.s32 @!p0 $0x0, s1;
	[sflag:s0] =	ssyncset.done @!p0 $0x0  }
0xcb: {  	[sflag:s0] =	ssyncadd.s32 @!p0 s1  }
0xcc: {  	[bflag:$0x3] =	sbarrier.arrive $0xFFFF  }
0xcd: {  	_ =	shalt  }

</sc_bundles>
